<compile_context>
chip_gen: v7x
topology: tpu7x:2x2x1
jax: 0.10.2.dev20260603
libtpu: 0.0.44.dev20260713+nightly
codegen_flags: <defaults>
</compile_context>

<pallas_src>
import dataclasses
import functools

import jax
import jax.numpy as jnp
from jax import lax
from jax.experimental import pallas as pl
from jax.experimental.pallas import tpu as pltpu
from jax.experimental.pallas import tpu_sc as plsc

T = 2048
C = 768
DFF = 3072
E = 8
G = 256
GSH = 8
NB = 24
NSLOT = NB * G
NP = 2 * T
CCH = 768
NCH = DFF // CCH


def _router_body(x_ref, wr_ref, eb_ref, sel_ref, w_ref):
    x = x_ref[...]
    wr = wr_ref[...]
    logits = lax.dot_general(
        x, wr, (((1,), (1,)), ((), ())), preferred_element_type=jnp.float32)
    logits = logits + eb_ref[...]
    m1 = jnp.max(logits, axis=1, keepdims=True)
    iota = lax.broadcasted_iota(jnp.int32, logits.shape, 1)
    a1 = jnp.min(jnp.where(logits == m1, iota, E), axis=1, keepdims=True)
    lm = jnp.where(iota == a1, -jnp.inf, logits)
    m2 = jnp.max(lm, axis=1, keepdims=True)
    a2 = jnp.min(jnp.where(lm == m2, iota, E), axis=1, keepdims=True)
    e2 = jnp.exp(m2 - m1)
    den = 1.0 + e2
    rb = x.shape[0]
    sel_ref[0:1, :] = a1.reshape(1, rb)
    sel_ref[1:2, :] = a2.reshape(1, rb)
    w_ref[0:1, :] = (1.0 / den).reshape(1, rb)
    w_ref[1:2, :] = (e2 / den).reshape(1, rb)


def _router(x_flat, Wr, expert_bias):
    RB = 256
    return pl.pallas_call(
        _router_body,
        grid=(T // RB,),
        in_specs=[
            pl.BlockSpec((RB, C), lambda i: (i, 0)),
            pl.BlockSpec((E, C), lambda i: (0, 0)),
            pl.BlockSpec((1, E), lambda i: (0, 0)),
        ],
        out_specs=[
            pl.BlockSpec((2, RB), lambda i: (0, i)),
            pl.BlockSpec((2, RB), lambda i: (0, i)),
        ],
        out_shape=[
            jax.ShapeDtypeStruct((2, T), jnp.int32),
            jax.ShapeDtypeStruct((2, T), jnp.float32),
        ],
    )(x_flat, Wr, expert_bias.reshape(1, E))


_VMESH = dict(core_axis_name="c", subcore_axis_name="s")

_SC_PARAMS = pltpu.CompilerParams()
if "needs_layout_passes" in pltpu.CompilerParams.__dataclass_fields__:
    _SC_PARAMS = dataclasses.replace(_SC_PARAMS, needs_layout_passes=False)


def _gath16(arr, idx):
    return lax.gather(
        arr, idx.reshape(16, 1),
        lax.GatherDimensionNumbers(
            offset_dims=(), collapsed_slice_dims=(0,), start_index_map=(0,)),
        (1,), mode=lax.GatherScatterMode.PROMISE_IN_BOUNDS)


def _build_body(sel_hbm, w_hbm, order_hbm, gate_hbm, inv_hbm, meta_hbm,
                selv, wv, orderv, gatev, invv, metav, cntv,
                basev_ref, sem):
    wid = lax.axis_index("s") * 2 + lax.axis_index("c")

    @pl.when(wid == 0)
    def _():
        pltpu.async_copy(sel_hbm, selv, sem).wait()
        pltpu.async_copy(w_hbm, wv, sem).wait()

        zi = jnp.zeros((16,), jnp.int32)
        zf = jnp.zeros((16,), jnp.float32)
        it16 = lax.iota(jnp.int32, 16)
        prv = jnp.maximum(it16 - 1, 0)
        nxt = jnp.minimum(it16 + 1, 15)

        @pl.loop(0, NSLOT // 16)
        def _(i):
            orderv[pl.ds(i * 16, 16)] = zi
            gatev[pl.ds(i * 16, 16)] = zf

        cntv[...] = zi

        @pl.loop(0, NP // 16)
        def _(i):
            sv = selv[pl.ds(i * 16, 16)]
            sk, _unused = plsc.sort_key_val(sv, it16)
            newseg = jnp.logical_or(it16 == 0, sk != _gath16(sk, prv))
            segstart = plsc.cummax(jnp.where(newseg, it16, 0))
            rank = it16 - segstart
            segend = jnp.logical_or(it16 == 15, sk != _gath16(sk, nxt))
            plsc.addupdate_scatter(cntv, [sk], rank + 1, mask=segend)

        cnt = cntv[...]
        nbe = jnp.right_shift(cnt + (G - 1), GSH)
        sizes = nbe * G
        offs_vec = plsc.cumsum(sizes) - sizes
        bs_vec = jnp.right_shift(offs_vec, GSH)
        basev_ref[...] = offs_vec
        nb = jnp.sum(nbe)

        for v in range(3):
            bvec = it16 + v * 16
            bcl = jnp.minimum(bvec, nb - 1)
            cntacc = zi
            for e in range(E):
                bs_e = jnp.sum(jnp.where(it16 == e, bs_vec, 0))
                cntacc = cntacc + (bcl >= bs_e).astype(jnp.int32)
            metav[pl.ds(v * 16, 16)] = cntacc - 1
        metav[pl.ds(48, 16)] = jnp.full((16,), 0, jnp.int32) + nb

        @pl.loop(0, NP // 16)
        def _(i):
            sv = selv[pl.ds(i * 16, 16)]
            gv = wv[pl.ds(i * 16, 16)]
            sk, sv2 = plsc.sort_key_val(sv, it16)
            newseg = jnp.logical_or(it16 == 0, sk != _gath16(sk, prv))
            segstart = plsc.cummax(jnp.where(newseg, it16, 0))
            rank = it16 - segstart
            segend = jnp.logical_or(it16 == 15, sk != _gath16(sk, nxt))
            pos = plsc.load_gather(basev_ref, [sk]) + rank
            plsc.store_scatter(basev_ref, [sk], pos + 1, mask=segend)
            tok = (i * 16 + sv2) & (T - 1)
            plsc.store_scatter(orderv, [pos], tok)
            plsc.store_scatter(gatev, [pos], _gath16(gv, sv2))
            plsc.store_scatter(invv, [i * 16 + sv2], pos)

        pltpu.async_copy(orderv, order_hbm, sem).wait()
        pltpu.async_copy(gatev, gate_hbm, sem).wait()
        pltpu.async_copy(invv, inv_hbm, sem).wait()
        pltpu.async_copy(metav, meta_hbm, sem).wait()


def _build(sel_flat, w_flat):
    return pl.kernel(
        _build_body,
        out_type=(
            jax.ShapeDtypeStruct((NSLOT,), jnp.int32),
            jax.ShapeDtypeStruct((NSLOT,), jnp.float32),
            jax.ShapeDtypeStruct((NP,), jnp.int32),
            jax.ShapeDtypeStruct((64,), jnp.int32),
        ),
        mesh=plsc.VectorSubcoreMesh(**_VMESH),
        scratch_types=[
            pltpu.VMEM((NP,), jnp.int32),
            pltpu.VMEM((NP,), jnp.float32),
            pltpu.VMEM((NSLOT,), jnp.int32),
            pltpu.VMEM((NSLOT,), jnp.float32),
            pltpu.VMEM((NP,), jnp.int32),
            pltpu.VMEM((64,), jnp.int32),
            pltpu.VMEM((16,), jnp.int32),
            pltpu.VMEM((16,), jnp.int32),
            pltpu.SemaphoreType.DMA,
        ],
        compiler_params=_SC_PARAMS,
    )(sel_flat, w_flat)


def _combine_body(inv_hbm, yg_hbm, sh_hbm, out_hbm, idx0, idx1, acc, buf,
                  sem, gsem):
    wid = lax.axis_index("s") * 2 + lax.axis_index("c")
    n = T // 32
    base = wid * n
    pltpu.async_copy(inv_hbm.at[pl.ds(base, n)], idx0, sem).wait()
    pltpu.async_copy(inv_hbm.at[pl.ds(T + base, n)], idx1, sem).wait()
    dsh = pltpu.async_copy(sh_hbm.at[pl.ds(base, n)], acc, sem)
    d0 = pltpu.async_copy(yg_hbm.at[idx0], buf, gsem)
    dsh.wait()
    d0.wait()

    @pl.loop(0, n)
    def _(r):
        for cc in range(C // 16):
            sl = pl.ds(cc * 16, 16)
            acc[r, sl] = acc[r, sl] + buf[r, sl]

    pltpu.async_copy(yg_hbm.at[idx1], buf, gsem).wait()

    @pl.loop(0, n)
    def _(r):
        for cc in range(C // 16):
            sl = pl.ds(cc * 16, 16)
            acc[r, sl] = acc[r, sl] + buf[r, sl]

    pltpu.async_copy(acc, out_hbm.at[pl.ds(base, n)], sem).wait()


def _combine(inv, yg, sh):
    n = T // 32
    return pl.kernel(
        _combine_body,
        out_type=jax.ShapeDtypeStruct((T, C), jnp.float32),
        mesh=plsc.VectorSubcoreMesh(**_VMESH),
        scratch_types=[
            pltpu.VMEM((n,), jnp.int32),
            pltpu.VMEM((n,), jnp.int32),
            pltpu.VMEM((n, C), jnp.float32),
            pltpu.VMEM((n, C), jnp.float32),
            pltpu.SemaphoreType.DMA,
            pltpu.SemaphoreType.DMA,
        ],
    )(inv, yg, sh)


def _shared_body(x_ref, w1_ref, b1_ref, w2_ref, b2_ref, out_ref, acc_ref):
    c = pl.program_id(0)

    @pl.when(c == 0)
    def _():
        acc_ref[...] = jnp.zeros_like(acc_ref)

    x = x_ref[...]
    w1 = w1_ref[...].astype(jnp.bfloat16)
    h = lax.dot_general(
        x, w1, (((1,), (1,)), ((), ())), preferred_element_type=jnp.float32)
    h = jnp.maximum(h + b1_ref[0], 0.0)
    hb = h.astype(jnp.bfloat16)
    w2 = w2_ref[...].astype(jnp.bfloat16)
    acc_ref[...] += lax.dot_general(
        hb, w2, (((1,), (1,)), ((), ())), preferred_element_type=jnp.float32)

    @pl.when(c == NCH - 1)
    def _():
        out_ref[...] = acc_ref[...] + b2_ref[...]


def _shared(x_bf, sW1, sb1, sW2, sb2):
    return pl.pallas_call(
        _shared_body,
        grid=(NCH,),
        in_specs=[
            pl.BlockSpec((T, C), lambda c: (0, 0)),
            pl.BlockSpec((CCH, C), lambda c: (c, 0)),
            pl.BlockSpec((1, 1, CCH), lambda c: (c, 0, 0)),
            pl.BlockSpec((C, CCH), lambda c: (0, c)),
            pl.BlockSpec((1, C), lambda c: (0, 0)),
        ],
        out_specs=pl.BlockSpec((T, C), lambda c: (0, 0)),
        out_shape=jax.ShapeDtypeStruct((T, C), jnp.float32),
        scratch_shapes=[pltpu.VMEM((T, C), jnp.float32)],
    )(x_bf, sW1.reshape(DFF, C), sb1.reshape(NCH, 1, CCH),
      sW2.reshape(C, DFF), sb2.reshape(1, C))


def _grouped_body(be_ref, nb_ref, x_ref, ord_ref, w1_ref, b1_ref, w2_ref,
                  b2_ref, g_ref, yg_ref):
    b = pl.program_id(0)

    @pl.when(b < nb_ref[0])
    def _():
        ordc = ord_ref[0].reshape(-1, 1)
        tok = lax.broadcasted_iota(jnp.int32, (G, T), 1)
        P = (tok == ordc).astype(jnp.bfloat16)
        x = lax.dot_general(
            P, x_ref[...], (((1,), (0,)), ((), ())),
            preferred_element_type=jnp.float32).astype(jnp.bfloat16)
        w1 = w1_ref[0].astype(jnp.bfloat16)
        h = lax.dot_general(
            x, w1, (((1,), (1,)), ((), ())), preferred_element_type=jnp.float32)
        h = jnp.maximum(h + b1_ref[0], 0.0)
        hb = h.astype(jnp.bfloat16)
        w2 = w2_ref[0].astype(jnp.bfloat16)
        y = lax.dot_general(
            hb, w2, (((1,), (1,)), ((), ())), preferred_element_type=jnp.float32)
        y = y + b2_ref[0]
        g = g_ref[0].reshape(-1, 1)
        yg_ref[...] = g * y


def _grouped(be, nb, x_bf, order3, rW1, rb1, rW2, rb2, g3):
    grid_spec = pltpu.PrefetchScalarGridSpec(
        num_scalar_prefetch=2,
        grid=(NB,),
        in_specs=[
            pl.BlockSpec((T, C), lambda b, be, nb: (0, 0)),
            pl.BlockSpec((1, 1, G), lambda b, be, nb: (b, 0, 0)),
            pl.BlockSpec((1, DFF, C), lambda b, be, nb: (be[b], 0, 0)),
            pl.BlockSpec((1, 1, DFF), lambda b, be, nb: (be[b], 0, 0)),
            pl.BlockSpec((1, C, DFF), lambda b, be, nb: (be[b], 0, 0)),
            pl.BlockSpec((1, 1, C), lambda b, be, nb: (be[b], 0, 0)),
            pl.BlockSpec((1, 1, G), lambda b, be, nb: (b, 0, 0)),
        ],
        out_specs=pl.BlockSpec((G, C), lambda b, be, nb: (b, 0)),
    )
    return pl.pallas_call(
        _grouped_body,
        grid_spec=grid_spec,
        out_shape=jax.ShapeDtypeStruct((NSLOT, C), jnp.float32),
        compiler_params=pltpu.CompilerParams(
            vmem_limit_bytes=60 * 1024 * 1024),
    )(be, nb, x_bf, order3, rW1, rb1.reshape(E, 1, DFF), rW2,
      rb2.reshape(E, 1, C), g3)


def kernel(x, sW1, sb1, sW2, sb2, rW1, rb1, rW2, rb2, Wr, expert_bias):
    B = x.shape[0]
    x_flat = x.reshape(T, C)
    x_bf = x_flat.astype(jnp.bfloat16)

    sel2, w2 = _router(x_flat, Wr, expert_bias)
    order, gatep, inv, meta = _build(sel2.reshape(NP), w2.reshape(NP))

    sh = _shared(x_bf, sW1, sb1, sW2, sb2)
    g3 = gatep.reshape(NB, 1, G)
    order3 = order.reshape(NB, 1, G)
    yg = _grouped(meta[:NB], meta[48:49], x_bf, order3, rW1, rb1, rW2, rb2,
                  g3)
    out = _combine(inv, yg, sh)
    return out.reshape(B, T, C)

# --- scband reference (transcript-rebuilt; emitter-appended) ---
"""Pipeline reference for scband-deep-seek-mo-e-60601988547207 (READ-ONLY COPY).

The authoritative reference and input builder live on the scoring server;
editing this copy changes nothing except your own understanding.
"""

import jax, jax.numpy as jnp
import numpy as np

B, T, N_EMBD = 1, 2048, 768
D_FF = 4 * N_EMBD
NUM_EXPERTS = 8
TOP_K = 2
NUM_SHARED = 1


def setup_inputs(seed: int = 0) -> dict:
    key = jax.random.key(seed)
    ks = jax.random.split(key, 12)
    x = jax.random.normal(ks[0], (B, T, N_EMBD), dtype=jnp.float32)
    # Shared expert params (torch nn.Linear layout: W[out, in])
    sW1 = jax.random.normal(ks[1], (NUM_SHARED, D_FF, N_EMBD), dtype=jnp.float32) * 0.02
    sb1 = jnp.zeros((NUM_SHARED, D_FF), dtype=jnp.float32)
    sW2 = jax.random.normal(ks[2], (NUM_SHARED, N_EMBD, D_FF), dtype=jnp.float32) * 0.02
    sb2 = jnp.zeros((NUM_SHARED, N_EMBD), dtype=jnp.float32)
    # Routed expert params
    rW1 = jax.random.normal(ks[3], (NUM_EXPERTS, D_FF, N_EMBD), dtype=jnp.float32) * 0.02
    rb1 = jnp.zeros((NUM_EXPERTS, D_FF), dtype=jnp.float32)
    rW2 = jax.random.normal(ks[4], (NUM_EXPERTS, N_EMBD, D_FF), dtype=jnp.float32) * 0.02
    rb2 = jnp.zeros((NUM_EXPERTS, N_EMBD), dtype=jnp.float32)
    # Router (no bias) + learnable expert bias for aux-less load balancing
    Wr = jax.random.normal(ks[5], (NUM_EXPERTS, N_EMBD), dtype=jnp.float32) * 0.02
    expert_bias = jnp.zeros((NUM_EXPERTS,), dtype=jnp.float32)
    return {
        'x': x,
        'sW1': sW1, 'sb1': sb1, 'sW2': sW2, 'sb2': sb2,
        'rW1': rW1, 'rb1': rb1, 'rW2': rW2, 'rb2': rb2,
        'Wr': Wr, 'expert_bias': expert_bias,
    }


def _expert_ffn(x, W1, b1, W2, b2):
    # nn.Linear -> ReLU -> nn.Linear (dropout is identity in eval)
    h = jnp.maximum(x @ W1.T + b1, 0.0)
    return h @ W2.T + b2


def reference(x, sW1, sb1, sW2, sb2, rW1, rb1, rW2, rb2, Wr, expert_bias):
    Bb, Tt, C = x.shape
    x_flat = x.reshape(-1, C)

    # Shared experts: always active
    shared_output = jnp.zeros_like(x_flat)
    for s in range(sW1.shape[0]):
        shared_output = shared_output + _expert_ffn(x_flat, sW1[s], sb1[s], sW2[s], sb2[s])

    # Router logits with bias-based (aux-less) balancing
    router_logits = x_flat @ Wr.T + expert_bias
    routing_weights, selected_experts = jax.lax.top_k(router_logits, TOP_K)
    routing_weights = jax.nn.softmax(routing_weights.astype(jnp.float32), axis=-1).astype(x.dtype)

    # Routed experts: compute each expert densely, mask by selection
    routed_output = jnp.zeros_like(x_flat)
    for i in range(rW1.shape[0]):
        out_i = _expert_ffn(x_flat, rW1[i], rb1[i], rW2[i], rb2[i])
        gate_i = jnp.sum(jnp.where(selected_experts == i, routing_weights, 0.0), axis=-1)
        routed_output = routed_output + gate_i[:, None] * out_i

    final_output = shared_output + routed_output
    return final_output.reshape(Bb, Tt, C)

if __name__ == "__main__":
    import jax
    _d = setup_inputs()
    print(jax.jit(kernel)(*tuple(_d.values())))

</pallas_src>

<mosaic_0001>
#map = affine_map<(d0, d1) -> (0)>
#map1 = affine_map<(d0, d1) -> (0, 0)>
module attributes {stable_mosaic.version = 14 : i64} {
  func.func @_combine_body(%arg0: i32, %arg1: i32, %arg2: memref<4096xi32, #tpu.memory_space<hbm>>, %arg3: memref<6144x768xf32, #tpu.memory_space<hbm>>, %arg4: memref<2048x768xf32, #tpu.memory_space<hbm>>, %arg5: memref<2048x768xf32, #tpu.memory_space<hbm>>, %arg6: memref<64xi32, #tpu.memory_space<vmem>>, %arg7: memref<64xi32, #tpu.memory_space<vmem>>, %arg8: memref<64x768xf32, #tpu.memory_space<vmem>>, %arg9: memref<64x768xf32, #tpu.memory_space<vmem>>, %arg10: memref<!tpu.dma_semaphore, #tpu.memory_space<semaphore_mem>>, %arg11: memref<!tpu.dma_semaphore, #tpu.memory_space<semaphore_mem>>) attributes {dimension_semantics = [#tpu.dimension_semantics<core_parallel>, #tpu.dimension_semantics<subcore_parallel>], iteration_bounds = array<i64: 2, 16>, scalar_prefetch = 0 : i64, scratch_operands = 6 : i64, tpu.core_type = #tpu.core_type<sc_vector_subcore>, window_params = [{transform_indices = #map}, {transform_indices = #map1}, {transform_indices = #map1}, {transform_indices = #map1}]} {
    %mul3A = arith.constant 2 : i32
    %mul3A_0 = arith.muli %arg1, %mul3A : i32
    %add3A = arith.addi %mul3A_0, %arg0 : i32
    %mul3A_1 = arith.constant 64 : i32
    %mul3A_2 = arith.muli %add3A, %mul3A_1 : i32
    %dma_start3A = tpu.memref_slice %arg2[%mul3A_2] : memref<4096xi32, #tpu.memory_space<hbm>> -> memref<64xi32, #tpu.memory_space<hbm>>
    %dma_start3A_3 = tpu.memref_slice %arg2[%mul3A_2] : memref<4096xi32, #tpu.memory_space<hbm>> -> memref<64xi32, #tpu.memory_space<hbm>>
    tpu.enqueue_dma source(%dma_start3A_3 : memref<64xi32, #tpu.memory_space<hbm>>) target(%arg6 : memref<64xi32, #tpu.memory_space<vmem>>) target_semaphore(%arg10 : memref<!tpu.dma_semaphore, #tpu.memory_space<semaphore_mem>>)
    %dma_wait3A = tpu.memref_slice %arg2[%mul3A_2] : memref<4096xi32, #tpu.memory_space<hbm>> -> memref<64xi32, #tpu.memory_space<hbm>>
    %dma_wait3A_4 = tpu.memref_slice %arg2[%mul3A_2] : memref<4096xi32, #tpu.memory_space<hbm>> -> memref<64xi32, #tpu.memory_space<hbm>>
    tpu.wait_dma2 semaphore(%arg10 : memref<!tpu.dma_semaphore, #tpu.memory_space<semaphore_mem>>) src(%dma_wait3A_4 : memref<64xi32, #tpu.memory_space<hbm>>) dst(%arg6 : memref<64xi32, #tpu.memory_space<vmem>>)
    %add3A_5 = arith.constant 2048 : i32
    %add3A_6 = arith.addi %add3A_5, %mul3A_2 : i32
    %dma_start3A_7 = tpu.memref_slice %arg2[%add3A_6] : memref<4096xi32, #tpu.memory_space<hbm>> -> memref<64xi32, #tpu.memory_space<hbm>>
    %dma_start3A_8 = tpu.memref_slice %arg2[%add3A_6] : memref<4096xi32, #tpu.memory_space<hbm>> -> memref<64xi32, #tpu.memory_space<hbm>>
    tpu.enqueue_dma source(%dma_start3A_8 : memref<64xi32, #tpu.memory_space<hbm>>) target(%arg7 : memref<64xi32, #tpu.memory_space<vmem>>) target_semaphore(%arg10 : memref<!tpu.dma_semaphore, #tpu.memory_space<semaphore_mem>>)
    %dma_wait3A_9 = tpu.memref_slice %arg2[%add3A_6] : memref<4096xi32, #tpu.memory_space<hbm>> -> memref<64xi32, #tpu.memory_space<hbm>>
    %dma_wait3A_10 = tpu.memref_slice %arg2[%add3A_6] : memref<4096xi32, #tpu.memory_space<hbm>> -> memref<64xi32, #tpu.memory_space<hbm>>
    tpu.wait_dma2 semaphore(%arg10 : memref<!tpu.dma_semaphore, #tpu.memory_space<semaphore_mem>>) src(%dma_wait3A_10 : memref<64xi32, #tpu.memory_space<hbm>>) dst(%arg7 : memref<64xi32, #tpu.memory_space<vmem>>)
    %dma_start3A_11 = arith.constant 0 : i32
    %dma_start3A_12 = tpu.memref_slice %arg4[%mul3A_2, %dma_start3A_11] : memref<2048x768xf32, #tpu.memory_space<hbm>> -> memref<64x768xf32, #tpu.memory_space<hbm>>
    %dma_start3A_13 = arith.constant 0 : i32
    %dma_start3A_14 = tpu.memref_slice %arg4[%mul3A_2, %dma_start3A_13] : memref<2048x768xf32, #tpu.memory_space<hbm>> -> memref<64x768xf32, #tpu.memory_space<hbm>>
    tpu.enqueue_dma source(%dma_start3A_14 : memref<64x768xf32, #tpu.memory_space<hbm>>) target(%arg8 : memref<64x768xf32, #tpu.memory_space<vmem>>) target_semaphore(%arg10 : memref<!tpu.dma_semaphore, #tpu.memory_space<semaphore_mem>>)
    %dma_start3A_15 = arith.constant 0 : i32
    %dma_start3A_16 = arith.constant 0 : i32
    %dma_start3A_17 = tpu.memref_slice %arg3[%dma_start3A_15, %dma_start3A_16] : memref<6144x768xf32, #tpu.memory_space<hbm>> -> memref<6144x768xf32, #tpu.memory_space<hbm>>
    tpu.enqueue_indirect_dma source(%dma_start3A_17 : memref<6144x768xf32, #tpu.memory_space<hbm>>) target(%arg9 : memref<64x768xf32, #tpu.memory_space<vmem>>) offsets(%arg6 : memref<64xi32, #tpu.memory_space<vmem>>) semaphore(%arg11 : memref<!tpu.dma_semaphore, #tpu.memory_space<semaphore_mem>>)
    %dma_wait3A_18 = arith.constant 0 : i32
    %dma_wait3A_19 = tpu.memref_slice %arg4[%mul3A_2, %dma_wait3A_18] : memref<2048x768xf32, #tpu.memory_space<hbm>> -> memref<64x768xf32, #tpu.memory_space<hbm>>
    %dma_wait3A_20 = arith.constant 0 : i32
    %dma_wait3A_21 = tpu.memref_slice %arg4[%mul3A_2, %dma_wait3A_20] : memref<2048x768xf32, #tpu.memory_space<hbm>> -> memref<64x768xf32, #tpu.memory_space<hbm>>
    tpu.wait_dma2 semaphore(%arg10 : memref<!tpu.dma_semaphore, #tpu.memory_space<semaphore_mem>>) src(%dma_wait3A_21 : memref<64x768xf32, #tpu.memory_space<hbm>>) dst(%arg8 : memref<64x768xf32, #tpu.memory_space<vmem>>)
    %dma_wait3A_22 = arith.constant 0 : i32
    %dma_wait3A_23 = arith.constant 0 : i32
    %dma_wait3A_24 = tpu.memref_slice %arg3[%dma_wait3A_22, %dma_wait3A_23] : memref<6144x768xf32, #tpu.memory_space<hbm>> -> memref<6144x768xf32, #tpu.memory_space<hbm>>
    tpu.wait_indirect_dma semaphore(%arg11 : memref<!tpu.dma_semaphore, #tpu.memory_space<semaphore_mem>>) src(%dma_wait3A_24 : memref<6144x768xf32, #tpu.memory_space<hbm>>) dst(%arg9 : memref<64x768xf32, #tpu.memory_space<vmem>>)
    %scan3A = arith.constant 0 : i32
    %scan3A_25 = arith.constant 64 : i32
    %scan3A_26 = arith.addi %scan3A, %scan3A_25 : i32
    %scan3A_27 = arith.constant 1 : i32
    scf.for %scan3A_48 = %scan3A to %scan3A_26 step %scan3A_27  : i32 {
      %mul3A_49 = arith.constant 1 : i32
      %mul3A_50 = arith.muli %scan3A_48, %mul3A_49 : i32
      %add3A_51 = arith.constant 0 : i32
      %add3A_52 = arith.addi %add3A_51, %mul3A_50 : i32
      %get3A = arith.index_cast %add3A_52 : i32 to index
      %get3A_53 = arith.constant 0 : index
      %get3A_54 = tpu.vector_load %arg8[%get3A, %get3A_53] {strides = array<i32>} : memref<64x768xf32, #tpu.memory_space<vmem>>, vector<1x16xf32>,
      %get3A_55 = vector.shape_cast %get3A_54 : vector<1x16xf32> to vector<16xf32>
      %get3A_56 = arith.index_cast %add3A_52 : i32 to index
      %get3A_57 = arith.constant 0 : index
      %get3A_58 = tpu.vector_load %arg9[%get3A_56, %get3A_57] {strides = array<i32>} : memref<64x768xf32, #tpu.memory_space<vmem>>, vector<1x16xf32>,
      %get3A_59 = vector.shape_cast %get3A_58 : vector<1x16xf32> to vector<16xf32>
      %add3A_60 = arith.addf %get3A_55, %get3A_59 : vector<16xf32>
      %swap3A = arith.index_cast %add3A_52 : i32 to index
      %swap3A_61 = arith.constant 0 : index
      %swap3A_62 = tpu.vector_load %arg8[%swap3A, %swap3A_61] {strides = array<i32>} : memref<64x768xf32, #tpu.memory_space<vmem>>, vector<1x16xf32>,
      %swap3A_63 = vector.shape_cast %swap3A_62 : vector<1x16xf32> to vector<16xf32>
      %swap3A_64 = vector.shape_cast %add3A_60 : vector<16xf32> to vector<1x16xf32>
      tpu.vector_store %arg8[%swap3A, %swap3A_61], %swap3A_64 {strides = array<i32>} : memref<64x768xf32, #tpu.memory_space<vmem>>, vector<1x16xf32>,
      %get3A_65 = arith.index_cast %add3A_52 : i32 to index
      %get3A_66 = arith.constant 16 : index
      %get3A_67 = tpu.vector_load %arg8[%get3A_65, %get3A_66] {strides = array<i32>} : memref<64x768xf32, #tpu.memory_space<vmem>>, vector<1x16xf32>,
      %get3A_68 = vector.shape_cast %get3A_67 : vector<1x16xf32> to vector<16xf32>
      %get3A_69 = arith.index_cast %add3A_52 : i32 to index
      %get3A_70 = arith.constant 16 : index
      %get3A_71 = tpu.vector_load %arg9[%get3A_69, %get3A_70] {strides = array<i32>} : memref<64x768xf32, #tpu.memory_space<vmem>>, vector<1x16xf32>,
      %get3A_72 = vector.shape_cast %get3A_71 : vector<1x16xf32> to vector<16xf32>
      %add3A_73 = arith.addf %get3A_68, %get3A_72 : vector<16xf32>
      %swap3A_74 = arith.index_cast %add3A_52 : i32 to index
      %swap3A_75 = arith.constant 16 : index
      %swap3A_76 = tpu.vector_load %arg8[%swap3A_74, %swap3A_75] {strides = array<i32>} : memref<64x768xf32, #tpu.memory_space<vmem>>, vector<1x16xf32>,
      %swap3A_77 = vector.shape_cast %swap3A_76 : vector<1x16xf32> to vector<16xf32>
      %swap3A_78 = vector.shape_cast %add3A_73 : vector<16xf32> to vector<1x16xf32>
      tpu.vector_store %arg8[%swap3A_74, %swap3A_75], %swap3A_78 {strides = array<i32>} : memref<64x768xf32, #tpu.memory_space<vmem>>, vector<1x16xf32>,
      %get3A_79 = arith.index_cast %add3A_52 : i32 to index
      %get3A_80 = arith.constant 32 : index
      %get3A_81 = tpu.vector_load %arg8[%get3A_79, %get3A_80] {strides = array<i32>} : memref<64x768xf32, #tpu.memory_space<vmem>>, vector<1x16xf32>,
      %get3A_82 = vector.shape_cast %get3A_81 : vector<1x16xf32> to vector<16xf32>
      %get3A_83 = arith.index_cast %add3A_52 : i32 to index
      %get3A_84 = arith.constant 32 : index
      %get3A_85 = tpu.vector_load %arg9[%get3A_83, %get3A_84] {strides = array<i32>} : memref<64x768xf32, #tpu.memory_space<vmem>>, vector<1x16xf32>,
      %get3A_86 = vector.shape_cast %get3A_85 : vector<1x16xf32> to vector<16xf32>
      %add3A_87 = arith.addf %get3A_82, %get3A_86 : vector<16xf32>
      %swap3A_88 = arith.index_cast %add3A_52 : i32 to index
      %swap3A_89 = arith.constant 32 : index
      %swap3A_90 = tpu.vector_load %arg8[%swap3A_88, %swap3A_89] {strides = array<i32>} : memref<64x768xf32, #tpu.memory_space<vmem>>, vector<1x16xf32>,
      %swap3A_91 = vector.shape_cast %swap3A_90 : vector<1x16xf32> to vector<16xf32>
      %swap3A_92 = vector.shape_cast %add3A_87 : vector<16xf32> to vector<1x16xf32>
      tpu.vector_store %arg8[%swap3A_88, %swap3A_89], %swap3A_92 {strides = array<i32>} : memref<64x768xf32, #tpu.memory_space<vmem>>, vector<1x16xf32>,
      %get3A_93 = arith.index_cast %add3A_52 : i32 to index
      %get3A_94 = arith.constant 48 : index
      %get3A_95 = tpu.vector_load %arg8[%get3A_93, %get3A_94] {strides = array<i32>} : memref<64x768xf32, #tpu.memory_space<vmem>>, vector<1x16xf32>,
      %get3A_96 = vector.shape_cast %get3A_95 : vector<1x16xf32> to vector<16xf32>
      %get3A_97 = arith.index_cast %add3A_52 : i32 to index
      %get3A_98 = arith.constant 48 : index
      %get3A_99 = tpu.vector_load %arg9[%get3A_97, %get3A_98] {strides = array<i32>} : memref<64x768xf32, #tpu.memory_space<vmem>>, vector<1x16xf32>,
      %get3A_100 = vector.shape_cast %get3A_99 : vector<1x16xf32> to vector<16xf32>
      %add3A_101 = arith.addf %get3A_96, %get3A_100 : vector<16xf32>
      %swap3A_102 = arith.index_cast %add3A_52 : i32 to index
      %swap3A_103 = arith.constant 48 : index
      %swap3A_104 = tpu.vector_load %arg8[%swap3A_102, %swap3A_103] {strides = array<i32>} : memref<64x768xf32, #tpu.memory_space<vmem>>, vector<1x16xf32>,
      %swap3A_105 = vector.shape_cast %swap3A_104 : vector<1x16xf32> to vector<16xf32>
      %swap3A_106 = vector.shape_cast %add3A_101 : vector<16xf32> to vector<1x16xf32>
      tpu.vector_store %arg8[%swap3A_102, %swap3A_103], %swap3A_106 {strides = array<i32>} : memref<64x768xf32, #tpu.memory_space<vmem>>, vector<1x16xf32>,
      %get3A_107 = arith.index_cast %add3A_52 : i32 to index
      %get3A_108 = arith.constant 64 : index
      %get3A_109 = tpu.vector_load %arg8[%get3A_107, %get3A_108] {strides = array<i32>} : memref<64x768xf32, #tpu.memory_space<vmem>>, vector<1x16xf32>,
      %get3A_110 = vector.shape_cast %get3A_109 : vector<1x16xf32> to vector<16xf32>
      %get3A_111 = arith.index_cast %add3A_52 : i32 to index
      %get3A_112 = arith.constant 64 : index
      %get3A_113 = tpu.vector_load %arg9[%get3A_111, %get3A_112] {strides = array<i32>} : memref<64x768xf32, #tpu.memory_space<vmem>>, vector<1x16xf32>,
      %get3A_114 = vector.shape_cast %get3A_113 : vector<1x16xf32> to vector<16xf32>
      %add3A_115 = arith.addf %get3A_110, %get3A_114 : vector<16xf32>
      %swap3A_116 = arith.index_cast %add3A_52 : i32 to index
      %swap3A_117 = arith.constant 64 : index
      %swap3A_118 = tpu.vector_load %arg8[%swap3A_116, %swap3A_117] {strides = array<i32>} : memref<64x768xf32, #tpu.memory_space<vmem>>, vector<1x16xf32>,
      %swap3A_119 = vector.shape_cast %swap3A_118 : vector<1x16xf32> to vector<16xf32>
      %swap3A_120 = vector.shape_cast %add3A_115 : vector<16xf32> to vector<1x16xf32>
      tpu.vector_store %arg8[%swap3A_116, %swap3A_117], %swap3A_120 {strides = array<i32>} : memref<64x768xf32, #tpu.memory_space<vmem>>, vector<1x16xf32>,
      %get3A_121 = arith.index_cast %add3A_52 : i32 to index
      %get3A_122 = arith.constant 80 : index
      %get3A_123 = tpu.vector_load %arg8[%get3A_121, %get3A_122] {strides = array<i32>} : memref<64x768xf32, #tpu.memory_space<vmem>>, vector<1x16xf32>,
      %get3A_124 = vector.shape_cast %get3A_123 : vector<1x16xf32> to vector<16xf32>
      %get3A_125 = arith.index_cast %add3A_52 : i32 to index
      %get3A_126 = arith.constant 80 : index
      %get3A_127 = tpu.vector_load %arg9[%get3A_125, %get3A_126] {strides = array<i32>} : memref<64x768xf32, #tpu.memory_space<vmem>>, vector<1x16xf32>,
      %get3A_128 = vector.shape_cast %get3A_127 : vector<1x16xf32> to vector<16xf32>
      %add3A_129 = arith.addf %get3A_124, %get3A_128 : vector<16xf32>
      %swap3A_130 = arith.index_cast %add3A_52 : i32 to index
      %swap3A_131 = arith.constant 80 : index
      %swap3A_132 = tpu.vector_load %arg8[%swap3A_130, %swap3A_131] {strides = array<i32>} : memref<64x768xf32, #tpu.memory_space<vmem>>, vector<1x16xf32>,
      %swap3A_133 = vector.shape_cast %swap3A_132 : vector<1x16xf32> to vector<16xf32>
      %swap3A_134 = vector.shape_cast %add3A_129 : vector<16xf32> to vector<1x16xf32>
      tpu.vector_store %arg8[%swap3A_130, %swap3A_131], %swap3A_134 {strides = array<i32>} : memref<64x768xf32, #tpu.memory_space<vmem>>, vector<1x16xf32>,
      %get3A_135 = arith.index_cast %add3A_52 : i32 to index
      %get3A_136 = arith.constant 96 : index
      %get3A_137 = tpu.vector_load %arg8[%get3A_135, %get3A_136] {strides = array<i32>} : memref<64x768xf32, #tpu.memory_space<vmem>>, vector<1x16xf32>,
      %get3A_138 = vector.shape_cast %get3A_137 : vector<1x16xf32> to vector<16xf32>
      %get3A_139 = arith.index_cast %add3A_52 : i32 to index
      %get3A_140 = arith.constant 96 : index
      %get3A_141 = tpu.vector_load %arg9[%get3A_139, %get3A_140] {strides = array<i32>} : memref<64x768xf32, #tpu.memory_space<vmem>>, vector<1x16xf32>,
      %get3A_142 = vector.shape_cast %get3A_141 : vector<1x16xf32> to vector<16xf32>
      %add3A_143 = arith.addf %get3A_138, %get3A_142 : vector<16xf32>
      %swap3A_144 = arith.index_cast %add3A_52 : i32 to index
      %swap3A_145 = arith.constant 96 : index
      %swap3A_146 = tpu.vector_load %arg8[%swap3A_144, %swap3A_145] {strides = array<i32>} : memref<64x768xf32, #tpu.memory_space<vmem>>, vector<1x16xf32>,
      %swap3A_147 = vector.shape_cast %swap3A_146 : vector<1x16xf32> to vector<16xf32>
      %swap3A_148 = vector.shape_cast %add3A_143 : vector<16xf32> to vector<1x16xf32>
      tpu.vector_store %arg8[%swap3A_144, %swap3A_145], %swap3A_148 {strides = array<i32>} : memref<64x768xf32, #tpu.memory_space<vmem>>, vector<1x16xf32>,
      %get3A_149 = arith.index_cast %add3A_52 : i32 to index
      %get3A_150 = arith.constant 112 : index
      %get3A_151 = tpu.vector_load %arg8[%get3A_149, %get3A_150] {strides = array<i32>} : memref<64x768xf32, #tpu.memory_space<vmem>>, vector<1x16xf32>,
      %get3A_152 = vector.shape_cast %get3A_151 : vector<1x16xf32> to vector<16xf32>
      %get3A_153 = arith.index_cast %add3A_52 : i32 to index
      %get3A_154 = arith.constant 112 : index
      %get3A_155 = tpu.vector_load %arg9[%get3A_153, %get3A_154] {strides = array<i32>} : memref<64x768xf32, #tpu.memory_space<vmem>>, vector<1x16xf32>,
      %get3A_156 = vector.shape_cast %get3A_155 : vector<1x16xf32> to vector<16xf32>
      %add3A_157 = arith.addf %get3A_152, %get3A_156 : vector<16xf32>
      %swap3A_158 = arith.index_cast %add3A_52 : i32 to index
      %swap3A_159 = arith.constant 112 : index
      %swap3A_160 = tpu.vector_load %arg8[%swap3A_158, %swap3A_159] {strides = array<i32>} : memref<64x768xf32, #tpu.memory_space<vmem>>, vector<1x16xf32>,
      %swap3A_161 = vector.shape_cast %swap3A_160 : vector<1x16xf32> to vector<16xf32>
      %swap3A_162 = vector.shape_cast %add3A_157 : vector<16xf32> to vector<1x16xf32>
      tpu.vector_store %arg8[%swap3A_158, %swap3A_159], %swap3A_162 {strides = array<i32>} : memref<64x768xf32, #tpu.memory_space<vmem>>, vector<1x16xf32>,
      %get3A_163 = arith.index_cast %add3A_52 : i32 to index
      %get3A_164 = arith.constant 128 : index
      %get3A_165 = tpu.vector_load %arg8[%get3A_163, %get3A_164] {strides = array<i32>} : memref<64x768xf32, #tpu.memory_space<vmem>>, vector<1x16xf32>,
      %get3A_166 = vector.shape_cast %get3A_165 : vector<1x16xf32> to vector<16xf32>
      %get3A_167 = arith.index_cast %add3A_52 : i32 to index
      %get3A_168 = arith.constant 128 : index
      %get3A_169 = tpu.vector_load %arg9[%get3A_167, %get3A_168] {strides = array<i32>} : memref<64x768xf32, #tpu.memory_space<vmem>>, vector<1x16xf32>,
      %get3A_170 = vector.shape_cast %get3A_169 : vector<1x16xf32> to vector<16xf32>
      %add3A_171 = arith.addf %get3A_166, %get3A_170 : vector<16xf32>
      %swap3A_172 = arith.index_cast %add3A_52 : i32 to index
      %swap3A_173 = arith.constant 128 : index
      %swap3A_174 = tpu.vector_load %arg8[%swap3A_172, %swap3A_173] {strides = array<i32>} : memref<64x768xf32, #tpu.memory_space<vmem>>, vector<1x16xf32>,
      %swap3A_175 = vector.shape_cast %swap3A_174 : vector<1x16xf32> to vector<16xf32>
      %swap3A_176 = vector.shape_cast %add3A_171 : vector<16xf32> to vector<1x16xf32>
      tpu.vector_store %arg8[%swap3A_172, %swap3A_173], %swap3A_176 {strides = array<i32>} : memref<64x768xf32, #tpu.memory_space<vmem>>, vector<1x16xf32>,
      %get3A_177 = arith.index_cast %add3A_52 : i32 to index
      %get3A_178 = arith.constant 144 : index
      %get3A_179 = tpu.vector_load %arg8[%get3A_177, %get3A_178] {strides = array<i32>} : memref<64x768xf32, #tpu.memory_space<vmem>>, vector<1x16xf32>,
      %get3A_180 = vector.shape_cast %get3A_179 : vector<1x16xf32> to vector<16xf32>
      %get3A_181 = arith.index_cast %add3A_52 : i32 to index
      %get3A_182 = arith.constant 144 : index
      %get3A_183 = tpu.vector_load %arg9[%get3A_181, %get3A_182] {strides = array<i32>} : memref<64x768xf32, #tpu.memory_space<vmem>>, vector<1x16xf32>,
      %get3A_184 = vector.shape_cast %get3A_183 : vector<1x16xf32> to vector<16xf32>
      %add3A_185 = arith.addf %get3A_180, %get3A_184 : vector<16xf32>
      %swap3A_186 = arith.index_cast %add3A_52 : i32 to index
      %swap3A_187 = arith.constant 144 : index
      %swap3A_188 = tpu.vector_load %arg8[%swap3A_186, %swap3A_187] {strides = array<i32>} : memref<64x768xf32, #tpu.memory_space<vmem>>, vector<1x16xf32>,
      %swap3A_189 = vector.shape_cast %swap3A_188 : vector<1x16xf32> to vector<16xf32>
      %swap3A_190 = vector.shape_cast %add3A_185 : vector<16xf32> to vector<1x16xf32>
      tpu.vector_store %arg8[%swap3A_186, %swap3A_187], %swap3A_190 {strides = array<i32>} : memref<64x768xf32, #tpu.memory_space<vmem>>, vector<1x16xf32>,
      %get3A_191 = arith.index_cast %add3A_52 : i32 to index
      %get3A_192 = arith.constant 160 : index
      %get3A_193 = tpu.vector_load %arg8[%get3A_191, %get3A_192] {strides = array<i32>} : memref<64x768xf32, #tpu.memory_space<vmem>>, vector<1x16xf32>,
      %get3A_194 = vector.shape_cast %get3A_193 : vector<1x16xf32> to vector<16xf32>
      %get3A_195 = arith.index_cast %add3A_52 : i32 to index
      %get3A_196 = arith.constant 160 : index
      %get3A_197 = tpu.vector_load %arg9[%get3A_195, %get3A_196] {strides = array<i32>} : memref<64x768xf32, #tpu.memory_space<vmem>>, vector<1x16xf32>,
      %get3A_198 = vector.shape_cast %get3A_197 : vector<1x16xf32> to vector<16xf32>
      %add3A_199 = arith.addf %get3A_194, %get3A_198 : vector<16xf32>
      %swap3A_200 = arith.index_cast %add3A_52 : i32 to index
      %swap3A_201 = arith.constant 160 : index
      %swap3A_202 = tpu.vector_load %arg8[%swap3A_200, %swap3A_201] {strides = array<i32>} : memref<64x768xf32, #tpu.memory_space<vmem>>, vector<1x16xf32>,
      %swap3A_203 = vector.shape_cast %swap3A_202 : vector<1x16xf32> to vector<16xf32>
      %swap3A_204 = vector.shape_cast %add3A_199 : vector<16xf32> to vector<1x16xf32>
      tpu.vector_store %arg8[%swap3A_200, %swap3A_201], %swap3A_204 {strides = array<i32>} : memref<64x768xf32, #tpu.memory_space<vmem>>, vector<1x16xf32>,
      %get3A_205 = arith.index_cast %add3A_52 : i32 to index
      %get3A_206 = arith.constant 176 : index
      %get3A_207 = tpu.vector_load %arg8[%get3A_205, %get3A_206] {strides = array<i32>} : memref<64x768xf32, #tpu.memory_space<vmem>>, vector<1x16xf32>,
      %get3A_208 = vector.shape_cast %get3A_207 : vector<1x16xf32> to vector<16xf32>
      %get3A_209 = arith.index_cast %add3A_52 : i32 to index
      %get3A_210 = arith.constant 176 : index
      %get3A_211 = tpu.vector_load %arg9[%get3A_209, %get3A_210] {strides = array<i32>} : memref<64x768xf32, #tpu.memory_space<vmem>>, vector<1x16xf32>,
      %get3A_212 = vector.shape_cast %get3A_211 : vector<1x16xf32> to vector<16xf32>
      %add3A_213 = arith.addf %get3A_208, %get3A_212 : vector<16xf32>
      %swap3A_214 = arith.index_cast %add3A_52 : i32 to index
      %swap3A_215 = arith.constant 176 : index
      %swap3A_216 = tpu.vector_load %arg8[%swap3A_214, %swap3A_215] {strides = array<i32>} : memref<64x768xf32, #tpu.memory_space<vmem>>, vector<1x16xf32>,
      %swap3A_217 = vector.shape_cast %swap3A_216 : vector<1x16xf32> to vector<16xf32>
      %swap3A_218 = vector.shape_cast %add3A_213 : vector<16xf32> to vector<1x16xf32>
      tpu.vector_store %arg8[%swap3A_214, %swap3A_215], %swap3A_218 {strides = array<i32>} : memref<64x768xf32, #tpu.memory_space<vmem>>, vector<1x16xf32>,
      %get3A_219 = arith.index_cast %add3A_52 : i32 to index
      %get3A_220 = arith.constant 192 : index
      %get3A_221 = tpu.vector_load %arg8[%get3A_219, %get3A_220] {strides = array<i32>} : memref<64x768xf32, #tpu.memory_space<vmem>>, vector<1x16xf32>,
      %get3A_222 = vector.shape_cast %get3A_221 : vector<1x16xf32> to vector<16xf32>
      %get3A_223 = arith.index_cast %add3A_52 : i32 to index
      %get3A_224 = arith.constant 192 : index
      %get3A_225 = tpu.vector_load %arg9[%get3A_223, %get3A_224] {strides = array<i32>} : memref<64x768xf32, #tpu.memory_space<vmem>>, vector<1x16xf32>,
      %get3A_226 = vector.shape_cast %get3A_225 : vector<1x16xf32> to vector<16xf32>
      %add3A_227 = arith.addf %get3A_222, %get3A_226 : vector<16xf32>
      %swap3A_228 = arith.index_cast %add3A_52 : i32 to index
      %swap3A_229 = arith.constant 192 : index
      %swap3A_230 = tpu.vector_load %arg8[%swap3A_228, %swap3A_229] {strides = array<i32>} : memref<64x768xf32, #tpu.memory_space<vmem>>, vector<1x16xf32>,
      %swap3A_231 = vector.shape_cast %swap3A_230 : vector<1x16xf32> to vector<16xf32>
      %swap3A_232 = vector.shape_cast %add3A_227 : vector<16xf32> to vector<1x16xf32>
      tpu.vector_store %arg8[%swap3A_228, %swap3A_229], %swap3A_232 {strides = array<i32>} : memref<64x768xf32, #tpu.memory_space<vmem>>, vector<1x16xf32>,
      %get3A_233 = arith.index_cast %add3A_52 : i32 to index
      %get3A_234 = arith.constant 208 : index
      %get3A_235 = tpu.vector_load %arg8[%get3A_233, %get3A_234] {strides = array<i32>} : memref<64x768xf32, #tpu.memory_space<vmem>>, vector<1x16xf32>,
      %get3A_236 = vector.shape_cast %get3A_235 : vector<1x16xf32> to vector<16xf32>
      %get3A_237 = arith.index_cast %add3A_52 : i32 to index
      %get3A_238 = arith.constant 208 : index
      %get3A_239 = tpu.vector_load %arg9[%get3A_237, %get3A_238] {strides = array<i32>} : memref<64x768xf32, #tpu.memory_space<vmem>>, vector<1x16xf32>,
      %get3A_240 = vector.shape_cast %get3A_239 : vector<1x16xf32> to vector<16xf32>
      %add3A_241 = arith.addf %get3A_236, %get3A_240 : vector<16xf32>
      %swap3A_242 = arith.index_cast %add3A_52 : i32 to index
      %swap3A_243 = arith.constant 208 : index
      %swap3A_244 = tpu.vector_load %arg8[%swap3A_242, %swap3A_243] {strides = array<i32>} : memref<64x768xf32, #tpu.memory_space<vmem>>, vector<1x16xf32>,
      %swap3A_245 = vector.shape_cast %swap3A_244 : vector<1x16xf32> to vector<16xf32>
      %swap3A_246 = vector.shape_cast %add3A_241 : vector<16xf32> to vector<1x16xf32>
      tpu.vector_store %arg8[%swap3A_242, %swap3A_243], %swap3A_246 {strides = array<i32>} : memref<64x768xf32, #tpu.memory_space<vmem>>, vector<1x16xf32>,
      %get3A_247 = arith.index_cast %add3A_52 : i32 to index
      %get3A_248 = arith.constant 224 : index
      %get3A_249 = tpu.vector_load %arg8[%get3A_247, %get3A_248] {strides = array<i32>} : memref<64x768xf32, #tpu.memory_space<vmem>>, vector<1x16xf32>,
      %get3A_250 = vector.shape_cast %get3A_249 : vector<1x16xf32> to vector<16xf32>
      %get3A_251 = arith.index_cast %add3A_52 : i32 to index
      %get3A_252 = arith.constant 224 : index
      %get3A_253 = tpu.vector_load %arg9[%get3A_251, %get3A_252] {strides = array<i32>} : memref<64x768xf32, #tpu.memory_space<vmem>>, vector<1x16xf32>,
      %get3A_254 = vector.shape_cast %get3A_253 : vector<1x16xf32> to vector<16xf32>
      %add3A_255 = arith.addf %get3A_250, %get3A_254 : vector<16xf32>
      %swap3A_256 = arith.index_cast %add3A_52 : i32 to index
      %swap3A_257 = arith.constant 224 : index
      %swap3A_258 = tpu.vector_load %arg8[%swap3A_256, %swap3A_257] {strides = array<i32>} : memref<64x768xf32, #tpu.memory_space<vmem>>, vector<1x16xf32>,
      %swap3A_259 = vector.shape_cast %swap3A_258 : vector<1x16xf32> to vector<16xf32>
      %swap3A_260 = vector.shape_cast %add3A_255 : vector<16xf32> to vector<1x16xf32>
      tpu.vector_store %arg8[%swap3A_256, %swap3A_257], %swap3A_260 {strides = array<i32>} : memref<64x768xf32, #tpu.memory_space<vmem>>, vector<1x16xf32>,
      %get3A_261 = arith.index_cast %add3A_52 : i32 to index
      %get3A_262 = arith.constant 240 : index
      %get3A_263 = tpu.vector_load %arg8[%get3A_261, %get3A_262] {strides = array<i32>} : memref<64x768xf32, #tpu.memory_space<vmem>>, vector<1x16xf32>,
      %get3A_264 = vector.shape_cast %get3A_263 : vector<1x16xf32> to vector<16xf32>
      %get3A_265 = arith.index_cast %add3A_52 : i32 to index
      %get3A_266 = arith.constant 240 : index
      %get3A_267 = tpu.vector_load %arg9[%get3A_265, %get3A_266] {strides = array<i32>} : memref<64x768xf32, #tpu.memory_space<vmem>>, vector<1x16xf32>,
      %get3A_268 = vector.shape_cast %get3A_267 : vector<1x16xf32> to vector<16xf32>
      %add3A_269 = arith.addf %get3A_264, %get3A_268 : vector<16xf32>
      %swap3A_270 = arith.index_cast %add3A_52 : i32 to index
      %swap3A_271 = arith.constant 240 : index
      %swap3A_272 = tpu.vector_load %arg8[%swap3A_270, %swap3A_271] {strides = array<i32>} : memref<64x768xf32, #tpu.memory_space<vmem>>, vector<1x16xf32>,
      %swap3A_273 = vector.shape_cast %swap3A_272 : vector<1x16xf32> to vector<16xf32>
      %swap3A_274 = vector.shape_cast %add3A_269 : vector<16xf32> to vector<1x16xf32>
      tpu.vector_store %arg8[%swap3A_270, %swap3A_271], %swap3A_274 {strides = array<i32>} : memref<64x768xf32, #tpu.memory_space<vmem>>, vector<1x16xf32>,
      %get3A_275 = arith.index_cast %add3A_52 : i32 to index
      %get3A_276 = arith.constant 256 : index
      %get3A_277 = tpu.vector_load %arg8[%get3A_275, %get3A_276] {strides = array<i32>} : memref<64x768xf32, #tpu.memory_space<vmem>>, vector<1x16xf32>,
      %get3A_278 = vector.shape_cast %get3A_277 : vector<1x16xf32> to vector<16xf32>
      %get3A_279 = arith.index_cast %add3A_52 : i32 to index
      %get3A_280 = arith.constant 256 : index
      %get3A_281 = tpu.vector_load %arg9[%get3A_279, %get3A_280] {strides = array<i32>} : memref<64x768xf32, #tpu.memory_space<vmem>>, vector<1x16xf32>,
      %get3A_282 = vector.shape_cast %get3A_281 : vector<1x16xf32> to vector<16xf32>
      %add3A_283 = arith.addf %get3A_278, %get3A_282 : vector<16xf32>
      %swap3A_284 = arith.index_cast %add3A_52 : i32 to index
      %swap3A_285 = arith.constant 256 : index
      %swap3A_286 = tpu.vector_load %arg8[%swap3A_284, %swap3A_285] {strides = array<i32>} : memref<64x768xf32, #tpu.memory_space<vmem>>, vector<1x16xf32>,
      %swap3A_287 = vector.shape_cast %swap3A_286 : vector<1x16xf32> to vector<16xf32>
      %swap3A_288 = vector.shape_cast %add3A_283 : vector<16xf32> to vector<1x16xf32>
      tpu.vector_store %arg8[%swap3A_284, %swap3A_285], %swap3A_288 {strides = array<i32>} : memref<64x768xf32, #tpu.memory_space<vmem>>, vector<1x16xf32>,
      %get3A_289 = arith.index_cast %add3A_52 : i32 to index
      %get3A_290 = arith.constant 272 : index
      %get3A_291 = tpu.vector_load %arg8[%get3A_289, %get3A_290] {strides = array<i32>} : memref<64x768xf32, #tpu.memory_space<vmem>>, vector<1x16xf32>,
      %get3A_292 = vector.shape_cast %get3A_291 : vector<1x16xf32> to vector<16xf32>
      %get3A_293 = arith.index_cast %add3A_52 : i32 to index
      %get3A_294 = arith.constant 272 : index
      %get3A_295 = tpu.vector_load %arg9[%get3A_293, %get3A_294] {strides = array<i32>} : memref<64x768xf32, #tpu.memory_space<vmem>>, vector<1x16xf32>,
      %get3A_296 = vector.shape_cast %get3A_295 : vector<1x16xf32> to vector<16xf32>
      %add3A_297 = arith.addf %get3A_292, %get3A_296 : vector<16xf32>
      %swap3A_298 = arith.index_cast %add3A_52 : i32 to index
      %swap3A_299 = arith.constant 272 : index
      %swap3A_300 = tpu.vector_load %arg8[%swap3A_298, %swap3A_299] {strides = array<i32>} : memref<64x768xf32, #tpu.memory_space<vmem>>, vector<1x16xf32>,
      %swap3A_301 = vector.shape_cast %swap3A_300 : vector<1x16xf32> to vector<16xf32>
      %swap3A_302 = vector.shape_cast %add3A_297 : vector<16xf32> to vector<1x16xf32>
      tpu.vector_store %arg8[%swap3A_298, %swap3A_299], %swap3A_302 {strides = array<i32>} : memref<64x768xf32, #tpu.memory_space<vmem>>, vector<1x16xf32>,
      %get3A_303 = arith.index_cast %add3A_52 : i32 to index
      %get3A_304 = arith.constant 288 : index
      %get3A_305 = tpu.vector_load %arg8[%get3A_303, %get3A_304] {strides = array<i32>} : memref<64x768xf32, #tpu.memory_space<vmem>>, vector<1x16xf32>,
      %get3A_306 = vector.shape_cast %get3A_305 : vector<1x16xf32> to vector<16xf32>
      %get3A_307 = arith.index_cast %add3A_52 : i32 to index
      %get3A_308 = arith.constant 288 : index
      %get3A_309 = tpu.vector_load %arg9[%get3A_307, %get3A_308] {strides = array<i32>} : memref<64x768xf32, #tpu.memory_space<vmem>>, vector<1x16xf32>,
      %get3A_310 = vector.shape_cast %get3A_309 : vector<1x16xf32> to vector<16xf32>
      %add3A_311 = arith.addf %get3A_306, %get3A_310 : vector<16xf32>
      %swap3A_312 = arith.index_cast %add3A_52 : i32 to index
      %swap3A_313 = arith.constant 288 : index
      %swap3A_314 = tpu.vector_load %arg8[%swap3A_312, %swap3A_313] {strides = array<i32>} : memref<64x768xf32, #tpu.memory_space<vmem>>, vector<1x16xf32>,
      %swap3A_315 = vector.shape_cast %swap3A_314 : vector<1x16xf32> to vector<16xf32>
      %swap3A_316 = vector.shape_cast %add3A_311 : vector<16xf32> to vector<1x16xf32>
      tpu.vector_store %arg8[%swap3A_312, %swap3A_313], %swap3A_316 {strides = array<i32>} : memref<64x768xf32, #tpu.memory_space<vmem>>, vector<1x16xf32>,
      %get3A_317 = arith.index_cast %add3A_52 : i32 to index
      %get3A_318 = arith.constant 304 : index
      %get3A_319 = tpu.vector_load %arg8[%get3A_317, %get3A_318] {strides = array<i32>} : memref<64x768xf32, #tpu.memory_space<vmem>>, vector<1x16xf32>,
      %get3A_320 = vector.shape_cast %get3A_319 : vector<1x16xf32> to vector<16xf32>
      %get3A_321 = arith.index_cast %add3A_52 : i32 to index
      %get3A_322 = arith.constant 304 : index
      %get3A_323 = tpu.vector_load %arg9[%get3A_321, %get3A_322] {strides = array<i32>} : memref<64x768xf32, #tpu.memory_space<vmem>>, vector<1x16xf32>,
      %get3A_324 = vector.shape_cast %get3A_323 : vector<1x16xf32> to vector<16xf32>
      %add3A_325 = arith.addf %get3A_320, %get3A_324 : vector<16xf32>
      %swap3A_326 = arith.index_cast %add3A_52 : i32 to index
      %swap3A_327 = arith.constant 304 : index
      %swap3A_328 = tpu.vector_load %arg8[%swap3A_326, %swap3A_327] {strides = array<i32>} : memref<64x768xf32, #tpu.memory_space<vmem>>, vector<1x16xf32>,
      %swap3A_329 = vector.shape_cast %swap3A_328 : vector<1x16xf32> to vector<16xf32>
      %swap3A_330 = vector.shape_cast %add3A_325 : vector<16xf32> to vector<1x16xf32>
      tpu.vector_store %arg8[%swap3A_326, %swap3A_327], %swap3A_330 {strides = array<i32>} : memref<64x768xf32, #tpu.memory_space<vmem>>, vector<1x16xf32>,
      %get3A_331 = arith.index_cast %add3A_52 : i32 to index
      %get3A_332 = arith.constant 320 : index
      %get3A_333 = tpu.vector_load %arg8[%get3A_331, %get3A_332] {strides = array<i32>} : memref<64x768xf32, #tpu.memory_space<vmem>>, vector<1x16xf32>,
      %get3A_334 = vector.shape_cast %get3A_333 : vector<1x16xf32> to vector<16xf32>
      %get3A_335 = arith.index_cast %add3A_52 : i32 to index
      %get3A_336 = arith.constant 320 : index
      %get3A_337 = tpu.vector_load %arg9[%get3A_335, %get3A_336] {strides = array<i32>} : memref<64x768xf32, #tpu.memory_space<vmem>>, vector<1x16xf32>,
      %get3A_338 = vector.shape_cast %get3A_337 : vector<1x16xf32> to vector<16xf32>
      %add3A_339 = arith.addf %get3A_334, %get3A_338 : vector<16xf32>
      %swap3A_340 = arith.index_cast %add3A_52 : i32 to index
      %swap3A_341 = arith.constant 320 : index
      %swap3A_342 = tpu.vector_load %arg8[%swap3A_340, %swap3A_341] {strides = array<i32>} : memref<64x768xf32, #tpu.memory_space<vmem>>, vector<1x16xf32>,
      %swap3A_343 = vector.shape_cast %swap3A_342 : vector<1x16xf32> to vector<16xf32>
      %swap3A_344 = vector.shape_cast %add3A_339 : vector<16xf32> to vector<1x16xf32>
      tpu.vector_store %arg8[%swap3A_340, %swap3A_341], %swap3A_344 {strides = array<i32>} : memref<64x768xf32, #tpu.memory_space<vmem>>, vector<1x16xf32>,
      %get3A_345 = arith.index_cast %add3A_52 : i32 to index
      %get3A_346 = arith.constant 336 : index
      %get3A_347 = tpu.vector_load %arg8[%get3A_345, %get3A_346] {strides = array<i32>} : memref<64x768xf32, #tpu.memory_space<vmem>>, vector<1x16xf32>,
      %get3A_348 = vector.shape_cast %get3A_347 : vector<1x16xf32> to vector<16xf32>
      %get3A_349 = arith.index_cast %add3A_52 : i32 to index
      %get3A_350 = arith.constant 336 : index
      %get3A_351 = tpu.vector_load %arg9[%get3A_349, %get3A_350] {strides = array<i32>} : memref<64x768xf32, #tpu.memory_space<vmem>>, vector<1x16xf32>,
      %get3A_352 = vector.shape_cast %get3A_351 : vector<1x16xf32> to vector<16xf32>
      %add3A_353 = arith.addf %get3A_348, %get3A_352 : vector<16xf32>
      %swap3A_354 = arith.index_cast %add3A_52 : i32 to index
      %swap3A_355 = arith.constant 336 : index
      %swap3A_356 = tpu.vector_load %arg8[%swap3A_354, %swap3A_355] {strides = array<i32>} : memref<64x768xf32, #tpu.memory_space<vmem>>, vector<1x16xf32>,
      %swap3A_357 = vector.shape_cast %swap3A_356 : vector<1x16xf32> to vector<16xf32>
      %swap3A_358 = vector.shape_cast %add3A_353 : vector<16xf32> to vector<1x16xf32>
      tpu.vector_store %arg8[%swap3A_354, %swap3A_355], %swap3A_358 {strides = array<i32>} : memref<64x768xf32, #tpu.memory_space<vmem>>, vector<1x16xf32>,
      %get3A_359 = arith.index_cast %add3A_52 : i32 to index
      %get3A_360 = arith.constant 352 : index
      %get3A_361 = tpu.vector_load %arg8[%get3A_359, %get3A_360] {strides = array<i32>} : memref<64x768xf32, #tpu.memory_space<vmem>>, vector<1x16xf32>,
      %get3A_362 = vector.shape_cast %get3A_361 : vector<1x16xf32> to vector<16xf32>
      %get3A_363 = arith.index_cast %add3A_52 : i32 to index
      %get3A_364 = arith.constant 352 : index
      %get3A_365 = tpu.vector_load %arg9[%get3A_363, %get3A_364] {strides = array<i32>} : memref<64x768xf32, #tpu.memory_space<vmem>>, vector<1x16xf32>,
      %get3A_366 = vector.shape_cast %get3A_365 : vector<1x16xf32> to vector<16xf32>
      %add3A_367 = arith.addf %get3A_362, %get3A_366 : vector<16xf32>
      %swap3A_368 = arith.index_cast %add3A_52 : i32 to index
      %swap3A_369 = arith.constant 352 : index
      %swap3A_370 = tpu.vector_load %arg8[%swap3A_368, %swap3A_369] {strides = array<i32>} : memref<64x768xf32, #tpu.memory_space<vmem>>, vector<1x16xf32>,
      %swap3A_371 = vector.shape_cast %swap3A_370 : vector<1x16xf32> to vector<16xf32>
      %swap3A_372 = vector.shape_cast %add3A_367 : vector<16xf32> to vector<1x16xf32>
      tpu.vector_store %arg8[%swap3A_368, %swap3A_369], %swap3A_372 {strides = array<i32>} : memref<64x768xf32, #tpu.memory_space<vmem>>, vector<1x16xf32>,
      %get3A_373 = arith.index_cast %add3A_52 : i32 to index
      %get3A_374 = arith.constant 368 : index
      %get3A_375 = tpu.vector_load %arg8[%get3A_373, %get3A_374] {strides = array<i32>} : memref<64x768xf32, #tpu.memory_space<vmem>>, vector<1x16xf32>,
      %get3A_376 = vector.shape_cast %get3A_375 : vector<1x16xf32> to vector<16xf32>
      %get3A_377 = arith.index_cast %add3A_52 : i32 to index
      %get3A_378 = arith.constant 368 : index
      %get3A_379 = tpu.vector_load %arg9[%get3A_377, %get3A_378] {strides = array<i32>} : memref<64x768xf32, #tpu.memory_space<vmem>>, vector<1x16xf32>,
      %get3A_380 = vector.shape_cast %get3A_379 : vector<1x16xf32> to vector<16xf32>
      %add3A_381 = arith.addf %get3A_376, %get3A_380 : vector<16xf32>
      %swap3A_382 = arith.index_cast %add3A_52 : i32 to index
      %swap3A_383 = arith.constant 368 : index
      %swap3A_384 = tpu.vector_load %arg8[%swap3A_382, %swap3A_383] {strides = array<i32>} : memref<64x768xf32, #tpu.memory_space<vmem>>, vector<1x16xf32>,
      %swap3A_385 = vector.shape_cast %swap3A_384 : vector<1x16xf32> to vector<16xf32>
      %swap3A_386 = vector.shape_cast %add3A_381 : vector<16xf32> to vector<1x16xf32>
      tpu.vector_store %arg8[%swap3A_382, %swap3A_383], %swap3A_386 {strides = array<i32>} : memref<64x768xf32, #tpu.memory_space<vmem>>, vector<1x16xf32>,
      %get3A_387 = arith.index_cast %add3A_52 : i32 to index
      %get3A_388 = arith.constant 384 : index
      %get3A_389 = tpu.vector_load %arg8[%get3A_387, %get3A_388] {strides = array<i32>} : memref<64x768xf32, #tpu.memory_space<vmem>>, vector<1x16xf32>,
      %get3A_390 = vector.shape_cast %get3A_389 : vector<1x16xf32> to vector<16xf32>
      %get3A_391 = arith.index_cast %add3A_52 : i32 to index
      %get3A_392 = arith.constant 384 : index
      %get3A_393 = tpu.vector_load %arg9[%get3A_391, %get3A_392] {strides = array<i32>} : memref<64x768xf32, #tpu.memory_space<vmem>>, vector<1x16xf32>,
      %get3A_394 = vector.shape_cast %get3A_393 : vector<1x16xf32> to vector<16xf32>
      %add3A_395 = arith.addf %get3A_390, %get3A_394 : vector<16xf32>
      %swap3A_396 = arith.index_cast %add3A_52 : i32 to index
      %swap3A_397 = arith.constant 384 : index
      %swap3A_398 = tpu.vector_load %arg8[%swap3A_396, %swap3A_397] {strides = array<i32>} : memref<64x768xf32, #tpu.memory_space<vmem>>, vector<1x16xf32>,
      %swap3A_399 = vector.shape_cast %swap3A_398 : vector<1x16xf32> to vector<16xf32>
      %swap3A_400 = vector.shape_cast %add3A_395 : vector<16xf32> to vector<1x16xf32>
      tpu.vector_store %arg8[%swap3A_396, %swap3A_397], %swap3A_400 {strides = array<i32>} : memref<64x768xf32, #tpu.memory_space<vmem>>, vector<1x16xf32>,
      %get3A_401 = arith.index_cast %add3A_52 : i32 to index
      %get3A_402 = arith.constant 400 : index
      %get3A_403 = tpu.vector_load %arg8[%get3A_401, %get3A_402] {strides = array<i32>} : memref<64x768xf32, #tpu.memory_space<vmem>>, vector<1x16xf32>,
      %get3A_404 = vector.shape_cast %get3A_403 : vector<1x16xf32> to vector<16xf32>
      %get3A_405 = arith.index_cast %add3A_52 : i32 to index
      %get3A_406 = arith.constant 400 : index
      %get3A_407 = tpu.vector_load %arg9[%get3A_405, %get3A_406] {strides = array<i32>} : memref<64x768xf32, #tpu.memory_space<vmem>>, vector<1x16xf32>,
      %get3A_408 = vector.shape_cast %get3A_407 : vector<1x16xf32> to vector<16xf32>
      %add3A_409 = arith.addf %get3A_404, %get3A_408 : vector<16xf32>
      %swap3A_410 = arith.index_cast %add3A_52 : i32 to index
      %swap3A_411 = arith.constant 400 : index
      %swap3A_412 = tpu.vector_load %arg8[%swap3A_410, %swap3A_411] {strides = array<i32>} : memref<64x768xf32, #tpu.memory_space<vmem>>, vector<1x16xf32>,
      %swap3A_413 = vector.shape_cast %swap3A_412 : vector<1x16xf32> to vector<16xf32>
      %swap3A_414 = vector.shape_cast %add3A_409 : vector<16xf32> to vector<1x16xf32>
      tpu.vector_store %arg8[%swap3A_410, %swap3A_411], %swap3A_414 {strides = array<i32>} : memref<64x768xf32, #tpu.memory_space<vmem>>, vector<1x16xf32>,
      %get3A_415 = arith.index_cast %add3A_52 : i32 to index
      %get3A_416 = arith.constant 416 : index
      %get3A_417 = tpu.vector_load %arg8[%get3A_415, %get3A_416] {strides = array<i32>} : memref<64x768xf32, #tpu.memory_space<vmem>>, vector<1x16xf32>,
      %get3A_418 = vector.shape_cast %get3A_417 : vector<1x16xf32> to vector<16xf32>
      %get3A_419 = arith.index_cast %add3A_52 : i32 to index
      %get3A_420 = arith.constant 416 : index
      %get3A_421 = tpu.vector_load %arg9[%get3A_419, %get3A_420] {strides = array<i32>} : memref<64x768xf32, #tpu.memory_space<vmem>>, vector<1x16xf32>,
      %get3A_422 = vector.shape_cast %get3A_421 : vector<1x16xf32> to vector<16xf32>
      %add3A_423 = arith.addf %get3A_418, %get3A_422 : vector<16xf32>
      %swap3A_424 = arith.index_cast %add3A_52 : i32 to index
      %swap3A_425 = arith.constant 416 : index
      %swap3A_426 = tpu.vector_load %arg8[%swap3A_424, %swap3A_425] {strides = array<i32>} : memref<64x768xf32, #tpu.memory_space<vmem>>, vector<1x16xf32>,
      %swap3A_427 = vector.shape_cast %swap3A_426 : vector<1x16xf32> to vector<16xf32>
      %swap3A_428 = vector.shape_cast %add3A_423 : vector<16xf32> to vector<1x16xf32>
      tpu.vector_store %arg8[%swap3A_424, %swap3A_425], %swap3A_428 {strides = array<i32>} : memref<64x768xf32, #tpu.memory_space<vmem>>, vector<1x16xf32>,
      %get3A_429 = arith.index_cast %add3A_52 : i32 to index
      %get3A_430 = arith.constant 432 : index
      %get3A_431 = tpu.vector_load %arg8[%get3A_429, %get3A_430] {strides = array<i32>} : memref<64x768xf32, #tpu.memory_space<vmem>>, vector<1x16xf32>,
      %get3A_432 = vector.shape_cast %get3A_431 : vector<1x16xf32> to vector<16xf32>
      %get3A_433 = arith.index_cast %add3A_52 : i32 to index
      %get3A_434 = arith.constant 432 : index
      %get3A_435 = tpu.vector_load %arg9[%get3A_433, %get3A_434] {strides = array<i32>} : memref<64x768xf32, #tpu.memory_space<vmem>>, vector<1x16xf32>,
      %get3A_436 = vector.shape_cast %get3A_435 : vector<1x16xf32> to vector<16xf32>
      %add3A_437 = arith.addf %get3A_432, %get3A_436 : vector<16xf32>
      %swap3A_438 = arith.index_cast %add3A_52 : i32 to index
      %swap3A_439 = arith.constant 432 : index
      %swap3A_440 = tpu.vector_load %arg8[%swap3A_438, %swap3A_439] {strides = array<i32>} : memref<64x768xf32, #tpu.memory_space<vmem>>, vector<1x16xf32>,
      %swap3A_441 = vector.shape_cast %swap3A_440 : vector<1x16xf32> to vector<16xf32>
      %swap3A_442 = vector.shape_cast %add3A_437 : vector<16xf32> to vector<1x16xf32>
      tpu.vector_store %arg8[%swap3A_438, %swap3A_439], %swap3A_442 {strides = array<i32>} : memref<64x768xf32, #tpu.memory_space<vmem>>, vector<1x16xf32>,
      %get3A_443 = arith.index_cast %add3A_52 : i32 to index
      %get3A_444 = arith.constant 448 : index
      %get3A_445 = tpu.vector_load %arg8[%get3A_443, %get3A_444] {strides = array<i32>} : memref<64x768xf32, #tpu.memory_space<vmem>>, vector<1x16xf32>,
      %get3A_446 = vector.shape_cast %get3A_445 : vector<1x16xf32> to vector<16xf32>
      %get3A_447 = arith.index_cast %add3A_52 : i32 to index
      %get3A_448 = arith.constant 448 : index
      %get3A_449 = tpu.vector_load %arg9[%get3A_447, %get3A_448] {strides = array<i32>} : memref<64x768xf32, #tpu.memory_space<vmem>>, vector<1x16xf32>,
      %get3A_450 = vector.shape_cast %get3A_449 : vector<1x16xf32> to vector<16xf32>
      %add3A_451 = arith.addf %get3A_446, %get3A_450 : vector<16xf32>
      %swap3A_452 = arith.index_cast %add3A_52 : i32 to index
      %swap3A_453 = arith.constant 448 : index
      %swap3A_454 = tpu.vector_load %arg8[%swap3A_452, %swap3A_453] {strides = array<i32>} : memref<64x768xf32, #tpu.memory_space<vmem>>, vector<1x16xf32>,
      %swap3A_455 = vector.shape_cast %swap3A_454 : vector<1x16xf32> to vector<16xf32>
      %swap3A_456 = vector.shape_cast %add3A_451 : vector<16xf32> to vector<1x16xf32>
      tpu.vector_store %arg8[%swap3A_452, %swap3A_453], %swap3A_456 {strides = array<i32>} : memref<64x768xf32, #tpu.memory_space<vmem>>, vector<1x16xf32>,
      %get3A_457 = arith.index_cast %add3A_52 : i32 to index
      %get3A_458 = arith.constant 464 : index
      %get3A_459 = tpu.vector_load %arg8[%get3A_457, %get3A_458] {strides = array<i32>} : memref<64x768xf32, #tpu.memory_space<vmem>>, vector<1x16xf32>,
      %get3A_460 = vector.shape_cast %get3A_459 : vector<1x16xf32> to vector<16xf32>
      %get3A_461 = arith.index_cast %add3A_52 : i32 to index
      %get3A_462 = arith.constant 464 : index
      %get3A_463 = tpu.vector_load %arg9[%get3A_461, %get3A_462] {strides = array<i32>} : memref<64x768xf32, #tpu.memory_space<vmem>>, vector<1x16xf32>,
      %get3A_464 = vector.shape_cast %get3A_463 : vector<1x16xf32> to vector<16xf32>
      %add3A_465 = arith.addf %get3A_460, %get3A_464 : vector<16xf32>
      %swap3A_466 = arith.index_cast %add3A_52 : i32 to index
      %swap3A_467 = arith.constant 464 : index
      %swap3A_468 = tpu.vector_load %arg8[%swap3A_466, %swap3A_467] {strides = array<i32>} : memref<64x768xf32, #tpu.memory_space<vmem>>, vector<1x16xf32>,
      %swap3A_469 = vector.shape_cast %swap3A_468 : vector<1x16xf32> to vector<16xf32>
      %swap3A_470 = vector.shape_cast %add3A_465 : vector<16xf32> to vector<1x16xf32>
      tpu.vector_store %arg8[%swap3A_466, %swap3A_467], %swap3A_470 {strides = array<i32>} : memref<64x768xf32, #tpu.memory_space<vmem>>, vector<1x16xf32>,
      %get3A_471 = arith.index_cast %add3A_52 : i32 to index
      %get3A_472 = arith.constant 480 : index
      %get3A_473 = tpu.vector_load %arg8[%get3A_471, %get3A_472] {strides = array<i32>} : memref<64x768xf32, #tpu.memory_space<vmem>>, vector<1x16xf32>,
      %get3A_474 = vector.shape_cast %get3A_473 : vector<1x16xf32> to vector<16xf32>
      %get3A_475 = arith.index_cast %add3A_52 : i32 to index
      %get3A_476 = arith.constant 480 : index
      %get3A_477 = tpu.vector_load %arg9[%get3A_475, %get3A_476] {strides = array<i32>} : memref<64x768xf32, #tpu.memory_space<vmem>>, vector<1x16xf32>,
      %get3A_478 = vector.shape_cast %get3A_477 : vector<1x16xf32> to vector<16xf32>
      %add3A_479 = arith.addf %get3A_474, %get3A_478 : vector<16xf32>
      %swap3A_480 = arith.index_cast %add3A_52 : i32 to index
      %swap3A_481 = arith.constant 480 : index
      %swap3A_482 = tpu.vector_load %arg8[%swap3A_480, %swap3A_481] {strides = array<i32>} : memref<64x768xf32, #tpu.memory_space<vmem>>, vector<1x16xf32>,
      %swap3A_483 = vector.shape_cast %swap3A_482 : vector<1x16xf32> to vector<16xf32>
      %swap3A_484 = vector.shape_cast %add3A_479 : vector<16xf32> to vector<1x16xf32>
      tpu.vector_store %arg8[%swap3A_480, %swap3A_481], %swap3A_484 {strides = array<i32>} : memref<64x768xf32, #tpu.memory_space<vmem>>, vector<1x16xf32>,
      %get3A_485 = arith.index_cast %add3A_52 : i32 to index
      %get3A_486 = arith.constant 496 : index
      %get3A_487 = tpu.vector_load %arg8[%get3A_485, %get3A_486] {strides = array<i32>} : memref<64x768xf32, #tpu.memory_space<vmem>>, vector<1x16xf32>,
      %get3A_488 = vector.shape_cast %get3A_487 : vector<1x16xf32> to vector<16xf32>
      %get3A_489 = arith.index_cast %add3A_52 : i32 to index
      %get3A_490 = arith.constant 496 : index
      %get3A_491 = tpu.vector_load %arg9[%get3A_489, %get3A_490] {strides = array<i32>} : memref<64x768xf32, #tpu.memory_space<vmem>>, vector<1x16xf32>,
      %get3A_492 = vector.shape_cast %get3A_491 : vector<1x16xf32> to vector<16xf32>
      %add3A_493 = arith.addf %get3A_488, %get3A_492 : vector<16xf32>
      %swap3A_494 = arith.index_cast %add3A_52 : i32 to index
      %swap3A_495 = arith.constant 496 : index
      %swap3A_496 = tpu.vector_load %arg8[%swap3A_494, %swap3A_495] {strides = array<i32>} : memref<64x768xf32, #tpu.memory_space<vmem>>, vector<1x16xf32>,
      %swap3A_497 = vector.shape_cast %swap3A_496 : vector<1x16xf32> to vector<16xf32>
      %swap3A_498 = vector.shape_cast %add3A_493 : vector<16xf32> to vector<1x16xf32>
      tpu.vector_store %arg8[%swap3A_494, %swap3A_495], %swap3A_498 {strides = array<i32>} : memref<64x768xf32, #tpu.memory_space<vmem>>, vector<1x16xf32>,
      %get3A_499 = arith.index_cast %add3A_52 : i32 to index
      %get3A_500 = arith.constant 512 : index
      %get3A_501 = tpu.vector_load %arg8[%get3A_499, %get3A_500] {strides = array<i32>} : memref<64x768xf32, #tpu.memory_space<vmem>>, vector<1x16xf32>,
      %get3A_502 = vector.shape_cast %get3A_501 : vector<1x16xf32> to vector<16xf32>
      %get3A_503 = arith.index_cast %add3A_52 : i32 to index
      %get3A_504 = arith.constant 512 : index
      %get3A_505 = tpu.vector_load %arg9[%get3A_503, %get3A_504] {strides = array<i32>} : memref<64x768xf32, #tpu.memory_space<vmem>>, vector<1x16xf32>,
      %get3A_506 = vector.shape_cast %get3A_505 : vector<1x16xf32> to vector<16xf32>
      %add3A_507 = arith.addf %get3A_502, %get3A_506 : vector<16xf32>
      %swap3A_508 = arith.index_cast %add3A_52 : i32 to index
      %swap3A_509 = arith.constant 512 : index
      %swap3A_510 = tpu.vector_load %arg8[%swap3A_508, %swap3A_509] {strides = array<i32>} : memref<64x768xf32, #tpu.memory_space<vmem>>, vector<1x16xf32>,
      %swap3A_511 = vector.shape_cast %swap3A_510 : vector<1x16xf32> to vector<16xf32>
      %swap3A_512 = vector.shape_cast %add3A_507 : vector<16xf32> to vector<1x16xf32>
      tpu.vector_store %arg8[%swap3A_508, %swap3A_509], %swap3A_512 {strides = array<i32>} : memref<64x768xf32, #tpu.memory_space<vmem>>, vector<1x16xf32>,
      %get3A_513 = arith.index_cast %add3A_52 : i32 to index
      %get3A_514 = arith.constant 528 : index
      %get3A_515 = tpu.vector_load %arg8[%get3A_513, %get3A_514] {strides = array<i32>} : memref<64x768xf32, #tpu.memory_space<vmem>>, vector<1x16xf32>,
      %get3A_516 = vector.shape_cast %get3A_515 : vector<1x16xf32> to vector<16xf32>
      %get3A_517 = arith.index_cast %add3A_52 : i32 to index
      %get3A_518 = arith.constant 528 : index
      %get3A_519 = tpu.vector_load %arg9[%get3A_517, %get3A_518] {strides = array<i32>} : memref<64x768xf32, #tpu.memory_space<vmem>>, vector<1x16xf32>,
      %get3A_520 = vector.shape_cast %get3A_519 : vector<1x16xf32> to vector<16xf32>
      %add3A_521 = arith.addf %get3A_516, %get3A_520 : vector<16xf32>
      %swap3A_522 = arith.index_cast %add3A_52 : i32 to index
      %swap3A_523 = arith.constant 528 : index
      %swap3A_524 = tpu.vector_load %arg8[%swap3A_522, %swap3A_523] {strides = array<i32>} : memref<64x768xf32, #tpu.memory_space<vmem>>, vector<1x16xf32>,
      %swap3A_525 = vector.shape_cast %swap3A_524 : vector<1x16xf32> to vector<16xf32>
      %swap3A_526 = vector.shape_cast %add3A_521 : vector<16xf32> to vector<1x16xf32>
      tpu.vector_store %arg8[%swap3A_522, %swap3A_523], %swap3A_526 {strides = array<i32>} : memref<64x768xf32, #tpu.memory_space<vmem>>, vector<1x16xf32>,
      %get3A_527 = arith.index_cast %add3A_52 : i32 to index
      %get3A_528 = arith.constant 544 : index
      %get3A_529 = tpu.vector_load %arg8[%get3A_527, %get3A_528] {strides = array<i32>} : memref<64x768xf32, #tpu.memory_space<vmem>>, vector<1x16xf32>,
      %get3A_530 = vector.shape_cast %get3A_529 : vector<1x16xf32> to vector<16xf32>
      %get3A_531 = arith.index_cast %add3A_52 : i32 to index
      %get3A_532 = arith.constant 544 : index
      %get3A_533 = tpu.vector_load %arg9[%get3A_531, %get3A_532] {strides = array<i32>} : memref<64x768xf32, #tpu.memory_space<vmem>>, vector<1x16xf32>,
      %get3A_534 = vector.shape_cast %get3A_533 : vector<1x16xf32> to vector<16xf32>
      %add3A_535 = arith.addf %get3A_530, %get3A_534 : vector<16xf32>
      %swap3A_536 = arith.index_cast %add3A_52 : i32 to index
      %swap3A_537 = arith.constant 544 : index
      %swap3A_538 = tpu.vector_load %arg8[%swap3A_536, %swap3A_537] {strides = array<i32>} : memref<64x768xf32, #tpu.memory_space<vmem>>, vector<1x16xf32>,
      %swap3A_539 = vector.shape_cast %swap3A_538 : vector<1x16xf32> to vector<16xf32>
      %swap3A_540 = vector.shape_cast %add3A_535 : vector<16xf32> to vector<1x16xf32>
      tpu.vector_store %arg8[%swap3A_536, %swap3A_537], %swap3A_540 {strides = array<i32>} : memref<64x768xf32, #tpu.memory_space<vmem>>, vector<1x16xf32>,
      %get3A_541 = arith.index_cast %add3A_52 : i32 to index
      %get3A_542 = arith.constant 560 : index
      %get3A_543 = tpu.vector_load %arg8[%get3A_541, %get3A_542] {strides = array<i32>} : memref<64x768xf32, #tpu.memory_space<vmem>>, vector<1x16xf32>,
      %get3A_544 = vector.shape_cast %get3A_543 : vector<1x16xf32> to vector<16xf32>
      %get3A_545 = arith.index_cast %add3A_52 : i32 to index
      %get3A_546 = arith.constant 560 : index
      %get3A_547 = tpu.vector_load %arg9[%get3A_545, %get3A_546] {strides = array<i32>} : memref<64x768xf32, #tpu.memory_space<vmem>>, vector<1x16xf32>,
      %get3A_548 = vector.shape_cast %get3A_547 : vector<1x16xf32> to vector<16xf32>
      %add3A_549 = arith.addf %get3A_544, %get3A_548 : vector<16xf32>
      %swap3A_550 = arith.index_cast %add3A_52 : i32 to index
      %swap3A_551 = arith.constant 560 : index
      %swap3A_552 = tpu.vector_load %arg8[%swap3A_550, %swap3A_551] {strides = array<i32>} : memref<64x768xf32, #tpu.memory_space<vmem>>, vector<1x16xf32>,
      %swap3A_553 = vector.shape_cast %swap3A_552 : vector<1x16xf32> to vector<16xf32>
      %swap3A_554 = vector.shape_cast %add3A_549 : vector<16xf32> to vector<1x16xf32>
      tpu.vector_store %arg8[%swap3A_550, %swap3A_551], %swap3A_554 {strides = array<i32>} : memref<64x768xf32, #tpu.memory_space<vmem>>, vector<1x16xf32>,
      %get3A_555 = arith.index_cast %add3A_52 : i32 to index
      %get3A_556 = arith.constant 576 : index
      %get3A_557 = tpu.vector_load %arg8[%get3A_555, %get3A_556] {strides = array<i32>} : memref<64x768xf32, #tpu.memory_space<vmem>>, vector<1x16xf32>,
      %get3A_558 = vector.shape_cast %get3A_557 : vector<1x16xf32> to vector<16xf32>
      %get3A_559 = arith.index_cast %add3A_52 : i32 to index
      %get3A_560 = arith.constant 576 : index
      %get3A_561 = tpu.vector_load %arg9[%get3A_559, %get3A_560] {strides = array<i32>} : memref<64x768xf32, #tpu.memory_space<vmem>>, vector<1x16xf32>,
      %get3A_562 = vector.shape_cast %get3A_561 : vector<1x16xf32> to vector<16xf32>
      %add3A_563 = arith.addf %get3A_558, %get3A_562 : vector<16xf32>
      %swap3A_564 = arith.index_cast %add3A_52 : i32 to index
      %swap3A_565 = arith.constant 576 : index
      %swap3A_566 = tpu.vector_load %arg8[%swap3A_564, %swap3A_565] {strides = array<i32>} : memref<64x768xf32, #tpu.memory_space<vmem>>, vector<1x16xf32>,
      %swap3A_567 = vector.shape_cast %swap3A_566 : vector<1x16xf32> to vector<16xf32>
      %swap3A_568 = vector.shape_cast %add3A_563 : vector<16xf32> to vector<1x16xf32>
      tpu.vector_store %arg8[%swap3A_564, %swap3A_565], %swap3A_568 {strides = array<i32>} : memref<64x768xf32, #tpu.memory_space<vmem>>, vector<1x16xf32>,
      %get3A_569 = arith.index_cast %add3A_52 : i32 to index
      %get3A_570 = arith.constant 592 : index
      %get3A_571 = tpu.vector_load %arg8[%get3A_569, %get3A_570] {strides = array<i32>} : memref<64x768xf32, #tpu.memory_space<vmem>>, vector<1x16xf32>,
      %get3A_572 = vector.shape_cast %get3A_571 : vector<1x16xf32> to vector<16xf32>
      %get3A_573 = arith.index_cast %add3A_52 : i32 to index
      %get3A_574 = arith.constant 592 : index
      %get3A_575 = tpu.vector_load %arg9[%get3A_573, %get3A_574] {strides = array<i32>} : memref<64x768xf32, #tpu.memory_space<vmem>>, vector<1x16xf32>,
      %get3A_576 = vector.shape_cast %get3A_575 : vector<1x16xf32> to vector<16xf32>
      %add3A_577 = arith.addf %get3A_572, %get3A_576 : vector<16xf32>
      %swap3A_578 = arith.index_cast %add3A_52 : i32 to index
      %swap3A_579 = arith.constant 592 : index
      %swap3A_580 = tpu.vector_load %arg8[%swap3A_578, %swap3A_579] {strides = array<i32>} : memref<64x768xf32, #tpu.memory_space<vmem>>, vector<1x16xf32>,
      %swap3A_581 = vector.shape_cast %swap3A_580 : vector<1x16xf32> to vector<16xf32>
      %swap3A_582 = vector.shape_cast %add3A_577 : vector<16xf32> to vector<1x16xf32>
      tpu.vector_store %arg8[%swap3A_578, %swap3A_579], %swap3A_582 {strides = array<i32>} : memref<64x768xf32, #tpu.memory_space<vmem>>, vector<1x16xf32>,
      %get3A_583 = arith.index_cast %add3A_52 : i32 to index
      %get3A_584 = arith.constant 608 : index
      %get3A_585 = tpu.vector_load %arg8[%get3A_583, %get3A_584] {strides = array<i32>} : memref<64x768xf32, #tpu.memory_space<vmem>>, vector<1x16xf32>,
      %get3A_586 = vector.shape_cast %get3A_585 : vector<1x16xf32> to vector<16xf32>
      %get3A_587 = arith.index_cast %add3A_52 : i32 to index
      %get3A_588 = arith.constant 608 : index
      %get3A_589 = tpu.vector_load %arg9[%get3A_587, %get3A_588] {strides = array<i32>} : memref<64x768xf32, #tpu.memory_space<vmem>>, vector<1x16xf32>,
      %get3A_590 = vector.shape_cast %get3A_589 : vector<1x16xf32> to vector<16xf32>
      %add3A_591 = arith.addf %get3A_586, %get3A_590 : vector<16xf32>
      %swap3A_592 = arith.index_cast %add3A_52 : i32 to index
      %swap3A_593 = arith.constant 608 : index
      %swap3A_594 = tpu.vector_load %arg8[%swap3A_592, %swap3A_593] {strides = array<i32>} : memref<64x768xf32, #tpu.memory_space<vmem>>, vector<1x16xf32>,
      %swap3A_595 = vector.shape_cast %swap3A_594 : vector<1x16xf32> to vector<16xf32>
      %swap3A_596 = vector.shape_cast %add3A_591 : vector<16xf32> to vector<1x16xf32>
      tpu.vector_store %arg8[%swap3A_592, %swap3A_593], %swap3A_596 {strides = array<i32>} : memref<64x768xf32, #tpu.memory_space<vmem>>, vector<1x16xf32>,
      %get3A_597 = arith.index_cast %add3A_52 : i32 to index
      %get3A_598 = arith.constant 624 : index
      %get3A_599 = tpu.vector_load %arg8[%get3A_597, %get3A_598] {strides = array<i32>} : memref<64x768xf32, #tpu.memory_space<vmem>>, vector<1x16xf32>,
      %get3A_600 = vector.shape_cast %get3A_599 : vector<1x16xf32> to vector<16xf32>
      %get3A_601 = arith.index_cast %add3A_52 : i32 to index
      %get3A_602 = arith.constant 624 : index
      %get3A_603 = tpu.vector_load %arg9[%get3A_601, %get3A_602] {strides = array<i32>} : memref<64x768xf32, #tpu.memory_space<vmem>>, vector<1x16xf32>,
      %get3A_604 = vector.shape_cast %get3A_603 : vector<1x16xf32> to vector<16xf32>
      %add3A_605 = arith.addf %get3A_600, %get3A_604 : vector<16xf32>
      %swap3A_606 = arith.index_cast %add3A_52 : i32 to index
      %swap3A_607 = arith.constant 624 : index
      %swap3A_608 = tpu.vector_load %arg8[%swap3A_606, %swap3A_607] {strides = array<i32>} : memref<64x768xf32, #tpu.memory_space<vmem>>, vector<1x16xf32>,
      %swap3A_609 = vector.shape_cast %swap3A_608 : vector<1x16xf32> to vector<16xf32>
      %swap3A_610 = vector.shape_cast %add3A_605 : vector<16xf32> to vector<1x16xf32>
      tpu.vector_store %arg8[%swap3A_606, %swap3A_607], %swap3A_610 {strides = array<i32>} : memref<64x768xf32, #tpu.memory_space<vmem>>, vector<1x16xf32>,
      %get3A_611 = arith.index_cast %add3A_52 : i32 to index
      %get3A_612 = arith.constant 640 : index
      %get3A_613 = tpu.vector_load %arg8[%get3A_611, %get3A_612] {strides = array<i32>} : memref<64x768xf32, #tpu.memory_space<vmem>>, vector<1x16xf32>,
      %get3A_614 = vector.shape_cast %get3A_613 : vector<1x16xf32> to vector<16xf32>
      %get3A_615 = arith.index_cast %add3A_52 : i32 to index
      %get3A_616 = arith.constant 640 : index
      %get3A_617 = tpu.vector_load %arg9[%get3A_615, %get3A_616] {strides = array<i32>} : memref<64x768xf32, #tpu.memory_space<vmem>>, vector<1x16xf32>,
      %get3A_618 = vector.shape_cast %get3A_617 : vector<1x16xf32> to vector<16xf32>
      %add3A_619 = arith.addf %get3A_614, %get3A_618 : vector<16xf32>
      %swap3A_620 = arith.index_cast %add3A_52 : i32 to index
      %swap3A_621 = arith.constant 640 : index
      %swap3A_622 = tpu.vector_load %arg8[%swap3A_620, %swap3A_621] {strides = array<i32>} : memref<64x768xf32, #tpu.memory_space<vmem>>, vector<1x16xf32>,
      %swap3A_623 = vector.shape_cast %swap3A_622 : vector<1x16xf32> to vector<16xf32>
      %swap3A_624 = vector.shape_cast %add3A_619 : vector<16xf32> to vector<1x16xf32>
      tpu.vector_store %arg8[%swap3A_620, %swap3A_621], %swap3A_624 {strides = array<i32>} : memref<64x768xf32, #tpu.memory_space<vmem>>, vector<1x16xf32>,
      %get3A_625 = arith.index_cast %add3A_52 : i32 to index
      %get3A_626 = arith.constant 656 : index
      %get3A_627 = tpu.vector_load %arg8[%get3A_625, %get3A_626] {strides = array<i32>} : memref<64x768xf32, #tpu.memory_space<vmem>>, vector<1x16xf32>,
      %get3A_628 = vector.shape_cast %get3A_627 : vector<1x16xf32> to vector<16xf32>
      %get3A_629 = arith.index_cast %add3A_52 : i32 to index
      %get3A_630 = arith.constant 656 : index
      %get3A_631 = tpu.vector_load %arg9[%get3A_629, %get3A_630] {strides = array<i32>} : memref<64x768xf32, #tpu.memory_space<vmem>>, vector<1x16xf32>,
      %get3A_632 = vector.shape_cast %get3A_631 : vector<1x16xf32> to vector<16xf32>
      %add3A_633 = arith.addf %get3A_628, %get3A_632 : vector<16xf32>
      %swap3A_634 = arith.index_cast %add3A_52 : i32 to index
      %swap3A_635 = arith.constant 656 : index
      %swap3A_636 = tpu.vector_load %arg8[%swap3A_634, %swap3A_635] {strides = array<i32>} : memref<64x768xf32, #tpu.memory_space<vmem>>, vector<1x16xf32>,
      %swap3A_637 = vector.shape_cast %swap3A_636 : vector<1x16xf32> to vector<16xf32>
      %swap3A_638 = vector.shape_cast %add3A_633 : vector<16xf32> to vector<1x16xf32>
      tpu.vector_store %arg8[%swap3A_634, %swap3A_635], %swap3A_638 {strides = array<i32>} : memref<64x768xf32, #tpu.memory_space<vmem>>, vector<1x16xf32>,
      %get3A_639 = arith.index_cast %add3A_52 : i32 to index
      %get3A_640 = arith.constant 672 : index
      %get3A_641 = tpu.vector_load %arg8[%get3A_639, %get3A_640] {strides = array<i32>} : memref<64x768xf32, #tpu.memory_space<vmem>>, vector<1x16xf32>,
      %get3A_642 = vector.shape_cast %get3A_641 : vector<1x16xf32> to vector<16xf32>
      %get3A_643 = arith.index_cast %add3A_52 : i32 to index
      %get3A_644 = arith.constant 672 : index
      %get3A_645 = tpu.vector_load %arg9[%get3A_643, %get3A_644] {strides = array<i32>} : memref<64x768xf32, #tpu.memory_space<vmem>>, vector<1x16xf32>,
      %get3A_646 = vector.shape_cast %get3A_645 : vector<1x16xf32> to vector<16xf32>
      %add3A_647 = arith.addf %get3A_642, %get3A_646 : vector<16xf32>
      %swap3A_648 = arith.index_cast %add3A_52 : i32 to index
      %swap3A_649 = arith.constant 672 : index
      %swap3A_650 = tpu.vector_load %arg8[%swap3A_648, %swap3A_649] {strides = array<i32>} : memref<64x768xf32, #tpu.memory_space<vmem>>, vector<1x16xf32>,
      %swap3A_651 = vector.shape_cast %swap3A_650 : vector<1x16xf32> to vector<16xf32>
      %swap3A_652 = vector.shape_cast %add3A_647 : vector<16xf32> to vector<1x16xf32>
      tpu.vector_store %arg8[%swap3A_648, %swap3A_649], %swap3A_652 {strides = array<i32>} : memref<64x768xf32, #tpu.memory_space<vmem>>, vector<1x16xf32>,
      %get3A_653 = arith.index_cast %add3A_52 : i32 to index
      %get3A_654 = arith.constant 688 : index
      %get3A_655 = tpu.vector_load %arg8[%get3A_653, %get3A_654] {strides = array<i32>} : memref<64x768xf32, #tpu.memory_space<vmem>>, vector<1x16xf32>,
      %get3A_656 = vector.shape_cast %get3A_655 : vector<1x16xf32> to vector<16xf32>
      %get3A_657 = arith.index_cast %add3A_52 : i32 to index
      %get3A_658 = arith.constant 688 : index
      %get3A_659 = tpu.vector_load %arg9[%get3A_657, %get3A_658] {strides = array<i32>} : memref<64x768xf32, #tpu.memory_space<vmem>>, vector<1x16xf32>,
      %get3A_660 = vector.shape_cast %get3A_659 : vector<1x16xf32> to vector<16xf32>
      %add3A_661 = arith.addf %get3A_656, %get3A_660 : vector<16xf32>
      %swap3A_662 = arith.index_cast %add3A_52 : i32 to index
      %swap3A_663 = arith.constant 688 : index
      %swap3A_664 = tpu.vector_load %arg8[%swap3A_662, %swap3A_663] {strides = array<i32>} : memref<64x768xf32, #tpu.memory_space<vmem>>, vector<1x16xf32>,
      %swap3A_665 = vector.shape_cast %swap3A_664 : vector<1x16xf32> to vector<16xf32>
      %swap3A_666 = vector.shape_cast %add3A_661 : vector<16xf32> to vector<1x16xf32>
      tpu.vector_store %arg8[%swap3A_662, %swap3A_663], %swap3A_666 {strides = array<i32>} : memref<64x768xf32, #tpu.memory_space<vmem>>, vector<1x16xf32>,
      %get3A_667 = arith.index_cast %add3A_52 : i32 to index
      %get3A_668 = arith.constant 704 : index
      %get3A_669 = tpu.vector_load %arg8[%get3A_667, %get3A_668] {strides = array<i32>} : memref<64x768xf32, #tpu.memory_space<vmem>>, vector<1x16xf32>,
      %get3A_670 = vector.shape_cast %get3A_669 : vector<1x16xf32> to vector<16xf32>
      %get3A_671 = arith.index_cast %add3A_52 : i32 to index
      %get3A_672 = arith.constant 704 : index
      %get3A_673 = tpu.vector_load %arg9[%get3A_671, %get3A_672] {strides = array<i32>} : memref<64x768xf32, #tpu.memory_space<vmem>>, vector<1x16xf32>,
      %get3A_674 = vector.shape_cast %get3A_673 : vector<1x16xf32> to vector<16xf32>
      %add3A_675 = arith.addf %get3A_670, %get3A_674 : vector<16xf32>
      %swap3A_676 = arith.index_cast %add3A_52 : i32 to index
      %swap3A_677 = arith.constant 704 : index
      %swap3A_678 = tpu.vector_load %arg8[%swap3A_676, %swap3A_677] {strides = array<i32>} : memref<64x768xf32, #tpu.memory_space<vmem>>, vector<1x16xf32>,
      %swap3A_679 = vector.shape_cast %swap3A_678 : vector<1x16xf32> to vector<16xf32>
      %swap3A_680 = vector.shape_cast %add3A_675 : vector<16xf32> to vector<1x16xf32>
      tpu.vector_store %arg8[%swap3A_676, %swap3A_677], %swap3A_680 {strides = array<i32>} : memref<64x768xf32, #tpu.memory_space<vmem>>, vector<1x16xf32>,
      %get3A_681 = arith.index_cast %add3A_52 : i32 to index
      %get3A_682 = arith.constant 720 : index
      %get3A_683 = tpu.vector_load %arg8[%get3A_681, %get3A_682] {strides = array<i32>} : memref<64x768xf32, #tpu.memory_space<vmem>>, vector<1x16xf32>,
      %get3A_684 = vector.shape_cast %get3A_683 : vector<1x16xf32> to vector<16xf32>
      %get3A_685 = arith.index_cast %add3A_52 : i32 to index
      %get3A_686 = arith.constant 720 : index
      %get3A_687 = tpu.vector_load %arg9[%get3A_685, %get3A_686] {strides = array<i32>} : memref<64x768xf32, #tpu.memory_space<vmem>>, vector<1x16xf32>,
      %get3A_688 = vector.shape_cast %get3A_687 : vector<1x16xf32> to vector<16xf32>
      %add3A_689 = arith.addf %get3A_684, %get3A_688 : vector<16xf32>
      %swap3A_690 = arith.index_cast %add3A_52 : i32 to index
      %swap3A_691 = arith.constant 720 : index
      %swap3A_692 = tpu.vector_load %arg8[%swap3A_690, %swap3A_691] {strides = array<i32>} : memref<64x768xf32, #tpu.memory_space<vmem>>, vector<1x16xf32>,
      %swap3A_693 = vector.shape_cast %swap3A_692 : vector<1x16xf32> to vector<16xf32>
      %swap3A_694 = vector.shape_cast %add3A_689 : vector<16xf32> to vector<1x16xf32>
      tpu.vector_store %arg8[%swap3A_690, %swap3A_691], %swap3A_694 {strides = array<i32>} : memref<64x768xf32, #tpu.memory_space<vmem>>, vector<1x16xf32>,
      %get3A_695 = arith.index_cast %add3A_52 : i32 to index
      %get3A_696 = arith.constant 736 : index
      %get3A_697 = tpu.vector_load %arg8[%get3A_695, %get3A_696] {strides = array<i32>} : memref<64x768xf32, #tpu.memory_space<vmem>>, vector<1x16xf32>,
      %get3A_698 = vector.shape_cast %get3A_697 : vector<1x16xf32> to vector<16xf32>
      %get3A_699 = arith.index_cast %add3A_52 : i32 to index
      %get3A_700 = arith.constant 736 : index
      %get3A_701 = tpu.vector_load %arg9[%get3A_699, %get3A_700] {strides = array<i32>} : memref<64x768xf32, #tpu.memory_space<vmem>>, vector<1x16xf32>,
      %get3A_702 = vector.shape_cast %get3A_701 : vector<1x16xf32> to vector<16xf32>
      %add3A_703 = arith.addf %get3A_698, %get3A_702 : vector<16xf32>
      %swap3A_704 = arith.index_cast %add3A_52 : i32 to index
      %swap3A_705 = arith.constant 736 : index
      %swap3A_706 = tpu.vector_load %arg8[%swap3A_704, %swap3A_705] {strides = array<i32>} : memref<64x768xf32, #tpu.memory_space<vmem>>, vector<1x16xf32>,
      %swap3A_707 = vector.shape_cast %swap3A_706 : vector<1x16xf32> to vector<16xf32>
      %swap3A_708 = vector.shape_cast %add3A_703 : vector<16xf32> to vector<1x16xf32>
      tpu.vector_store %arg8[%swap3A_704, %swap3A_705], %swap3A_708 {strides = array<i32>} : memref<64x768xf32, #tpu.memory_space<vmem>>, vector<1x16xf32>,
      %get3A_709 = arith.index_cast %add3A_52 : i32 to index
      %get3A_710 = arith.constant 752 : index
      %get3A_711 = tpu.vector_load %arg8[%get3A_709, %get3A_710] {strides = array<i32>} : memref<64x768xf32, #tpu.memory_space<vmem>>, vector<1x16xf32>,
      %get3A_712 = vector.shape_cast %get3A_711 : vector<1x16xf32> to vector<16xf32>
      %get3A_713 = arith.index_cast %add3A_52 : i32 to index
      %get3A_714 = arith.constant 752 : index
      %get3A_715 = tpu.vector_load %arg9[%get3A_713, %get3A_714] {strides = array<i32>} : memref<64x768xf32, #tpu.memory_space<vmem>>, vector<1x16xf32>,
      %get3A_716 = vector.shape_cast %get3A_715 : vector<1x16xf32> to vector<16xf32>
      %add3A_717 = arith.addf %get3A_712, %get3A_716 : vector<16xf32>
      %swap3A_718 = arith.index_cast %add3A_52 : i32 to index
      %swap3A_719 = arith.constant 752 : index
      %swap3A_720 = tpu.vector_load %arg8[%swap3A_718, %swap3A_719] {strides = array<i32>} : memref<64x768xf32, #tpu.memory_space<vmem>>, vector<1x16xf32>,
      %swap3A_721 = vector.shape_cast %swap3A_720 : vector<1x16xf32> to vector<16xf32>
      %swap3A_722 = vector.shape_cast %add3A_717 : vector<16xf32> to vector<1x16xf32>
      tpu.vector_store %arg8[%swap3A_718, %swap3A_719], %swap3A_722 {strides = array<i32>} : memref<64x768xf32, #tpu.memory_space<vmem>>, vector<1x16xf32>,
    }
    %scan3A_28 = arith.constant 64 : i32
    %dma_start3A_29 = arith.constant 0 : i32
    %dma_start3A_30 = arith.constant 0 : i32
    %dma_start3A_31 = tpu.memref_slice %arg3[%dma_start3A_29, %dma_start3A_30] : memref<6144x768xf32, #tpu.memory_space<hbm>> -> memref<6144x768xf32, #tpu.memory_space<hbm>>
    tpu.enqueue_indirect_dma source(%dma_start3A_31 : memref<6144x768xf32, #tpu.memory_space<hbm>>) target(%arg9 : memref<64x768xf32, #tpu.memory_space<vmem>>) offsets(%arg7 : memref<64xi32, #tpu.memory_space<vmem>>) semaphore(%arg11 : memref<!tpu.dma_semaphore, #tpu.memory_space<semaphore_mem>>)
    %dma_wait3A_32 = arith.constant 0 : i32
    %dma_wait3A_33 = arith.constant 0 : i32
    %dma_wait3A_34 = tpu.memref_slice %arg3[%dma_wait3A_32, %dma_wait3A_33] : memref<6144x768xf32, #tpu.memory_space<hbm>> -> memref<6144x768xf32, #tpu.memory_space<hbm>>
    tpu.wait_indirect_dma semaphore(%arg11 : memref<!tpu.dma_semaphore, #tpu.memory_space<semaphore_mem>>) src(%dma_wait3A_34 : memref<6144x768xf32, #tpu.memory_space<hbm>>) dst(%arg9 : memref<64x768xf32, #tpu.memory_space<vmem>>)
    %scan3A_35 = arith.constant 0 : i32
    %scan3A_36 = arith.constant 64 : i32
    %scan3A_37 = arith.addi %scan3A_35, %scan3A_36 : i32
    %scan3A_38 = arith.constant 1 : i32
    scf.for %scan3A_48 = %scan3A_35 to %scan3A_37 step %scan3A_38  : i32 {
      %mul3A_49 = arith.constant 1 : i32
      %mul3A_50 = arith.muli %scan3A_48, %mul3A_49 : i32
      %add3A_51 = arith.constant 0 : i32
      %add3A_52 = arith.addi %add3A_51, %mul3A_50 : i32
      %get3A = arith.index_cast %add3A_52 : i32 to index
      %get3A_53 = arith.constant 0 : index
      %get3A_54 = tpu.vector_load %arg8[%get3A, %get3A_53] {strides = array<i32>} : memref<64x768xf32, #tpu.memory_space<vmem>>, vector<1x16xf32>,
      %get3A_55 = vector.shape_cast %get3A_54 : vector<1x16xf32> to vector<16xf32>
      %get3A_56 = arith.index_cast %add3A_52 : i32 to index
      %get3A_57 = arith.constant 0 : index
      %get3A_58 = tpu.vector_load %arg9[%get3A_56, %get3A_57] {strides = array<i32>} : memref<64x768xf32, #tpu.memory_space<vmem>>, vector<1x16xf32>,
      %get3A_59 = vector.shape_cast %get3A_58 : vector<1x16xf32> to vector<16xf32>
      %add3A_60 = arith.addf %get3A_55, %get3A_59 : vector<16xf32>
      %swap3A = arith.index_cast %add3A_52 : i32 to index
      %swap3A_61 = arith.constant 0 : index
      %swap3A_62 = tpu.vector_load %arg8[%swap3A, %swap3A_61] {strides = array<i32>} : memref<64x768xf32, #tpu.memory_space<vmem>>, vector<1x16xf32>,
      %swap3A_63 = vector.shape_cast %swap3A_62 : vector<1x16xf32> to vector<16xf32>
      %swap3A_64 = vector.shape_cast %add3A_60 : vector<16xf32> to vector<1x16xf32>
      tpu.vector_store %arg8[%swap3A, %swap3A_61], %swap3A_64 {strides = array<i32>} : memref<64x768xf32, #tpu.memory_space<vmem>>, vector<1x16xf32>,
      %get3A_65 = arith.index_cast %add3A_52 : i32 to index
      %get3A_66 = arith.constant 16 : index
      %get3A_67 = tpu.vector_load %arg8[%get3A_65, %get3A_66] {strides = array<i32>} : memref<64x768xf32, #tpu.memory_space<vmem>>, vector<1x16xf32>,
      %get3A_68 = vector.shape_cast %get3A_67 : vector<1x16xf32> to vector<16xf32>
      %get3A_69 = arith.index_cast %add3A_52 : i32 to index
      %get3A_70 = arith.constant 16 : index
      %get3A_71 = tpu.vector_load %arg9[%get3A_69, %get3A_70] {strides = array<i32>} : memref<64x768xf32, #tpu.memory_space<vmem>>, vector<1x16xf32>,
      %get3A_72 = vector.shape_cast %get3A_71 : vector<1x16xf32> to vector<16xf32>
      %add3A_73 = arith.addf %get3A_68, %get3A_72 : vector<16xf32>
      %swap3A_74 = arith.index_cast %add3A_52 : i32 to index
      %swap3A_75 = arith.constant 16 : index
      %swap3A_76 = tpu.vector_load %arg8[%swap3A_74, %swap3A_75] {strides = array<i32>} : memref<64x768xf32, #tpu.memory_space<vmem>>, vector<1x16xf32>,
      %swap3A_77 = vector.shape_cast %swap3A_76 : vector<1x16xf32> to vector<16xf32>
      %swap3A_78 = vector.shape_cast %add3A_73 : vector<16xf32> to vector<1x16xf32>
      tpu.vector_store %arg8[%swap3A_74, %swap3A_75], %swap3A_78 {strides = array<i32>} : memref<64x768xf32, #tpu.memory_space<vmem>>, vector<1x16xf32>,
      %get3A_79 = arith.index_cast %add3A_52 : i32 to index
      %get3A_80 = arith.constant 32 : index
      %get3A_81 = tpu.vector_load %arg8[%get3A_79, %get3A_80] {strides = array<i32>} : memref<64x768xf32, #tpu.memory_space<vmem>>, vector<1x16xf32>,
      %get3A_82 = vector.shape_cast %get3A_81 : vector<1x16xf32> to vector<16xf32>
      %get3A_83 = arith.index_cast %add3A_52 : i32 to index
      %get3A_84 = arith.constant 32 : index
      %get3A_85 = tpu.vector_load %arg9[%get3A_83, %get3A_84] {strides = array<i32>} : memref<64x768xf32, #tpu.memory_space<vmem>>, vector<1x16xf32>,
      %get3A_86 = vector.shape_cast %get3A_85 : vector<1x16xf32> to vector<16xf32>
      %add3A_87 = arith.addf %get3A_82, %get3A_86 : vector<16xf32>
      %swap3A_88 = arith.index_cast %add3A_52 : i32 to index
      %swap3A_89 = arith.constant 32 : index
      %swap3A_90 = tpu.vector_load %arg8[%swap3A_88, %swap3A_89] {strides = array<i32>} : memref<64x768xf32, #tpu.memory_space<vmem>>, vector<1x16xf32>,
      %swap3A_91 = vector.shape_cast %swap3A_90 : vector<1x16xf32> to vector<16xf32>
      %swap3A_92 = vector.shape_cast %add3A_87 : vector<16xf32> to vector<1x16xf32>
      tpu.vector_store %arg8[%swap3A_88, %swap3A_89], %swap3A_92 {strides = array<i32>} : memref<64x768xf32, #tpu.memory_space<vmem>>, vector<1x16xf32>,
      %get3A_93 = arith.index_cast %add3A_52 : i32 to index
      %get3A_94 = arith.constant 48 : index
      %get3A_95 = tpu.vector_load %arg8[%get3A_93, %get3A_94] {strides = array<i32>} : memref<64x768xf32, #tpu.memory_space<vmem>>, vector<1x16xf32>,
      %get3A_96 = vector.shape_cast %get3A_95 : vector<1x16xf32> to vector<16xf32>
      %get3A_97 = arith.index_cast %add3A_52 : i32 to index
      %get3A_98 = arith.constant 48 : index
      %get3A_99 = tpu.vector_load %arg9[%get3A_97, %get3A_98] {strides = array<i32>} : memref<64x768xf32, #tpu.memory_space<vmem>>, vector<1x16xf32>,
      %get3A_100 = vector.shape_cast %get3A_99 : vector<1x16xf32> to vector<16xf32>
      %add3A_101 = arith.addf %get3A_96, %get3A_100 : vector<16xf32>
      %swap3A_102 = arith.index_cast %add3A_52 : i32 to index
      %swap3A_103 = arith.constant 48 : index
      %swap3A_104 = tpu.vector_load %arg8[%swap3A_102, %swap3A_103] {strides = array<i32>} : memref<64x768xf32, #tpu.memory_space<vmem>>, vector<1x16xf32>,
      %swap3A_105 = vector.shape_cast %swap3A_104 : vector<1x16xf32> to vector<16xf32>
      %swap3A_106 = vector.shape_cast %add3A_101 : vector<16xf32> to vector<1x16xf32>
      tpu.vector_store %arg8[%swap3A_102, %swap3A_103], %swap3A_106 {strides = array<i32>} : memref<64x768xf32, #tpu.memory_space<vmem>>, vector<1x16xf32>,
      %get3A_107 = arith.index_cast %add3A_52 : i32 to index
      %get3A_108 = arith.constant 64 : index
      %get3A_109 = tpu.vector_load %arg8[%get3A_107, %get3A_108] {strides = array<i32>} : memref<64x768xf32, #tpu.memory_space<vmem>>, vector<1x16xf32>,
      %get3A_110 = vector.shape_cast %get3A_109 : vector<1x16xf32> to vector<16xf32>
      %get3A_111 = arith.index_cast %add3A_52 : i32 to index
      %get3A_112 = arith.constant 64 : index
      %get3A_113 = tpu.vector_load %arg9[%get3A_111, %get3A_112] {strides = array<i32>} : memref<64x768xf32, #tpu.memory_space<vmem>>, vector<1x16xf32>,
      %get3A_114 = vector.shape_cast %get3A_113 : vector<1x16xf32> to vector<16xf32>
      %add3A_115 = arith.addf %get3A_110, %get3A_114 : vector<16xf32>
      %swap3A_116 = arith.index_cast %add3A_52 : i32 to index
      %swap3A_117 = arith.constant 64 : index
      %swap3A_118 = tpu.vector_load %arg8[%swap3A_116, %swap3A_117] {strides = array<i32>} : memref<64x768xf32, #tpu.memory_space<vmem>>, vector<1x16xf32>,
      %swap3A_119 = vector.shape_cast %swap3A_118 : vector<1x16xf32> to vector<16xf32>
      %swap3A_120 = vector.shape_cast %add3A_115 : vector<16xf32> to vector<1x16xf32>
      tpu.vector_store %arg8[%swap3A_116, %swap3A_117], %swap3A_120 {strides = array<i32>} : memref<64x768xf32, #tpu.memory_space<vmem>>, vector<1x16xf32>,
      %get3A_121 = arith.index_cast %add3A_52 : i32 to index
      %get3A_122 = arith.constant 80 : index
      %get3A_123 = tpu.vector_load %arg8[%get3A_121, %get3A_122] {strides = array<i32>} : memref<64x768xf32, #tpu.memory_space<vmem>>, vector<1x16xf32>,
      %get3A_124 = vector.shape_cast %get3A_123 : vector<1x16xf32> to vector<16xf32>
      %get3A_125 = arith.index_cast %add3A_52 : i32 to index
      %get3A_126 = arith.constant 80 : index
      %get3A_127 = tpu.vector_load %arg9[%get3A_125, %get3A_126] {strides = array<i32>} : memref<64x768xf32, #tpu.memory_space<vmem>>, vector<1x16xf32>,
      %get3A_128 = vector.shape_cast %get3A_127 : vector<1x16xf32> to vector<16xf32>
      %add3A_129 = arith.addf %get3A_124, %get3A_128 : vector<16xf32>
      %swap3A_130 = arith.index_cast %add3A_52 : i32 to index
      %swap3A_131 = arith.constant 80 : index
      %swap3A_132 = tpu.vector_load %arg8[%swap3A_130, %swap3A_131] {strides = array<i32>} : memref<64x768xf32, #tpu.memory_space<vmem>>, vector<1x16xf32>,
      %swap3A_133 = vector.shape_cast %swap3A_132 : vector<1x16xf32> to vector<16xf32>
      %swap3A_134 = vector.shape_cast %add3A_129 : vector<16xf32> to vector<1x16xf32>
      tpu.vector_store %arg8[%swap3A_130, %swap3A_131], %swap3A_134 {strides = array<i32>} : memref<64x768xf32, #tpu.memory_space<vmem>>, vector<1x16xf32>,
      %get3A_135 = arith.index_cast %add3A_52 : i32 to index
      %get3A_136 = arith.constant 96 : index
      %get3A_137 = tpu.vector_load %arg8[%get3A_135, %get3A_136] {strides = array<i32>} : memref<64x768xf32, #tpu.memory_space<vmem>>, vector<1x16xf32>,
      %get3A_138 = vector.shape_cast %get3A_137 : vector<1x16xf32> to vector<16xf32>
      %get3A_139 = arith.index_cast %add3A_52 : i32 to index
      %get3A_140 = arith.constant 96 : index
      %get3A_141 = tpu.vector_load %arg9[%get3A_139, %get3A_140] {strides = array<i32>} : memref<64x768xf32, #tpu.memory_space<vmem>>, vector<1x16xf32>,
      %get3A_142 = vector.shape_cast %get3A_141 : vector<1x16xf32> to vector<16xf32>
      %add3A_143 = arith.addf %get3A_138, %get3A_142 : vector<16xf32>
      %swap3A_144 = arith.index_cast %add3A_52 : i32 to index
      %swap3A_145 = arith.constant 96 : index
      %swap3A_146 = tpu.vector_load %arg8[%swap3A_144, %swap3A_145] {strides = array<i32>} : memref<64x768xf32, #tpu.memory_space<vmem>>, vector<1x16xf32>,
      %swap3A_147 = vector.shape_cast %swap3A_146 : vector<1x16xf32> to vector<16xf32>
      %swap3A_148 = vector.shape_cast %add3A_143 : vector<16xf32> to vector<1x16xf32>
      tpu.vector_store %arg8[%swap3A_144, %swap3A_145], %swap3A_148 {strides = array<i32>} : memref<64x768xf32, #tpu.memory_space<vmem>>, vector<1x16xf32>,
      %get3A_149 = arith.index_cast %add3A_52 : i32 to index
      %get3A_150 = arith.constant 112 : index
      %get3A_151 = tpu.vector_load %arg8[%get3A_149, %get3A_150] {strides = array<i32>} : memref<64x768xf32, #tpu.memory_space<vmem>>, vector<1x16xf32>,
      %get3A_152 = vector.shape_cast %get3A_151 : vector<1x16xf32> to vector<16xf32>
      %get3A_153 = arith.index_cast %add3A_52 : i32 to index
      %get3A_154 = arith.constant 112 : index
      %get3A_155 = tpu.vector_load %arg9[%get3A_153, %get3A_154] {strides = array<i32>} : memref<64x768xf32, #tpu.memory_space<vmem>>, vector<1x16xf32>,
      %get3A_156 = vector.shape_cast %get3A_155 : vector<1x16xf32> to vector<16xf32>
      %add3A_157 = arith.addf %get3A_152, %get3A_156 : vector<16xf32>
      %swap3A_158 = arith.index_cast %add3A_52 : i32 to index
      %swap3A_159 = arith.constant 112 : index
      %swap3A_160 = tpu.vector_load %arg8[%swap3A_158, %swap3A_159] {strides = array<i32>} : memref<64x768xf32, #tpu.memory_space<vmem>>, vector<1x16xf32>,
      %swap3A_161 = vector.shape_cast %swap3A_160 : vector<1x16xf32> to vector<16xf32>
      %swap3A_162 = vector.shape_cast %add3A_157 : vector<16xf32> to vector<1x16xf32>
      tpu.vector_store %arg8[%swap3A_158, %swap3A_159], %swap3A_162 {strides = array<i32>} : memref<64x768xf32, #tpu.memory_space<vmem>>, vector<1x16xf32>,
      %get3A_163 = arith.index_cast %add3A_52 : i32 to index
      %get3A_164 = arith.constant 128 : index
      %get3A_165 = tpu.vector_load %arg8[%get3A_163, %get3A_164] {strides = array<i32>} : memref<64x768xf32, #tpu.memory_space<vmem>>, vector<1x16xf32>,
      %get3A_166 = vector.shape_cast %get3A_165 : vector<1x16xf32> to vector<16xf32>
      %get3A_167 = arith.index_cast %add3A_52 : i32 to index
      %get3A_168 = arith.constant 128 : index
      %get3A_169 = tpu.vector_load %arg9[%get3A_167, %get3A_168] {strides = array<i32>} : memref<64x768xf32, #tpu.memory_space<vmem>>, vector<1x16xf32>,
      %get3A_170 = vector.shape_cast %get3A_169 : vector<1x16xf32> to vector<16xf32>
      %add3A_171 = arith.addf %get3A_166, %get3A_170 : vector<16xf32>
      %swap3A_172 = arith.index_cast %add3A_52 : i32 to index
      %swap3A_173 = arith.constant 128 : index
      %swap3A_174 = tpu.vector_load %arg8[%swap3A_172, %swap3A_173] {strides = array<i32>} : memref<64x768xf32, #tpu.memory_space<vmem>>, vector<1x16xf32>,
      %swap3A_175 = vector.shape_cast %swap3A_174 : vector<1x16xf32> to vector<16xf32>
      %swap3A_176 = vector.shape_cast %add3A_171 : vector<16xf32> to vector<1x16xf32>
      tpu.vector_store %arg8[%swap3A_172, %swap3A_173], %swap3A_176 {strides = array<i32>} : memref<64x768xf32, #tpu.memory_space<vmem>>, vector<1x16xf32>,
      %get3A_177 = arith.index_cast %add3A_52 : i32 to index
      %get3A_178 = arith.constant 144 : index
      %get3A_179 = tpu.vector_load %arg8[%get3A_177, %get3A_178] {strides = array<i32>} : memref<64x768xf32, #tpu.memory_space<vmem>>, vector<1x16xf32>,
      %get3A_180 = vector.shape_cast %get3A_179 : vector<1x16xf32> to vector<16xf32>
      %get3A_181 = arith.index_cast %add3A_52 : i32 to index
      %get3A_182 = arith.constant 144 : index
      %get3A_183 = tpu.vector_load %arg9[%get3A_181, %get3A_182] {strides = array<i32>} : memref<64x768xf32, #tpu.memory_space<vmem>>, vector<1x16xf32>,
      %get3A_184 = vector.shape_cast %get3A_183 : vector<1x16xf32> to vector<16xf32>
      %add3A_185 = arith.addf %get3A_180, %get3A_184 : vector<16xf32>
      %swap3A_186 = arith.index_cast %add3A_52 : i32 to index
      %swap3A_187 = arith.constant 144 : index
      %swap3A_188 = tpu.vector_load %arg8[%swap3A_186, %swap3A_187] {strides = array<i32>} : memref<64x768xf32, #tpu.memory_space<vmem>>, vector<1x16xf32>,
      %swap3A_189 = vector.shape_cast %swap3A_188 : vector<1x16xf32> to vector<16xf32>
      %swap3A_190 = vector.shape_cast %add3A_185 : vector<16xf32> to vector<1x16xf32>
      tpu.vector_store %arg8[%swap3A_186, %swap3A_187], %swap3A_190 {strides = array<i32>} : memref<64x768xf32, #tpu.memory_space<vmem>>, vector<1x16xf32>,
      %get3A_191 = arith.index_cast %add3A_52 : i32 to index
      %get3A_192 = arith.constant 160 : index
      %get3A_193 = tpu.vector_load %arg8[%get3A_191, %get3A_192] {strides = array<i32>} : memref<64x768xf32, #tpu.memory_space<vmem>>, vector<1x16xf32>,
      %get3A_194 = vector.shape_cast %get3A_193 : vector<1x16xf32> to vector<16xf32>
      %get3A_195 = arith.index_cast %add3A_52 : i32 to index
      %get3A_196 = arith.constant 160 : index
      %get3A_197 = tpu.vector_load %arg9[%get3A_195, %get3A_196] {strides = array<i32>} : memref<64x768xf32, #tpu.memory_space<vmem>>, vector<1x16xf32>,
      %get3A_198 = vector.shape_cast %get3A_197 : vector<1x16xf32> to vector<16xf32>
      %add3A_199 = arith.addf %get3A_194, %get3A_198 : vector<16xf32>
      %swap3A_200 = arith.index_cast %add3A_52 : i32 to index
      %swap3A_201 = arith.constant 160 : index
      %swap3A_202 = tpu.vector_load %arg8[%swap3A_200, %swap3A_201] {strides = array<i32>} : memref<64x768xf32, #tpu.memory_space<vmem>>, vector<1x16xf32>,
      %swap3A_203 = vector.shape_cast %swap3A_202 : vector<1x16xf32> to vector<16xf32>
      %swap3A_204 = vector.shape_cast %add3A_199 : vector<16xf32> to vector<1x16xf32>
      tpu.vector_store %arg8[%swap3A_200, %swap3A_201], %swap3A_204 {strides = array<i32>} : memref<64x768xf32, #tpu.memory_space<vmem>>, vector<1x16xf32>,
      %get3A_205 = arith.index_cast %add3A_52 : i32 to index
      %get3A_206 = arith.constant 176 : index
      %get3A_207 = tpu.vector_load %arg8[%get3A_205, %get3A_206] {strides = array<i32>} : memref<64x768xf32, #tpu.memory_space<vmem>>, vector<1x16xf32>,
      %get3A_208 = vector.shape_cast %get3A_207 : vector<1x16xf32> to vector<16xf32>
      %get3A_209 = arith.index_cast %add3A_52 : i32 to index
      %get3A_210 = arith.constant 176 : index
      %get3A_211 = tpu.vector_load %arg9[%get3A_209, %get3A_210] {strides = array<i32>} : memref<64x768xf32, #tpu.memory_space<vmem>>, vector<1x16xf32>,
      %get3A_212 = vector.shape_cast %get3A_211 : vector<1x16xf32> to vector<16xf32>
      %add3A_213 = arith.addf %get3A_208, %get3A_212 : vector<16xf32>
      %swap3A_214 = arith.index_cast %add3A_52 : i32 to index
      %swap3A_215 = arith.constant 176 : index
      %swap3A_216 = tpu.vector_load %arg8[%swap3A_214, %swap3A_215] {strides = array<i32>} : memref<64x768xf32, #tpu.memory_space<vmem>>, vector<1x16xf32>,
      %swap3A_217 = vector.shape_cast %swap3A_216 : vector<1x16xf32> to vector<16xf32>
      %swap3A_218 = vector.shape_cast %add3A_213 : vector<16xf32> to vector<1x16xf32>
      tpu.vector_store %arg8[%swap3A_214, %swap3A_215], %swap3A_218 {strides = array<i32>} : memref<64x768xf32, #tpu.memory_space<vmem>>, vector<1x16xf32>,
      %get3A_219 = arith.index_cast %add3A_52 : i32 to index
      %get3A_220 = arith.constant 192 : index
      %get3A_221 = tpu.vector_load %arg8[%get3A_219, %get3A_220] {strides = array<i32>} : memref<64x768xf32, #tpu.memory_space<vmem>>, vector<1x16xf32>,
      %get3A_222 = vector.shape_cast %get3A_221 : vector<1x16xf32> to vector<16xf32>
      %get3A_223 = arith.index_cast %add3A_52 : i32 to index
      %get3A_224 = arith.constant 192 : index
      %get3A_225 = tpu.vector_load %arg9[%get3A_223, %get3A_224] {strides = array<i32>} : memref<64x768xf32, #tpu.memory_space<vmem>>, vector<1x16xf32>,
      %get3A_226 = vector.shape_cast %get3A_225 : vector<1x16xf32> to vector<16xf32>
      %add3A_227 = arith.addf %get3A_222, %get3A_226 : vector<16xf32>
      %swap3A_228 = arith.index_cast %add3A_52 : i32 to index
      %swap3A_229 = arith.constant 192 : index
      %swap3A_230 = tpu.vector_load %arg8[%swap3A_228, %swap3A_229] {strides = array<i32>} : memref<64x768xf32, #tpu.memory_space<vmem>>, vector<1x16xf32>,
      %swap3A_231 = vector.shape_cast %swap3A_230 : vector<1x16xf32> to vector<16xf32>
      %swap3A_232 = vector.shape_cast %add3A_227 : vector<16xf32> to vector<1x16xf32>
      tpu.vector_store %arg8[%swap3A_228, %swap3A_229], %swap3A_232 {strides = array<i32>} : memref<64x768xf32, #tpu.memory_space<vmem>>, vector<1x16xf32>,
      %get3A_233 = arith.index_cast %add3A_52 : i32 to index
      %get3A_234 = arith.constant 208 : index
      %get3A_235 = tpu.vector_load %arg8[%get3A_233, %get3A_234] {strides = array<i32>} : memref<64x768xf32, #tpu.memory_space<vmem>>, vector<1x16xf32>,
      %get3A_236 = vector.shape_cast %get3A_235 : vector<1x16xf32> to vector<16xf32>
      %get3A_237 = arith.index_cast %add3A_52 : i32 to index
      %get3A_238 = arith.constant 208 : index
      %get3A_239 = tpu.vector_load %arg9[%get3A_237, %get3A_238] {strides = array<i32>} : memref<64x768xf32, #tpu.memory_space<vmem>>, vector<1x16xf32>,
      %get3A_240 = vector.shape_cast %get3A_239 : vector<1x16xf32> to vector<16xf32>
      %add3A_241 = arith.addf %get3A_236, %get3A_240 : vector<16xf32>
      %swap3A_242 = arith.index_cast %add3A_52 : i32 to index
      %swap3A_243 = arith.constant 208 : index
      %swap3A_244 = tpu.vector_load %arg8[%swap3A_242, %swap3A_243] {strides = array<i32>} : memref<64x768xf32, #tpu.memory_space<vmem>>, vector<1x16xf32>,
      %swap3A_245 = vector.shape_cast %swap3A_244 : vector<1x16xf32> to vector<16xf32>
      %swap3A_246 = vector.shape_cast %add3A_241 : vector<16xf32> to vector<1x16xf32>
      tpu.vector_store %arg8[%swap3A_242, %swap3A_243], %swap3A_246 {strides = array<i32>} : memref<64x768xf32, #tpu.memory_space<vmem>>, vector<1x16xf32>,
      %get3A_247 = arith.index_cast %add3A_52 : i32 to index
      %get3A_248 = arith.constant 224 : index
      %get3A_249 = tpu.vector_load %arg8[%get3A_247, %get3A_248] {strides = array<i32>} : memref<64x768xf32, #tpu.memory_space<vmem>>, vector<1x16xf32>,
      %get3A_250 = vector.shape_cast %get3A_249 : vector<1x16xf32> to vector<16xf32>
      %get3A_251 = arith.index_cast %add3A_52 : i32 to index
      %get3A_252 = arith.constant 224 : index
      %get3A_253 = tpu.vector_load %arg9[%get3A_251, %get3A_252] {strides = array<i32>} : memref<64x768xf32, #tpu.memory_space<vmem>>, vector<1x16xf32>,
      %get3A_254 = vector.shape_cast %get3A_253 : vector<1x16xf32> to vector<16xf32>
      %add3A_255 = arith.addf %get3A_250, %get3A_254 : vector<16xf32>
      %swap3A_256 = arith.index_cast %add3A_52 : i32 to index
      %swap3A_257 = arith.constant 224 : index
      %swap3A_258 = tpu.vector_load %arg8[%swap3A_256, %swap3A_257] {strides = array<i32>} : memref<64x768xf32, #tpu.memory_space<vmem>>, vector<1x16xf32>,
      %swap3A_259 = vector.shape_cast %swap3A_258 : vector<1x16xf32> to vector<16xf32>
      %swap3A_260 = vector.shape_cast %add3A_255 : vector<16xf32> to vector<1x16xf32>
      tpu.vector_store %arg8[%swap3A_256, %swap3A_257], %swap3A_260 {strides = array<i32>} : memref<64x768xf32, #tpu.memory_space<vmem>>, vector<1x16xf32>,
      %get3A_261 = arith.index_cast %add3A_52 : i32 to index
      %get3A_262 = arith.constant 240 : index
      %get3A_263 = tpu.vector_load %arg8[%get3A_261, %get3A_262] {strides = array<i32>} : memref<64x768xf32, #tpu.memory_space<vmem>>, vector<1x16xf32>,
      %get3A_264 = vector.shape_cast %get3A_263 : vector<1x16xf32> to vector<16xf32>
      %get3A_265 = arith.index_cast %add3A_52 : i32 to index
      %get3A_266 = arith.constant 240 : index
      %get3A_267 = tpu.vector_load %arg9[%get3A_265, %get3A_266] {strides = array<i32>} : memref<64x768xf32, #tpu.memory_space<vmem>>, vector<1x16xf32>,
      %get3A_268 = vector.shape_cast %get3A_267 : vector<1x16xf32> to vector<16xf32>
      %add3A_269 = arith.addf %get3A_264, %get3A_268 : vector<16xf32>
      %swap3A_270 = arith.index_cast %add3A_52 : i32 to index
      %swap3A_271 = arith.constant 240 : index
      %swap3A_272 = tpu.vector_load %arg8[%swap3A_270, %swap3A_271] {strides = array<i32>} : memref<64x768xf32, #tpu.memory_space<vmem>>, vector<1x16xf32>,
      %swap3A_273 = vector.shape_cast %swap3A_272 : vector<1x16xf32> to vector<16xf32>
      %swap3A_274 = vector.shape_cast %add3A_269 : vector<16xf32> to vector<1x16xf32>
      tpu.vector_store %arg8[%swap3A_270, %swap3A_271], %swap3A_274 {strides = array<i32>} : memref<64x768xf32, #tpu.memory_space<vmem>>, vector<1x16xf32>,
      %get3A_275 = arith.index_cast %add3A_52 : i32 to index
      %get3A_276 = arith.constant 256 : index
      %get3A_277 = tpu.vector_load %arg8[%get3A_275, %get3A_276] {strides = array<i32>} : memref<64x768xf32, #tpu.memory_space<vmem>>, vector<1x16xf32>,
      %get3A_278 = vector.shape_cast %get3A_277 : vector<1x16xf32> to vector<16xf32>
      %get3A_279 = arith.index_cast %add3A_52 : i32 to index
      %get3A_280 = arith.constant 256 : index
      %get3A_281 = tpu.vector_load %arg9[%get3A_279, %get3A_280] {strides = array<i32>} : memref<64x768xf32, #tpu.memory_space<vmem>>, vector<1x16xf32>,
      %get3A_282 = vector.shape_cast %get3A_281 : vector<1x16xf32> to vector<16xf32>
      %add3A_283 = arith.addf %get3A_278, %get3A_282 : vector<16xf32>
      %swap3A_284 = arith.index_cast %add3A_52 : i32 to index
      %swap3A_285 = arith.constant 256 : index
      %swap3A_286 = tpu.vector_load %arg8[%swap3A_284, %swap3A_285] {strides = array<i32>} : memref<64x768xf32, #tpu.memory_space<vmem>>, vector<1x16xf32>,
      %swap3A_287 = vector.shape_cast %swap3A_286 : vector<1x16xf32> to vector<16xf32>
      %swap3A_288 = vector.shape_cast %add3A_283 : vector<16xf32> to vector<1x16xf32>
      tpu.vector_store %arg8[%swap3A_284, %swap3A_285], %swap3A_288 {strides = array<i32>} : memref<64x768xf32, #tpu.memory_space<vmem>>, vector<1x16xf32>,
      %get3A_289 = arith.index_cast %add3A_52 : i32 to index
      %get3A_290 = arith.constant 272 : index
      %get3A_291 = tpu.vector_load %arg8[%get3A_289, %get3A_290] {strides = array<i32>} : memref<64x768xf32, #tpu.memory_space<vmem>>, vector<1x16xf32>,
      %get3A_292 = vector.shape_cast %get3A_291 : vector<1x16xf32> to vector<16xf32>
      %get3A_293 = arith.index_cast %add3A_52 : i32 to index
      %get3A_294 = arith.constant 272 : index
      %get3A_295 = tpu.vector_load %arg9[%get3A_293, %get3A_294] {strides = array<i32>} : memref<64x768xf32, #tpu.memory_space<vmem>>, vector<1x16xf32>,
      %get3A_296 = vector.shape_cast %get3A_295 : vector<1x16xf32> to vector<16xf32>
      %add3A_297 = arith.addf %get3A_292, %get3A_296 : vector<16xf32>
      %swap3A_298 = arith.index_cast %add3A_52 : i32 to index
      %swap3A_299 = arith.constant 272 : index
      %swap3A_300 = tpu.vector_load %arg8[%swap3A_298, %swap3A_299] {strides = array<i32>} : memref<64x768xf32, #tpu.memory_space<vmem>>, vector<1x16xf32>,
      %swap3A_301 = vector.shape_cast %swap3A_300 : vector<1x16xf32> to vector<16xf32>
      %swap3A_302 = vector.shape_cast %add3A_297 : vector<16xf32> to vector<1x16xf32>
      tpu.vector_store %arg8[%swap3A_298, %swap3A_299], %swap3A_302 {strides = array<i32>} : memref<64x768xf32, #tpu.memory_space<vmem>>, vector<1x16xf32>,
      %get3A_303 = arith.index_cast %add3A_52 : i32 to index
      %get3A_304 = arith.constant 288 : index
      %get3A_305 = tpu.vector_load %arg8[%get3A_303, %get3A_304] {strides = array<i32>} : memref<64x768xf32, #tpu.memory_space<vmem>>, vector<1x16xf32>,
      %get3A_306 = vector.shape_cast %get3A_305 : vector<1x16xf32> to vector<16xf32>
      %get3A_307 = arith.index_cast %add3A_52 : i32 to index
      %get3A_308 = arith.constant 288 : index
      %get3A_309 = tpu.vector_load %arg9[%get3A_307, %get3A_308] {strides = array<i32>} : memref<64x768xf32, #tpu.memory_space<vmem>>, vector<1x16xf32>,
      %get3A_310 = vector.shape_cast %get3A_309 : vector<1x16xf32> to vector<16xf32>
      %add3A_311 = arith.addf %get3A_306, %get3A_310 : vector<16xf32>
      %swap3A_312 = arith.index_cast %add3A_52 : i32 to index
      %swap3A_313 = arith.constant 288 : index
      %swap3A_314 = tpu.vector_load %arg8[%swap3A_312, %swap3A_313] {strides = array<i32>} : memref<64x768xf32, #tpu.memory_space<vmem>>, vector<1x16xf32>,
      %swap3A_315 = vector.shape_cast %swap3A_314 : vector<1x16xf32> to vector<16xf32>
      %swap3A_316 = vector.shape_cast %add3A_311 : vector<16xf32> to vector<1x16xf32>
      tpu.vector_store %arg8[%swap3A_312, %swap3A_313], %swap3A_316 {strides = array<i32>} : memref<64x768xf32, #tpu.memory_space<vmem>>, vector<1x16xf32>,
      %get3A_317 = arith.index_cast %add3A_52 : i32 to index
      %get3A_318 = arith.constant 304 : index
      %get3A_319 = tpu.vector_load %arg8[%get3A_317, %get3A_318] {strides = array<i32>} : memref<64x768xf32, #tpu.memory_space<vmem>>, vector<1x16xf32>,
      %get3A_320 = vector.shape_cast %get3A_319 : vector<1x16xf32> to vector<16xf32>
      %get3A_321 = arith.index_cast %add3A_52 : i32 to index
      %get3A_322 = arith.constant 304 : index
      %get3A_323 = tpu.vector_load %arg9[%get3A_321, %get3A_322] {strides = array<i32>} : memref<64x768xf32, #tpu.memory_space<vmem>>, vector<1x16xf32>,
      %get3A_324 = vector.shape_cast %get3A_323 : vector<1x16xf32> to vector<16xf32>
      %add3A_325 = arith.addf %get3A_320, %get3A_324 : vector<16xf32>
      %swap3A_326 = arith.index_cast %add3A_52 : i32 to index
      %swap3A_327 = arith.constant 304 : index
      %swap3A_328 = tpu.vector_load %arg8[%swap3A_326, %swap3A_327] {strides = array<i32>} : memref<64x768xf32, #tpu.memory_space<vmem>>, vector<1x16xf32>,
      %swap3A_329 = vector.shape_cast %swap3A_328 : vector<1x16xf32> to vector<16xf32>
      %swap3A_330 = vector.shape_cast %add3A_325 : vector<16xf32> to vector<1x16xf32>
      tpu.vector_store %arg8[%swap3A_326, %swap3A_327], %swap3A_330 {strides = array<i32>} : memref<64x768xf32, #tpu.memory_space<vmem>>, vector<1x16xf32>,
      %get3A_331 = arith.index_cast %add3A_52 : i32 to index
      %get3A_332 = arith.constant 320 : index
      %get3A_333 = tpu.vector_load %arg8[%get3A_331, %get3A_332] {strides = array<i32>} : memref<64x768xf32, #tpu.memory_space<vmem>>, vector<1x16xf32>,
      %get3A_334 = vector.shape_cast %get3A_333 : vector<1x16xf32> to vector<16xf32>
      %get3A_335 = arith.index_cast %add3A_52 : i32 to index
      %get3A_336 = arith.constant 320 : index
      %get3A_337 = tpu.vector_load %arg9[%get3A_335, %get3A_336] {strides = array<i32>} : memref<64x768xf32, #tpu.memory_space<vmem>>, vector<1x16xf32>,
      %get3A_338 = vector.shape_cast %get3A_337 : vector<1x16xf32> to vector<16xf32>
      %add3A_339 = arith.addf %get3A_334, %get3A_338 : vector<16xf32>
      %swap3A_340 = arith.index_cast %add3A_52 : i32 to index
      %swap3A_341 = arith.constant 320 : index
      %swap3A_342 = tpu.vector_load %arg8[%swap3A_340, %swap3A_341] {strides = array<i32>} : memref<64x768xf32, #tpu.memory_space<vmem>>, vector<1x16xf32>,
      %swap3A_343 = vector.shape_cast %swap3A_342 : vector<1x16xf32> to vector<16xf32>
      %swap3A_344 = vector.shape_cast %add3A_339 : vector<16xf32> to vector<1x16xf32>
      tpu.vector_store %arg8[%swap3A_340, %swap3A_341], %swap3A_344 {strides = array<i32>} : memref<64x768xf32, #tpu.memory_space<vmem>>, vector<1x16xf32>,
      %get3A_345 = arith.index_cast %add3A_52 : i32 to index
      %get3A_346 = arith.constant 336 : index
      %get3A_347 = tpu.vector_load %arg8[%get3A_345, %get3A_346] {strides = array<i32>} : memref<64x768xf32, #tpu.memory_space<vmem>>, vector<1x16xf32>,
      %get3A_348 = vector.shape_cast %get3A_347 : vector<1x16xf32> to vector<16xf32>
      %get3A_349 = arith.index_cast %add3A_52 : i32 to index
      %get3A_350 = arith.constant 336 : index
      %get3A_351 = tpu.vector_load %arg9[%get3A_349, %get3A_350] {strides = array<i32>} : memref<64x768xf32, #tpu.memory_space<vmem>>, vector<1x16xf32>,
      %get3A_352 = vector.shape_cast %get3A_351 : vector<1x16xf32> to vector<16xf32>
      %add3A_353 = arith.addf %get3A_348, %get3A_352 : vector<16xf32>
      %swap3A_354 = arith.index_cast %add3A_52 : i32 to index
      %swap3A_355 = arith.constant 336 : index
      %swap3A_356 = tpu.vector_load %arg8[%swap3A_354, %swap3A_355] {strides = array<i32>} : memref<64x768xf32, #tpu.memory_space<vmem>>, vector<1x16xf32>,
      %swap3A_357 = vector.shape_cast %swap3A_356 : vector<1x16xf32> to vector<16xf32>
      %swap3A_358 = vector.shape_cast %add3A_353 : vector<16xf32> to vector<1x16xf32>
      tpu.vector_store %arg8[%swap3A_354, %swap3A_355], %swap3A_358 {strides = array<i32>} : memref<64x768xf32, #tpu.memory_space<vmem>>, vector<1x16xf32>,
      %get3A_359 = arith.index_cast %add3A_52 : i32 to index
      %get3A_360 = arith.constant 352 : index
      %get3A_361 = tpu.vector_load %arg8[%get3A_359, %get3A_360] {strides = array<i32>} : memref<64x768xf32, #tpu.memory_space<vmem>>, vector<1x16xf32>,
      %get3A_362 = vector.shape_cast %get3A_361 : vector<1x16xf32> to vector<16xf32>
      %get3A_363 = arith.index_cast %add3A_52 : i32 to index
      %get3A_364 = arith.constant 352 : index
      %get3A_365 = tpu.vector_load %arg9[%get3A_363, %get3A_364] {strides = array<i32>} : memref<64x768xf32, #tpu.memory_space<vmem>>, vector<1x16xf32>,
      %get3A_366 = vector.shape_cast %get3A_365 : vector<1x16xf32> to vector<16xf32>
      %add3A_367 = arith.addf %get3A_362, %get3A_366 : vector<16xf32>
      %swap3A_368 = arith.index_cast %add3A_52 : i32 to index
      %swap3A_369 = arith.constant 352 : index
      %swap3A_370 = tpu.vector_load %arg8[%swap3A_368, %swap3A_369] {strides = array<i32>} : memref<64x768xf32, #tpu.memory_space<vmem>>, vector<1x16xf32>,
      %swap3A_371 = vector.shape_cast %swap3A_370 : vector<1x16xf32> to vector<16xf32>
      %swap3A_372 = vector.shape_cast %add3A_367 : vector<16xf32> to vector<1x16xf32>
      tpu.vector_store %arg8[%swap3A_368, %swap3A_369], %swap3A_372 {strides = array<i32>} : memref<64x768xf32, #tpu.memory_space<vmem>>, vector<1x16xf32>,
      %get3A_373 = arith.index_cast %add3A_52 : i32 to index
      %get3A_374 = arith.constant 368 : index
      %get3A_375 = tpu.vector_load %arg8[%get3A_373, %get3A_374] {strides = array<i32>} : memref<64x768xf32, #tpu.memory_space<vmem>>, vector<1x16xf32>,
      %get3A_376 = vector.shape_cast %get3A_375 : vector<1x16xf32> to vector<16xf32>
      %get3A_377 = arith.index_cast %add3A_52 : i32 to index
      %get3A_378 = arith.constant 368 : index
      %get3A_379 = tpu.vector_load %arg9[%get3A_377, %get3A_378] {strides = array<i32>} : memref<64x768xf32, #tpu.memory_space<vmem>>, vector<1x16xf32>,
      %get3A_380 = vector.shape_cast %get3A_379 : vector<1x16xf32> to vector<16xf32>
      %add3A_381 = arith.addf %get3A_376, %get3A_380 : vector<16xf32>
      %swap3A_382 = arith.index_cast %add3A_52 : i32 to index
      %swap3A_383 = arith.constant 368 : index
      %swap3A_384 = tpu.vector_load %arg8[%swap3A_382, %swap3A_383] {strides = array<i32>} : memref<64x768xf32, #tpu.memory_space<vmem>>, vector<1x16xf32>,
      %swap3A_385 = vector.shape_cast %swap3A_384 : vector<1x16xf32> to vector<16xf32>
      %swap3A_386 = vector.shape_cast %add3A_381 : vector<16xf32> to vector<1x16xf32>
      tpu.vector_store %arg8[%swap3A_382, %swap3A_383], %swap3A_386 {strides = array<i32>} : memref<64x768xf32, #tpu.memory_space<vmem>>, vector<1x16xf32>,
      %get3A_387 = arith.index_cast %add3A_52 : i32 to index
      %get3A_388 = arith.constant 384 : index
      %get3A_389 = tpu.vector_load %arg8[%get3A_387, %get3A_388] {strides = array<i32>} : memref<64x768xf32, #tpu.memory_space<vmem>>, vector<1x16xf32>,
      %get3A_390 = vector.shape_cast %get3A_389 : vector<1x16xf32> to vector<16xf32>
      %get3A_391 = arith.index_cast %add3A_52 : i32 to index
      %get3A_392 = arith.constant 384 : index
      %get3A_393 = tpu.vector_load %arg9[%get3A_391, %get3A_392] {strides = array<i32>} : memref<64x768xf32, #tpu.memory_space<vmem>>, vector<1x16xf32>,
      %get3A_394 = vector.shape_cast %get3A_393 : vector<1x16xf32> to vector<16xf32>
      %add3A_395 = arith.addf %get3A_390, %get3A_394 : vector<16xf32>
      %swap3A_396 = arith.index_cast %add3A_52 : i32 to index
      %swap3A_397 = arith.constant 384 : index
      %swap3A_398 = tpu.vector_load %arg8[%swap3A_396, %swap3A_397] {strides = array<i32>} : memref<64x768xf32, #tpu.memory_space<vmem>>, vector<1x16xf32>,
      %swap3A_399 = vector.shape_cast %swap3A_398 : vector<1x16xf32> to vector<16xf32>
      %swap3A_400 = vector.shape_cast %add3A_395 : vector<16xf32> to vector<1x16xf32>
      tpu.vector_store %arg8[%swap3A_396, %swap3A_397], %swap3A_400 {strides = array<i32>} : memref<64x768xf32, #tpu.memory_space<vmem>>, vector<1x16xf32>,
      %get3A_401 = arith.index_cast %add3A_52 : i32 to index
      %get3A_402 = arith.constant 400 : index
      %get3A_403 = tpu.vector_load %arg8[%get3A_401, %get3A_402] {strides = array<i32>} : memref<64x768xf32, #tpu.memory_space<vmem>>, vector<1x16xf32>,
      %get3A_404 = vector.shape_cast %get3A_403 : vector<1x16xf32> to vector<16xf32>
      %get3A_405 = arith.index_cast %add3A_52 : i32 to index
      %get3A_406 = arith.constant 400 : index
      %get3A_407 = tpu.vector_load %arg9[%get3A_405, %get3A_406] {strides = array<i32>} : memref<64x768xf32, #tpu.memory_space<vmem>>, vector<1x16xf32>,
      %get3A_408 = vector.shape_cast %get3A_407 : vector<1x16xf32> to vector<16xf32>
      %add3A_409 = arith.addf %get3A_404, %get3A_408 : vector<16xf32>
      %swap3A_410 = arith.index_cast %add3A_52 : i32 to index
      %swap3A_411 = arith.constant 400 : index
      %swap3A_412 = tpu.vector_load %arg8[%swap3A_410, %swap3A_411] {strides = array<i32>} : memref<64x768xf32, #tpu.memory_space<vmem>>, vector<1x16xf32>,
      %swap3A_413 = vector.shape_cast %swap3A_412 : vector<1x16xf32> to vector<16xf32>
      %swap3A_414 = vector.shape_cast %add3A_409 : vector<16xf32> to vector<1x16xf32>
      tpu.vector_store %arg8[%swap3A_410, %swap3A_411], %swap3A_414 {strides = array<i32>} : memref<64x768xf32, #tpu.memory_space<vmem>>, vector<1x16xf32>,
      %get3A_415 = arith.index_cast %add3A_52 : i32 to index
      %get3A_416 = arith.constant 416 : index
      %get3A_417 = tpu.vector_load %arg8[%get3A_415, %get3A_416] {strides = array<i32>} : memref<64x768xf32, #tpu.memory_space<vmem>>, vector<1x16xf32>,
      %get3A_418 = vector.shape_cast %get3A_417 : vector<1x16xf32> to vector<16xf32>
      %get3A_419 = arith.index_cast %add3A_52 : i32 to index
      %get3A_420 = arith.constant 416 : index
      %get3A_421 = tpu.vector_load %arg9[%get3A_419, %get3A_420] {strides = array<i32>} : memref<64x768xf32, #tpu.memory_space<vmem>>, vector<1x16xf32>,
      %get3A_422 = vector.shape_cast %get3A_421 : vector<1x16xf32> to vector<16xf32>
      %add3A_423 = arith.addf %get3A_418, %get3A_422 : vector<16xf32>
      %swap3A_424 = arith.index_cast %add3A_52 : i32 to index
      %swap3A_425 = arith.constant 416 : index
      %swap3A_426 = tpu.vector_load %arg8[%swap3A_424, %swap3A_425] {strides = array<i32>} : memref<64x768xf32, #tpu.memory_space<vmem>>, vector<1x16xf32>,
      %swap3A_427 = vector.shape_cast %swap3A_426 : vector<1x16xf32> to vector<16xf32>
      %swap3A_428 = vector.shape_cast %add3A_423 : vector<16xf32> to vector<1x16xf32>
      tpu.vector_store %arg8[%swap3A_424, %swap3A_425], %swap3A_428 {strides = array<i32>} : memref<64x768xf32, #tpu.memory_space<vmem>>, vector<1x16xf32>,
      %get3A_429 = arith.index_cast %add3A_52 : i32 to index
      %get3A_430 = arith.constant 432 : index
      %get3A_431 = tpu.vector_load %arg8[%get3A_429, %get3A_430] {strides = array<i32>} : memref<64x768xf32, #tpu.memory_space<vmem>>, vector<1x16xf32>,
      %get3A_432 = vector.shape_cast %get3A_431 : vector<1x16xf32> to vector<16xf32>
      %get3A_433 = arith.index_cast %add3A_52 : i32 to index
      %get3A_434 = arith.constant 432 : index
      %get3A_435 = tpu.vector_load %arg9[%get3A_433, %get3A_434] {strides = array<i32>} : memref<64x768xf32, #tpu.memory_space<vmem>>, vector<1x16xf32>,
      %get3A_436 = vector.shape_cast %get3A_435 : vector<1x16xf32> to vector<16xf32>
      %add3A_437 = arith.addf %get3A_432, %get3A_436 : vector<16xf32>
      %swap3A_438 = arith.index_cast %add3A_52 : i32 to index
      %swap3A_439 = arith.constant 432 : index
      %swap3A_440 = tpu.vector_load %arg8[%swap3A_438, %swap3A_439] {strides = array<i32>} : memref<64x768xf32, #tpu.memory_space<vmem>>, vector<1x16xf32>,
      %swap3A_441 = vector.shape_cast %swap3A_440 : vector<1x16xf32> to vector<16xf32>
      %swap3A_442 = vector.shape_cast %add3A_437 : vector<16xf32> to vector<1x16xf32>
      tpu.vector_store %arg8[%swap3A_438, %swap3A_439], %swap3A_442 {strides = array<i32>} : memref<64x768xf32, #tpu.memory_space<vmem>>, vector<1x16xf32>,
      %get3A_443 = arith.index_cast %add3A_52 : i32 to index
      %get3A_444 = arith.constant 448 : index
      %get3A_445 = tpu.vector_load %arg8[%get3A_443, %get3A_444] {strides = array<i32>} : memref<64x768xf32, #tpu.memory_space<vmem>>, vector<1x16xf32>,
      %get3A_446 = vector.shape_cast %get3A_445 : vector<1x16xf32> to vector<16xf32>
      %get3A_447 = arith.index_cast %add3A_52 : i32 to index
      %get3A_448 = arith.constant 448 : index
      %get3A_449 = tpu.vector_load %arg9[%get3A_447, %get3A_448] {strides = array<i32>} : memref<64x768xf32, #tpu.memory_space<vmem>>, vector<1x16xf32>,
      %get3A_450 = vector.shape_cast %get3A_449 : vector<1x16xf32> to vector<16xf32>
      %add3A_451 = arith.addf %get3A_446, %get3A_450 : vector<16xf32>
      %swap3A_452 = arith.index_cast %add3A_52 : i32 to index
      %swap3A_453 = arith.constant 448 : index
      %swap3A_454 = tpu.vector_load %arg8[%swap3A_452, %swap3A_453] {strides = array<i32>} : memref<64x768xf32, #tpu.memory_space<vmem>>, vector<1x16xf32>,
      %swap3A_455 = vector.shape_cast %swap3A_454 : vector<1x16xf32> to vector<16xf32>
      %swap3A_456 = vector.shape_cast %add3A_451 : vector<16xf32> to vector<1x16xf32>
      tpu.vector_store %arg8[%swap3A_452, %swap3A_453], %swap3A_456 {strides = array<i32>} : memref<64x768xf32, #tpu.memory_space<vmem>>, vector<1x16xf32>,
      %get3A_457 = arith.index_cast %add3A_52 : i32 to index
      %get3A_458 = arith.constant 464 : index
      %get3A_459 = tpu.vector_load %arg8[%get3A_457, %get3A_458] {strides = array<i32>} : memref<64x768xf32, #tpu.memory_space<vmem>>, vector<1x16xf32>,
      %get3A_460 = vector.shape_cast %get3A_459 : vector<1x16xf32> to vector<16xf32>
      %get3A_461 = arith.index_cast %add3A_52 : i32 to index
      %get3A_462 = arith.constant 464 : index
      %get3A_463 = tpu.vector_load %arg9[%get3A_461, %get3A_462] {strides = array<i32>} : memref<64x768xf32, #tpu.memory_space<vmem>>, vector<1x16xf32>,
      %get3A_464 = vector.shape_cast %get3A_463 : vector<1x16xf32> to vector<16xf32>
      %add3A_465 = arith.addf %get3A_460, %get3A_464 : vector<16xf32>
      %swap3A_466 = arith.index_cast %add3A_52 : i32 to index
      %swap3A_467 = arith.constant 464 : index
      %swap3A_468 = tpu.vector_load %arg8[%swap3A_466, %swap3A_467] {strides = array<i32>} : memref<64x768xf32, #tpu.memory_space<vmem>>, vector<1x16xf32>,
      %swap3A_469 = vector.shape_cast %swap3A_468 : vector<1x16xf32> to vector<16xf32>
      %swap3A_470 = vector.shape_cast %add3A_465 : vector<16xf32> to vector<1x16xf32>
      tpu.vector_store %arg8[%swap3A_466, %swap3A_467], %swap3A_470 {strides = array<i32>} : memref<64x768xf32, #tpu.memory_space<vmem>>, vector<1x16xf32>,
      %get3A_471 = arith.index_cast %add3A_52 : i32 to index
      %get3A_472 = arith.constant 480 : index
      %get3A_473 = tpu.vector_load %arg8[%get3A_471, %get3A_472] {strides = array<i32>} : memref<64x768xf32, #tpu.memory_space<vmem>>, vector<1x16xf32>,
      %get3A_474 = vector.shape_cast %get3A_473 : vector<1x16xf32> to vector<16xf32>
      %get3A_475 = arith.index_cast %add3A_52 : i32 to index
      %get3A_476 = arith.constant 480 : index
      %get3A_477 = tpu.vector_load %arg9[%get3A_475, %get3A_476] {strides = array<i32>} : memref<64x768xf32, #tpu.memory_space<vmem>>, vector<1x16xf32>,
      %get3A_478 = vector.shape_cast %get3A_477 : vector<1x16xf32> to vector<16xf32>
      %add3A_479 = arith.addf %get3A_474, %get3A_478 : vector<16xf32>
      %swap3A_480 = arith.index_cast %add3A_52 : i32 to index
      %swap3A_481 = arith.constant 480 : index
      %swap3A_482 = tpu.vector_load %arg8[%swap3A_480, %swap3A_481] {strides = array<i32>} : memref<64x768xf32, #tpu.memory_space<vmem>>, vector<1x16xf32>,
      %swap3A_483 = vector.shape_cast %swap3A_482 : vector<1x16xf32> to vector<16xf32>
      %swap3A_484 = vector.shape_cast %add3A_479 : vector<16xf32> to vector<1x16xf32>
      tpu.vector_store %arg8[%swap3A_480, %swap3A_481], %swap3A_484 {strides = array<i32>} : memref<64x768xf32, #tpu.memory_space<vmem>>, vector<1x16xf32>,
      %get3A_485 = arith.index_cast %add3A_52 : i32 to index
      %get3A_486 = arith.constant 496 : index
      %get3A_487 = tpu.vector_load %arg8[%get3A_485, %get3A_486] {strides = array<i32>} : memref<64x768xf32, #tpu.memory_space<vmem>>, vector<1x16xf32>,
      %get3A_488 = vector.shape_cast %get3A_487 : vector<1x16xf32> to vector<16xf32>
      %get3A_489 = arith.index_cast %add3A_52 : i32 to index
      %get3A_490 = arith.constant 496 : index
      %get3A_491 = tpu.vector_load %arg9[%get3A_489, %get3A_490] {strides = array<i32>} : memref<64x768xf32, #tpu.memory_space<vmem>>, vector<1x16xf32>,
      %get3A_492 = vector.shape_cast %get3A_491 : vector<1x16xf32> to vector<16xf32>
      %add3A_493 = arith.addf %get3A_488, %get3A_492 : vector<16xf32>
      %swap3A_494 = arith.index_cast %add3A_52 : i32 to index
      %swap3A_495 = arith.constant 496 : index
      %swap3A_496 = tpu.vector_load %arg8[%swap3A_494, %swap3A_495] {strides = array<i32>} : memref<64x768xf32, #tpu.memory_space<vmem>>, vector<1x16xf32>,
      %swap3A_497 = vector.shape_cast %swap3A_496 : vector<1x16xf32> to vector<16xf32>
      %swap3A_498 = vector.shape_cast %add3A_493 : vector<16xf32> to vector<1x16xf32>
      tpu.vector_store %arg8[%swap3A_494, %swap3A_495], %swap3A_498 {strides = array<i32>} : memref<64x768xf32, #tpu.memory_space<vmem>>, vector<1x16xf32>,
      %get3A_499 = arith.index_cast %add3A_52 : i32 to index
      %get3A_500 = arith.constant 512 : index
      %get3A_501 = tpu.vector_load %arg8[%get3A_499, %get3A_500] {strides = array<i32>} : memref<64x768xf32, #tpu.memory_space<vmem>>, vector<1x16xf32>,
      %get3A_502 = vector.shape_cast %get3A_501 : vector<1x16xf32> to vector<16xf32>
      %get3A_503 = arith.index_cast %add3A_52 : i32 to index
      %get3A_504 = arith.constant 512 : index
      %get3A_505 = tpu.vector_load %arg9[%get3A_503, %get3A_504] {strides = array<i32>} : memref<64x768xf32, #tpu.memory_space<vmem>>, vector<1x16xf32>,
      %get3A_506 = vector.shape_cast %get3A_505 : vector<1x16xf32> to vector<16xf32>
      %add3A_507 = arith.addf %get3A_502, %get3A_506 : vector<16xf32>
      %swap3A_508 = arith.index_cast %add3A_52 : i32 to index
      %swap3A_509 = arith.constant 512 : index
      %swap3A_510 = tpu.vector_load %arg8[%swap3A_508, %swap3A_509] {strides = array<i32>} : memref<64x768xf32, #tpu.memory_space<vmem>>, vector<1x16xf32>,
      %swap3A_511 = vector.shape_cast %swap3A_510 : vector<1x16xf32> to vector<16xf32>
      %swap3A_512 = vector.shape_cast %add3A_507 : vector<16xf32> to vector<1x16xf32>
      tpu.vector_store %arg8[%swap3A_508, %swap3A_509], %swap3A_512 {strides = array<i32>} : memref<64x768xf32, #tpu.memory_space<vmem>>, vector<1x16xf32>,
      %get3A_513 = arith.index_cast %add3A_52 : i32 to index
      %get3A_514 = arith.constant 528 : index
      %get3A_515 = tpu.vector_load %arg8[%get3A_513, %get3A_514] {strides = array<i32>} : memref<64x768xf32, #tpu.memory_space<vmem>>, vector<1x16xf32>,
      %get3A_516 = vector.shape_cast %get3A_515 : vector<1x16xf32> to vector<16xf32>
      %get3A_517 = arith.index_cast %add3A_52 : i32 to index
      %get3A_518 = arith.constant 528 : index
      %get3A_519 = tpu.vector_load %arg9[%get3A_517, %get3A_518] {strides = array<i32>} : memref<64x768xf32, #tpu.memory_space<vmem>>, vector<1x16xf32>,
      %get3A_520 = vector.shape_cast %get3A_519 : vector<1x16xf32> to vector<16xf32>
      %add3A_521 = arith.addf %get3A_516, %get3A_520 : vector<16xf32>
      %swap3A_522 = arith.index_cast %add3A_52 : i32 to index
      %swap3A_523 = arith.constant 528 : index
      %swap3A_524 = tpu.vector_load %arg8[%swap3A_522, %swap3A_523] {strides = array<i32>} : memref<64x768xf32, #tpu.memory_space<vmem>>, vector<1x16xf32>,
      %swap3A_525 = vector.shape_cast %swap3A_524 : vector<1x16xf32> to vector<16xf32>
      %swap3A_526 = vector.shape_cast %add3A_521 : vector<16xf32> to vector<1x16xf32>
      tpu.vector_store %arg8[%swap3A_522, %swap3A_523], %swap3A_526 {strides = array<i32>} : memref<64x768xf32, #tpu.memory_space<vmem>>, vector<1x16xf32>,
      %get3A_527 = arith.index_cast %add3A_52 : i32 to index
      %get3A_528 = arith.constant 544 : index
      %get3A_529 = tpu.vector_load %arg8[%get3A_527, %get3A_528] {strides = array<i32>} : memref<64x768xf32, #tpu.memory_space<vmem>>, vector<1x16xf32>,
      %get3A_530 = vector.shape_cast %get3A_529 : vector<1x16xf32> to vector<16xf32>
      %get3A_531 = arith.index_cast %add3A_52 : i32 to index
      %get3A_532 = arith.constant 544 : index
      %get3A_533 = tpu.vector_load %arg9[%get3A_531, %get3A_532] {strides = array<i32>} : memref<64x768xf32, #tpu.memory_space<vmem>>, vector<1x16xf32>,
      %get3A_534 = vector.shape_cast %get3A_533 : vector<1x16xf32> to vector<16xf32>
      %add3A_535 = arith.addf %get3A_530, %get3A_534 : vector<16xf32>
      %swap3A_536 = arith.index_cast %add3A_52 : i32 to index
      %swap3A_537 = arith.constant 544 : index
      %swap3A_538 = tpu.vector_load %arg8[%swap3A_536, %swap3A_537] {strides = array<i32>} : memref<64x768xf32, #tpu.memory_space<vmem>>, vector<1x16xf32>,
      %swap3A_539 = vector.shape_cast %swap3A_538 : vector<1x16xf32> to vector<16xf32>
      %swap3A_540 = vector.shape_cast %add3A_535 : vector<16xf32> to vector<1x16xf32>
      tpu.vector_store %arg8[%swap3A_536, %swap3A_537], %swap3A_540 {strides = array<i32>} : memref<64x768xf32, #tpu.memory_space<vmem>>, vector<1x16xf32>,
      %get3A_541 = arith.index_cast %add3A_52 : i32 to index
      %get3A_542 = arith.constant 560 : index
      %get3A_543 = tpu.vector_load %arg8[%get3A_541, %get3A_542] {strides = array<i32>} : memref<64x768xf32, #tpu.memory_space<vmem>>, vector<1x16xf32>,
      %get3A_544 = vector.shape_cast %get3A_543 : vector<1x16xf32> to vector<16xf32>
      %get3A_545 = arith.index_cast %add3A_52 : i32 to index
      %get3A_546 = arith.constant 560 : index
      %get3A_547 = tpu.vector_load %arg9[%get3A_545, %get3A_546] {strides = array<i32>} : memref<64x768xf32, #tpu.memory_space<vmem>>, vector<1x16xf32>,
      %get3A_548 = vector.shape_cast %get3A_547 : vector<1x16xf32> to vector<16xf32>
      %add3A_549 = arith.addf %get3A_544, %get3A_548 : vector<16xf32>
      %swap3A_550 = arith.index_cast %add3A_52 : i32 to index
      %swap3A_551 = arith.constant 560 : index
      %swap3A_552 = tpu.vector_load %arg8[%swap3A_550, %swap3A_551] {strides = array<i32>} : memref<64x768xf32, #tpu.memory_space<vmem>>, vector<1x16xf32>,
      %swap3A_553 = vector.shape_cast %swap3A_552 : vector<1x16xf32> to vector<16xf32>
      %swap3A_554 = vector.shape_cast %add3A_549 : vector<16xf32> to vector<1x16xf32>
      tpu.vector_store %arg8[%swap3A_550, %swap3A_551], %swap3A_554 {strides = array<i32>} : memref<64x768xf32, #tpu.memory_space<vmem>>, vector<1x16xf32>,
      %get3A_555 = arith.index_cast %add3A_52 : i32 to index
      %get3A_556 = arith.constant 576 : index
      %get3A_557 = tpu.vector_load %arg8[%get3A_555, %get3A_556] {strides = array<i32>} : memref<64x768xf32, #tpu.memory_space<vmem>>, vector<1x16xf32>,
      %get3A_558 = vector.shape_cast %get3A_557 : vector<1x16xf32> to vector<16xf32>
      %get3A_559 = arith.index_cast %add3A_52 : i32 to index
      %get3A_560 = arith.constant 576 : index
      %get3A_561 = tpu.vector_load %arg9[%get3A_559, %get3A_560] {strides = array<i32>} : memref<64x768xf32, #tpu.memory_space<vmem>>, vector<1x16xf32>,
      %get3A_562 = vector.shape_cast %get3A_561 : vector<1x16xf32> to vector<16xf32>
      %add3A_563 = arith.addf %get3A_558, %get3A_562 : vector<16xf32>
      %swap3A_564 = arith.index_cast %add3A_52 : i32 to index
      %swap3A_565 = arith.constant 576 : index
      %swap3A_566 = tpu.vector_load %arg8[%swap3A_564, %swap3A_565] {strides = array<i32>} : memref<64x768xf32, #tpu.memory_space<vmem>>, vector<1x16xf32>,
      %swap3A_567 = vector.shape_cast %swap3A_566 : vector<1x16xf32> to vector<16xf32>
      %swap3A_568 = vector.shape_cast %add3A_563 : vector<16xf32> to vector<1x16xf32>
      tpu.vector_store %arg8[%swap3A_564, %swap3A_565], %swap3A_568 {strides = array<i32>} : memref<64x768xf32, #tpu.memory_space<vmem>>, vector<1x16xf32>,
      %get3A_569 = arith.index_cast %add3A_52 : i32 to index
      %get3A_570 = arith.constant 592 : index
      %get3A_571 = tpu.vector_load %arg8[%get3A_569, %get3A_570] {strides = array<i32>} : memref<64x768xf32, #tpu.memory_space<vmem>>, vector<1x16xf32>,
      %get3A_572 = vector.shape_cast %get3A_571 : vector<1x16xf32> to vector<16xf32>
      %get3A_573 = arith.index_cast %add3A_52 : i32 to index
      %get3A_574 = arith.constant 592 : index
      %get3A_575 = tpu.vector_load %arg9[%get3A_573, %get3A_574] {strides = array<i32>} : memref<64x768xf32, #tpu.memory_space<vmem>>, vector<1x16xf32>,
      %get3A_576 = vector.shape_cast %get3A_575 : vector<1x16xf32> to vector<16xf32>
      %add3A_577 = arith.addf %get3A_572, %get3A_576 : vector<16xf32>
      %swap3A_578 = arith.index_cast %add3A_52 : i32 to index
      %swap3A_579 = arith.constant 592 : index
      %swap3A_580 = tpu.vector_load %arg8[%swap3A_578, %swap3A_579] {strides = array<i32>} : memref<64x768xf32, #tpu.memory_space<vmem>>, vector<1x16xf32>,
      %swap3A_581 = vector.shape_cast %swap3A_580 : vector<1x16xf32> to vector<16xf32>
      %swap3A_582 = vector.shape_cast %add3A_577 : vector<16xf32> to vector<1x16xf32>
      tpu.vector_store %arg8[%swap3A_578, %swap3A_579], %swap3A_582 {strides = array<i32>} : memref<64x768xf32, #tpu.memory_space<vmem>>, vector<1x16xf32>,
      %get3A_583 = arith.index_cast %add3A_52 : i32 to index
      %get3A_584 = arith.constant 608 : index
      %get3A_585 = tpu.vector_load %arg8[%get3A_583, %get3A_584] {strides = array<i32>} : memref<64x768xf32, #tpu.memory_space<vmem>>, vector<1x16xf32>,
      %get3A_586 = vector.shape_cast %get3A_585 : vector<1x16xf32> to vector<16xf32>
      %get3A_587 = arith.index_cast %add3A_52 : i32 to index
      %get3A_588 = arith.constant 608 : index
      %get3A_589 = tpu.vector_load %arg9[%get3A_587, %get3A_588] {strides = array<i32>} : memref<64x768xf32, #tpu.memory_space<vmem>>, vector<1x16xf32>,
      %get3A_590 = vector.shape_cast %get3A_589 : vector<1x16xf32> to vector<16xf32>
      %add3A_591 = arith.addf %get3A_586, %get3A_590 : vector<16xf32>
      %swap3A_592 = arith.index_cast %add3A_52 : i32 to index
      %swap3A_593 = arith.constant 608 : index
      %swap3A_594 = tpu.vector_load %arg8[%swap3A_592, %swap3A_593] {strides = array<i32>} : memref<64x768xf32, #tpu.memory_space<vmem>>, vector<1x16xf32>,
      %swap3A_595 = vector.shape_cast %swap3A_594 : vector<1x16xf32> to vector<16xf32>
      %swap3A_596 = vector.shape_cast %add3A_591 : vector<16xf32> to vector<1x16xf32>
      tpu.vector_store %arg8[%swap3A_592, %swap3A_593], %swap3A_596 {strides = array<i32>} : memref<64x768xf32, #tpu.memory_space<vmem>>, vector<1x16xf32>,
      %get3A_597 = arith.index_cast %add3A_52 : i32 to index
      %get3A_598 = arith.constant 624 : index
      %get3A_599 = tpu.vector_load %arg8[%get3A_597, %get3A_598] {strides = array<i32>} : memref<64x768xf32, #tpu.memory_space<vmem>>, vector<1x16xf32>,
      %get3A_600 = vector.shape_cast %get3A_599 : vector<1x16xf32> to vector<16xf32>
      %get3A_601 = arith.index_cast %add3A_52 : i32 to index
      %get3A_602 = arith.constant 624 : index
      %get3A_603 = tpu.vector_load %arg9[%get3A_601, %get3A_602] {strides = array<i32>} : memref<64x768xf32, #tpu.memory_space<vmem>>, vector<1x16xf32>,
      %get3A_604 = vector.shape_cast %get3A_603 : vector<1x16xf32> to vector<16xf32>
      %add3A_605 = arith.addf %get3A_600, %get3A_604 : vector<16xf32>
      %swap3A_606 = arith.index_cast %add3A_52 : i32 to index
      %swap3A_607 = arith.constant 624 : index
      %swap3A_608 = tpu.vector_load %arg8[%swap3A_606, %swap3A_607] {strides = array<i32>} : memref<64x768xf32, #tpu.memory_space<vmem>>, vector<1x16xf32>,
      %swap3A_609 = vector.shape_cast %swap3A_608 : vector<1x16xf32> to vector<16xf32>
      %swap3A_610 = vector.shape_cast %add3A_605 : vector<16xf32> to vector<1x16xf32>
      tpu.vector_store %arg8[%swap3A_606, %swap3A_607], %swap3A_610 {strides = array<i32>} : memref<64x768xf32, #tpu.memory_space<vmem>>, vector<1x16xf32>,
      %get3A_611 = arith.index_cast %add3A_52 : i32 to index
      %get3A_612 = arith.constant 640 : index
      %get3A_613 = tpu.vector_load %arg8[%get3A_611, %get3A_612] {strides = array<i32>} : memref<64x768xf32, #tpu.memory_space<vmem>>, vector<1x16xf32>,
      %get3A_614 = vector.shape_cast %get3A_613 : vector<1x16xf32> to vector<16xf32>
      %get3A_615 = arith.index_cast %add3A_52 : i32 to index
      %get3A_616 = arith.constant 640 : index
      %get3A_617 = tpu.vector_load %arg9[%get3A_615, %get3A_616] {strides = array<i32>} : memref<64x768xf32, #tpu.memory_space<vmem>>, vector<1x16xf32>,
      %get3A_618 = vector.shape_cast %get3A_617 : vector<1x16xf32> to vector<16xf32>
      %add3A_619 = arith.addf %get3A_614, %get3A_618 : vector<16xf32>
      %swap3A_620 = arith.index_cast %add3A_52 : i32 to index
      %swap3A_621 = arith.constant 640 : index
      %swap3A_622 = tpu.vector_load %arg8[%swap3A_620, %swap3A_621] {strides = array<i32>} : memref<64x768xf32, #tpu.memory_space<vmem>>, vector<1x16xf32>,
      %swap3A_623 = vector.shape_cast %swap3A_622 : vector<1x16xf32> to vector<16xf32>
      %swap3A_624 = vector.shape_cast %add3A_619 : vector<16xf32> to vector<1x16xf32>
      tpu.vector_store %arg8[%swap3A_620, %swap3A_621], %swap3A_624 {strides = array<i32>} : memref<64x768xf32, #tpu.memory_space<vmem>>, vector<1x16xf32>,
      %get3A_625 = arith.index_cast %add3A_52 : i32 to index
      %get3A_626 = arith.constant 656 : index
      %get3A_627 = tpu.vector_load %arg8[%get3A_625, %get3A_626] {strides = array<i32>} : memref<64x768xf32, #tpu.memory_space<vmem>>, vector<1x16xf32>,
      %get3A_628 = vector.shape_cast %get3A_627 : vector<1x16xf32> to vector<16xf32>
      %get3A_629 = arith.index_cast %add3A_52 : i32 to index
      %get3A_630 = arith.constant 656 : index
      %get3A_631 = tpu.vector_load %arg9[%get3A_629, %get3A_630] {strides = array<i32>} : memref<64x768xf32, #tpu.memory_space<vmem>>, vector<1x16xf32>,
      %get3A_632 = vector.shape_cast %get3A_631 : vector<1x16xf32> to vector<16xf32>
      %add3A_633 = arith.addf %get3A_628, %get3A_632 : vector<16xf32>
      %swap3A_634 = arith.index_cast %add3A_52 : i32 to index
      %swap3A_635 = arith.constant 656 : index
      %swap3A_636 = tpu.vector_load %arg8[%swap3A_634, %swap3A_635] {strides = array<i32>} : memref<64x768xf32, #tpu.memory_space<vmem>>, vector<1x16xf32>,
      %swap3A_637 = vector.shape_cast %swap3A_636 : vector<1x16xf32> to vector<16xf32>
      %swap3A_638 = vector.shape_cast %add3A_633 : vector<16xf32> to vector<1x16xf32>
      tpu.vector_store %arg8[%swap3A_634, %swap3A_635], %swap3A_638 {strides = array<i32>} : memref<64x768xf32, #tpu.memory_space<vmem>>, vector<1x16xf32>,
      %get3A_639 = arith.index_cast %add3A_52 : i32 to index
      %get3A_640 = arith.constant 672 : index
      %get3A_641 = tpu.vector_load %arg8[%get3A_639, %get3A_640] {strides = array<i32>} : memref<64x768xf32, #tpu.memory_space<vmem>>, vector<1x16xf32>,
      %get3A_642 = vector.shape_cast %get3A_641 : vector<1x16xf32> to vector<16xf32>
      %get3A_643 = arith.index_cast %add3A_52 : i32 to index
      %get3A_644 = arith.constant 672 : index
      %get3A_645 = tpu.vector_load %arg9[%get3A_643, %get3A_644] {strides = array<i32>} : memref<64x768xf32, #tpu.memory_space<vmem>>, vector<1x16xf32>,
      %get3A_646 = vector.shape_cast %get3A_645 : vector<1x16xf32> to vector<16xf32>
      %add3A_647 = arith.addf %get3A_642, %get3A_646 : vector<16xf32>
      %swap3A_648 = arith.index_cast %add3A_52 : i32 to index
      %swap3A_649 = arith.constant 672 : index
      %swap3A_650 = tpu.vector_load %arg8[%swap3A_648, %swap3A_649] {strides = array<i32>} : memref<64x768xf32, #tpu.memory_space<vmem>>, vector<1x16xf32>,
      %swap3A_651 = vector.shape_cast %swap3A_650 : vector<1x16xf32> to vector<16xf32>
      %swap3A_652 = vector.shape_cast %add3A_647 : vector<16xf32> to vector<1x16xf32>
      tpu.vector_store %arg8[%swap3A_648, %swap3A_649], %swap3A_652 {strides = array<i32>} : memref<64x768xf32, #tpu.memory_space<vmem>>, vector<1x16xf32>,
      %get3A_653 = arith.index_cast %add3A_52 : i32 to index
      %get3A_654 = arith.constant 688 : index
      %get3A_655 = tpu.vector_load %arg8[%get3A_653, %get3A_654] {strides = array<i32>} : memref<64x768xf32, #tpu.memory_space<vmem>>, vector<1x16xf32>,
      %get3A_656 = vector.shape_cast %get3A_655 : vector<1x16xf32> to vector<16xf32>
      %get3A_657 = arith.index_cast %add3A_52 : i32 to index
      %get3A_658 = arith.constant 688 : index
      %get3A_659 = tpu.vector_load %arg9[%get3A_657, %get3A_658] {strides = array<i32>} : memref<64x768xf32, #tpu.memory_space<vmem>>, vector<1x16xf32>,
      %get3A_660 = vector.shape_cast %get3A_659 : vector<1x16xf32> to vector<16xf32>
      %add3A_661 = arith.addf %get3A_656, %get3A_660 : vector<16xf32>
      %swap3A_662 = arith.index_cast %add3A_52 : i32 to index
      %swap3A_663 = arith.constant 688 : index
      %swap3A_664 = tpu.vector_load %arg8[%swap3A_662, %swap3A_663] {strides = array<i32>} : memref<64x768xf32, #tpu.memory_space<vmem>>, vector<1x16xf32>,
      %swap3A_665 = vector.shape_cast %swap3A_664 : vector<1x16xf32> to vector<16xf32>
      %swap3A_666 = vector.shape_cast %add3A_661 : vector<16xf32> to vector<1x16xf32>
      tpu.vector_store %arg8[%swap3A_662, %swap3A_663], %swap3A_666 {strides = array<i32>} : memref<64x768xf32, #tpu.memory_space<vmem>>, vector<1x16xf32>,
      %get3A_667 = arith.index_cast %add3A_52 : i32 to index
      %get3A_668 = arith.constant 704 : index
      %get3A_669 = tpu.vector_load %arg8[%get3A_667, %get3A_668] {strides = array<i32>} : memref<64x768xf32, #tpu.memory_space<vmem>>, vector<1x16xf32>,
      %get3A_670 = vector.shape_cast %get3A_669 : vector<1x16xf32> to vector<16xf32>
      %get3A_671 = arith.index_cast %add3A_52 : i32 to index
      %get3A_672 = arith.constant 704 : index
      %get3A_673 = tpu.vector_load %arg9[%get3A_671, %get3A_672] {strides = array<i32>} : memref<64x768xf32, #tpu.memory_space<vmem>>, vector<1x16xf32>,
      %get3A_674 = vector.shape_cast %get3A_673 : vector<1x16xf32> to vector<16xf32>
      %add3A_675 = arith.addf %get3A_670, %get3A_674 : vector<16xf32>
      %swap3A_676 = arith.index_cast %add3A_52 : i32 to index
      %swap3A_677 = arith.constant 704 : index
      %swap3A_678 = tpu.vector_load %arg8[%swap3A_676, %swap3A_677] {strides = array<i32>} : memref<64x768xf32, #tpu.memory_space<vmem>>, vector<1x16xf32>,
      %swap3A_679 = vector.shape_cast %swap3A_678 : vector<1x16xf32> to vector<16xf32>
      %swap3A_680 = vector.shape_cast %add3A_675 : vector<16xf32> to vector<1x16xf32>
      tpu.vector_store %arg8[%swap3A_676, %swap3A_677], %swap3A_680 {strides = array<i32>} : memref<64x768xf32, #tpu.memory_space<vmem>>, vector<1x16xf32>,
      %get3A_681 = arith.index_cast %add3A_52 : i32 to index
      %get3A_682 = arith.constant 720 : index
      %get3A_683 = tpu.vector_load %arg8[%get3A_681, %get3A_682] {strides = array<i32>} : memref<64x768xf32, #tpu.memory_space<vmem>>, vector<1x16xf32>,
      %get3A_684 = vector.shape_cast %get3A_683 : vector<1x16xf32> to vector<16xf32>
      %get3A_685 = arith.index_cast %add3A_52 : i32 to index
      %get3A_686 = arith.constant 720 : index
      %get3A_687 = tpu.vector_load %arg9[%get3A_685, %get3A_686] {strides = array<i32>} : memref<64x768xf32, #tpu.memory_space<vmem>>, vector<1x16xf32>,
      %get3A_688 = vector.shape_cast %get3A_687 : vector<1x16xf32> to vector<16xf32>
      %add3A_689 = arith.addf %get3A_684, %get3A_688 : vector<16xf32>
      %swap3A_690 = arith.index_cast %add3A_52 : i32 to index
      %swap3A_691 = arith.constant 720 : index
      %swap3A_692 = tpu.vector_load %arg8[%swap3A_690, %swap3A_691] {strides = array<i32>} : memref<64x768xf32, #tpu.memory_space<vmem>>, vector<1x16xf32>,
      %swap3A_693 = vector.shape_cast %swap3A_692 : vector<1x16xf32> to vector<16xf32>
      %swap3A_694 = vector.shape_cast %add3A_689 : vector<16xf32> to vector<1x16xf32>
      tpu.vector_store %arg8[%swap3A_690, %swap3A_691], %swap3A_694 {strides = array<i32>} : memref<64x768xf32, #tpu.memory_space<vmem>>, vector<1x16xf32>,
      %get3A_695 = arith.index_cast %add3A_52 : i32 to index
      %get3A_696 = arith.constant 736 : index
      %get3A_697 = tpu.vector_load %arg8[%get3A_695, %get3A_696] {strides = array<i32>} : memref<64x768xf32, #tpu.memory_space<vmem>>, vector<1x16xf32>,
      %get3A_698 = vector.shape_cast %get3A_697 : vector<1x16xf32> to vector<16xf32>
      %get3A_699 = arith.index_cast %add3A_52 : i32 to index
      %get3A_700 = arith.constant 736 : index
      %get3A_701 = tpu.vector_load %arg9[%get3A_699, %get3A_700] {strides = array<i32>} : memref<64x768xf32, #tpu.memory_space<vmem>>, vector<1x16xf32>,
      %get3A_702 = vector.shape_cast %get3A_701 : vector<1x16xf32> to vector<16xf32>
      %add3A_703 = arith.addf %get3A_698, %get3A_702 : vector<16xf32>
      %swap3A_704 = arith.index_cast %add3A_52 : i32 to index
      %swap3A_705 = arith.constant 736 : index
      %swap3A_706 = tpu.vector_load %arg8[%swap3A_704, %swap3A_705] {strides = array<i32>} : memref<64x768xf32, #tpu.memory_space<vmem>>, vector<1x16xf32>,
      %swap3A_707 = vector.shape_cast %swap3A_706 : vector<1x16xf32> to vector<16xf32>
      %swap3A_708 = vector.shape_cast %add3A_703 : vector<16xf32> to vector<1x16xf32>
      tpu.vector_store %arg8[%swap3A_704, %swap3A_705], %swap3A_708 {strides = array<i32>} : memref<64x768xf32, #tpu.memory_space<vmem>>, vector<1x16xf32>,
      %get3A_709 = arith.index_cast %add3A_52 : i32 to index
      %get3A_710 = arith.constant 752 : index
      %get3A_711 = tpu.vector_load %arg8[%get3A_709, %get3A_710] {strides = array<i32>} : memref<64x768xf32, #tpu.memory_space<vmem>>, vector<1x16xf32>,
      %get3A_712 = vector.shape_cast %get3A_711 : vector<1x16xf32> to vector<16xf32>
      %get3A_713 = arith.index_cast %add3A_52 : i32 to index
      %get3A_714 = arith.constant 752 : index
      %get3A_715 = tpu.vector_load %arg9[%get3A_713, %get3A_714] {strides = array<i32>} : memref<64x768xf32, #tpu.memory_space<vmem>>, vector<1x16xf32>,
      %get3A_716 = vector.shape_cast %get3A_715 : vector<1x16xf32> to vector<16xf32>
      %add3A_717 = arith.addf %get3A_712, %get3A_716 : vector<16xf32>
      %swap3A_718 = arith.index_cast %add3A_52 : i32 to index
      %swap3A_719 = arith.constant 752 : index
      %swap3A_720 = tpu.vector_load %arg8[%swap3A_718, %swap3A_719] {strides = array<i32>} : memref<64x768xf32, #tpu.memory_space<vmem>>, vector<1x16xf32>,
      %swap3A_721 = vector.shape_cast %swap3A_720 : vector<1x16xf32> to vector<16xf32>
      %swap3A_722 = vector.shape_cast %add3A_717 : vector<16xf32> to vector<1x16xf32>
      tpu.vector_store %arg8[%swap3A_718, %swap3A_719], %swap3A_722 {strides = array<i32>} : memref<64x768xf32, #tpu.memory_space<vmem>>, vector<1x16xf32>,
    }
    %scan3A_39 = arith.constant 64 : i32
    %dma_start3A_40 = arith.constant 0 : i32
    %dma_start3A_41 = tpu.memref_slice %arg5[%mul3A_2, %dma_start3A_40] : memref<2048x768xf32, #tpu.memory_space<hbm>> -> memref<64x768xf32, #tpu.memory_space<hbm>>
    %dma_start3A_42 = arith.constant 0 : i32
    %dma_start3A_43 = tpu.memref_slice %arg5[%mul3A_2, %dma_start3A_42] : memref<2048x768xf32, #tpu.memory_space<hbm>> -> memref<64x768xf32, #tpu.memory_space<hbm>>
    tpu.enqueue_dma source(%arg8 : memref<64x768xf32, #tpu.memory_space<vmem>>) target(%dma_start3A_43 : memref<64x768xf32, #tpu.memory_space<hbm>>) target_semaphore(%arg10 : memref<!tpu.dma_semaphore, #tpu.memory_space<semaphore_mem>>)
    %dma_wait3A_44 = arith.constant 0 : i32
    %dma_wait3A_45 = tpu.memref_slice %arg5[%mul3A_2, %dma_wait3A_44] : memref<2048x768xf32, #tpu.memory_space<hbm>> -> memref<64x768xf32, #tpu.memory_space<hbm>>
    %dma_wait3A_46 = arith.constant 0 : i32
    %dma_wait3A_47 = tpu.memref_slice %arg5[%mul3A_2, %dma_wait3A_46] : memref<2048x768xf32, #tpu.memory_space<hbm>> -> memref<64x768xf32, #tpu.memory_space<hbm>>
    tpu.wait_dma2 semaphore(%arg10 : memref<!tpu.dma_semaphore, #tpu.memory_space<semaphore_mem>>) src(%arg8 : memref<64x768xf32, #tpu.memory_space<vmem>>) dst(%dma_wait3A_47 : memref<64x768xf32, #tpu.memory_space<hbm>>)
    return
  }
}

#map = affine_map<(d0, d1) -> (0)>
module attributes {stable_mosaic.version = 14 : i64} {
  func.func @_build_body(%arg0: i32, %arg1: i32, %arg2: memref<4096xi32, #tpu.memory_space<hbm>>, %arg3: memref<4096xf32, #tpu.memory_space<hbm>>, %arg4: memref<6144xi32, #tpu.memory_space<hbm>>, %arg5: memref<6144xf32, #tpu.memory_space<hbm>>, %arg6: memref<4096xi32, #tpu.memory_space<hbm>>, %arg7: memref<64xi32, #tpu.memory_space<hbm>>, %arg8: memref<4096xi32, #tpu.memory_space<vmem>>, %arg9: memref<4096xf32, #tpu.memory_space<vmem>>, %arg10: memref<6144xi32, #tpu.memory_space<vmem>>, %arg11: memref<6144xf32, #tpu.memory_space<vmem>>, %arg12: memref<4096xi32, #tpu.memory_space<vmem>>, %arg13: memref<64xi32, #tpu.memory_space<vmem>>, %arg14: memref<16xi32, #tpu.memory_space<vmem>>, %arg15: memref<16xi32, #tpu.memory_space<vmem>>, %arg16: memref<!tpu.dma_semaphore, #tpu.memory_space<semaphore_mem>>) attributes {dimension_semantics = [#tpu.dimension_semantics<core_parallel>, #tpu.dimension_semantics<subcore_parallel>], iteration_bounds = array<i64: 2, 16>, scalar_prefetch = 0 : i64, scratch_operands = 9 : i64, tpu.core_type = #tpu.core_type<sc_vector_subcore>, window_params = [{transform_indices = #map}, {transform_indices = #map}, {transform_indices = #map}, {transform_indices = #map}, {transform_indices = #map}, {transform_indices = #map}]} {
    %mul3A = arith.constant 2 : i32
    %mul3A_0 = arith.muli %arg1, %mul3A : i32
    %add3A = arith.addi %mul3A_0, %arg0 : i32
    %eq3A = arith.constant 0 : i32
    %eq3A_1 = arith.cmpi eq, %add3A, %eq3A : i32
    %convert_element_type3A = arith.extui %eq3A_1 : i1 to i32
    %cond3A = arith.constant 0 : i32
    %cond3A_2 = arith.cmpi ne, %convert_element_type3A, %cond3A : i32
    scf.if %cond3A_2 {
      tpu.enqueue_dma source(%arg2 : memref<4096xi32, #tpu.memory_space<hbm>>) target(%arg8 : memref<4096xi32, #tpu.memory_space<vmem>>) target_semaphore(%arg16 : memref<!tpu.dma_semaphore, #tpu.memory_space<semaphore_mem>>)
      tpu.wait_dma2 semaphore(%arg16 : memref<!tpu.dma_semaphore, #tpu.memory_space<semaphore_mem>>) src(%arg2 : memref<4096xi32, #tpu.memory_space<hbm>>) dst(%arg8 : memref<4096xi32, #tpu.memory_space<vmem>>)
      tpu.enqueue_dma source(%arg3 : memref<4096xf32, #tpu.memory_space<hbm>>) target(%arg9 : memref<4096xf32, #tpu.memory_space<vmem>>) target_semaphore(%arg16 : memref<!tpu.dma_semaphore, #tpu.memory_space<semaphore_mem>>)
      tpu.wait_dma2 semaphore(%arg16 : memref<!tpu.dma_semaphore, #tpu.memory_space<semaphore_mem>>) src(%arg3 : memref<4096xf32, #tpu.memory_space<hbm>>) dst(%arg9 : memref<4096xf32, #tpu.memory_space<vmem>>)
      %broadcast_in_dim3A = arith.constant 0 : i32
      %broadcast_in_dim3A_3 = vector.broadcast %broadcast_in_dim3A : i32 to vector<16xi32>
      %broadcast_in_dim3A_4 = arith.constant 0.000000e+00 : f32
      %broadcast_in_dim3A_5 = vector.broadcast %broadcast_in_dim3A_4 : f32 to vector<16xf32>
      %iota3A = tpu.iota {dimensions = array<i32: 0>} : vector<16xi32>
      %sub3A = arith.constant 1 : i32
      %sub3A_6 = vector.broadcast %sub3A : i32 to vector<16xi32>
      %sub3A_7 = arith.subi %iota3A, %sub3A_6 : vector<16xi32>
      %max3A = arith.constant 0 : i32
      %max3A_8 = vector.broadcast %max3A : i32 to vector<16xi32>
      %max3A_9 = arith.maxsi %sub3A_7, %max3A_8 : vector<16xi32>
      %add3A_10 = arith.constant 1 : i32
      %add3A_11 = vector.broadcast %add3A_10 : i32 to vector<16xi32>
      %add3A_12 = arith.addi %iota3A, %add3A_11 : vector<16xi32>
      %min3A = arith.constant 15 : i32
      %min3A_13 = vector.broadcast %min3A : i32 to vector<16xi32>
      %min3A_14 = arith.minsi %add3A_12, %min3A_13 : vector<16xi32>
      %scan3A = arith.constant 0 : i32
      %scan3A_15 = arith.constant 384 : i32
      %scan3A_16 = arith.addi %scan3A, %scan3A_15 : i32
      %scan3A_17 = arith.constant 1 : i32
      scf.for %scan3A_425 = %scan3A to %scan3A_16 step %scan3A_17  : i32 {
        %mul3A_426 = arith.constant 1 : i32
        %mul3A_427 = arith.muli %scan3A_425, %mul3A_426 : i32
        %add3A_428 = arith.constant 0 : i32
        %add3A_429 = arith.addi %add3A_428, %mul3A_427 : i32
        %mul3A_430 = arith.constant 16 : i32
        %mul3A_431 = arith.muli %add3A_429, %mul3A_430 : i32
        %swap3A_432 = arith.index_cast %mul3A_431 : i32 to index
        %swap3A_433 = tpu.vector_load %arg10[%swap3A_432] {strides = array<i32>} : memref<6144xi32, #tpu.memory_space<vmem>>, vector<16xi32>,
        tpu.vector_store %arg10[%swap3A_432], %broadcast_in_dim3A_3 {strides = array<i32>} : memref<6144xi32, #tpu.memory_space<vmem>>, vector<16xi32>,
        %mul3A_434 = arith.constant 16 : i32
        %mul3A_435 = arith.muli %add3A_429, %mul3A_434 : i32
        %swap3A_436 = arith.index_cast %mul3A_435 : i32 to index
        %swap3A_437 = tpu.vector_load %arg11[%swap3A_436] {strides = array<i32>} : memref<6144xf32, #tpu.memory_space<vmem>>, vector<16xf32>,
        tpu.vector_store %arg11[%swap3A_436], %broadcast_in_dim3A_5 {strides = array<i32>} : memref<6144xf32, #tpu.memory_space<vmem>>, vector<16xf32>,
      }
      %scan3A_18 = arith.constant 384 : i32
      %swap3A = arith.constant 0 : index
      %swap3A_19 = tpu.vector_load %arg14[%swap3A] {strides = array<i32>} : memref<16xi32, #tpu.memory_space<vmem>>, vector<16xi32>,
      tpu.vector_store %arg14[%swap3A], %broadcast_in_dim3A_3 {strides = array<i32>} : memref<16xi32, #tpu.memory_space<vmem>>, vector<16xi32>,
      %scan3A_20 = arith.constant 0 : i32
      %scan3A_21 = arith.constant 256 : i32
      %scan3A_22 = arith.addi %scan3A_20, %scan3A_21 : i32
      %scan3A_23 = arith.constant 1 : i32
      scf.for %scan3A_425 = %scan3A_20 to %scan3A_22 step %scan3A_23  : i32 {
        %mul3A_426 = arith.constant 1 : i32
        %mul3A_427 = arith.muli %scan3A_425, %mul3A_426 : i32
        %add3A_428 = arith.constant 0 : i32
        %add3A_429 = arith.addi %add3A_428, %mul3A_427 : i32
        %mul3A_430 = arith.constant 16 : i32
        %mul3A_431 = arith.muli %add3A_429, %mul3A_430 : i32
        %get3A_432 = arith.index_cast %mul3A_431 : i32 to index
        %get3A_433 = tpu.vector_load %arg8[%get3A_432] {strides = array<i32>} : memref<4096xi32, #tpu.memory_space<vmem>>, vector<16xi32>,
        %masked_sort3A = arith.constant dense<true> : vector<16xi1>
        %masked_sort3A_434 = arith.constant -2147483648 : i32
        %masked_sort3A_435 = vector.broadcast %masked_sort3A_434 : i32 to vector<16xi32>
        %masked_sort3A_436 = arith.xori %get3A_433, %masked_sort3A_435 : vector<16xi32>
        %masked_sort3A_437, %masked_sort3A_438, %masked_sort3A_439 = tpu.sort %masked_sort3A_436, %iota3A masked %masked_sort3A : (vector<16xi32>, vector<16xi32>, vector<16xi1>) -> (vector<16xi1>, vector<16xi32>, vector<16xi32>)
        %masked_sort3A_440 = arith.xori %masked_sort3A_438, %masked_sort3A_435 : vector<16xi32>
        %eq3A_441 = arith.constant 0 : i32
        %eq3A_442 = vector.broadcast %eq3A_441 : i32 to vector<16xi32>
        %eq3A_443 = arith.cmpi eq, %iota3A, %eq3A_442 : vector<16xi32>
        %reshape3A = vector.shape_cast %max3A_9 : vector<16xi32> to vector<16x1xi32>
        %gather3A = vector.shape_cast %reshape3A : vector<16x1xi32> to vector<16xi32>
        %gather3A_444 = tpu.dynamic_gather %masked_sort3A_440[%gather3A] in [0] : vector<16xi32>, vector<16xi32> -> vector<16xi32>
        %ne3A = arith.cmpi ne, %masked_sort3A_440, %gather3A_444 : vector<16xi32>
        %or3A = arith.ori %eq3A_443, %ne3A : vector<16xi1>
        %jit3A_445 = arith.constant 0 : i32
        %broadcast_in_dim3A_446 = vector.broadcast %jit3A_445 : i32 to vector<16xi32>
        %select_n3A_447 = arith.select %or3A, %iota3A, %broadcast_in_dim3A_446 : vector<16xi1>, vector<16xi32>
        %broadcast_in_dim3A_448 = arith.constant true
        %broadcast_in_dim3A_449 = vector.broadcast %broadcast_in_dim3A_448 : i1 to vector<16xi1>
        %masked_cummax3A = arith.constant -2147483648 : i32
        %masked_cummax3A_450 = vector.broadcast %masked_cummax3A : i32 to vector<16xi32>
        %masked_cummax3A_451 = arith.xori %select_n3A_447, %masked_cummax3A_450 : vector<16xi32>
        %masked_cummax3A_452 = tpu.scan <max>, %masked_cummax3A_451 masked %broadcast_in_dim3A_449 : vector<16xi32>, vector<16xi1> -> vector<16xi32>
        %masked_cummax3A_453 = arith.xori %masked_cummax3A_452, %masked_cummax3A_450 : vector<16xi32>
        %sub3A_454 = arith.subi %iota3A, %masked_cummax3A_453 : vector<16xi32>
        %eq3A_455 = arith.constant 15 : i32
        %eq3A_456 = vector.broadcast %eq3A_455 : i32 to vector<16xi32>
        %eq3A_457 = arith.cmpi eq, %iota3A, %eq3A_456 : vector<16xi32>
        %reshape3A_458 = vector.shape_cast %min3A_14 : vector<16xi32> to vector<16x1xi32>
        %gather3A_459 = vector.shape_cast %reshape3A_458 : vector<16x1xi32> to vector<16xi32>
        %gather3A_460 = tpu.dynamic_gather %masked_sort3A_440[%gather3A_459] in [0] : vector<16xi32>, vector<16xi32> -> vector<16xi32>
        %ne3A_461 = arith.cmpi ne, %masked_sort3A_440, %gather3A_460 : vector<16xi32>
        %or3A_462 = arith.ori %eq3A_457, %ne3A_461 : vector<16xi1>
        %add3A_463 = arith.constant 1 : i32
        %add3A_464 = vector.broadcast %add3A_463 : i32 to vector<16xi32>
        %add3A_465 = arith.addi %sub3A_454, %add3A_464 : vector<16xi32>
        tpu.vector_store_idx %arg14[%masked_sort3A_440], %add3A_465 masked %or3A_462 {add = true} : memref<16xi32, #tpu.memory_space<vmem>>[vector<16xi32>], vector<16xi32>, vector<16xi1>
      }
      %scan3A_24 = arith.constant 256 : i32
      %get3A = arith.constant 0 : index
      %get3A_25 = tpu.vector_load %arg14[%get3A] {strides = array<i32>} : memref<16xi32, #tpu.memory_space<vmem>>, vector<16xi32>,
      %add3A_26 = arith.constant 255 : i32
      %add3A_27 = vector.broadcast %add3A_26 : i32 to vector<16xi32>
      %add3A_28 = arith.addi %get3A_25, %add3A_27 : vector<16xi32>
      %shift_right_arithmetic3A = arith.constant 8 : i32
      %shift_right_arithmetic3A_29 = vector.broadcast %shift_right_arithmetic3A : i32 to vector<16xi32>
      %shift_right_arithmetic3A_30 = arith.shrsi %add3A_28, %shift_right_arithmetic3A_29 : vector<16xi32>
      %mul3A_31 = arith.constant 256 : i32
      %mul3A_32 = vector.broadcast %mul3A_31 : i32 to vector<16xi32>
      %mul3A_33 = arith.muli %shift_right_arithmetic3A_30, %mul3A_32 : vector<16xi32>
      %broadcast_in_dim3A_34 = arith.constant true
      %broadcast_in_dim3A_35 = vector.broadcast %broadcast_in_dim3A_34 : i1 to vector<16xi1>
      %masked_cumsum3A = tpu.scan <sum>, %mul3A_33 masked %broadcast_in_dim3A_35 : vector<16xi32>, vector<16xi1> -> vector<16xi32>
      %sub3A_36 = arith.subi %masked_cumsum3A, %mul3A_33 : vector<16xi32>
      %shift_right_arithmetic3A_37 = arith.constant 8 : i32
      %shift_right_arithmetic3A_38 = vector.broadcast %shift_right_arithmetic3A_37 : i32 to vector<16xi32>
      %shift_right_arithmetic3A_39 = arith.shrsi %sub3A_36, %shift_right_arithmetic3A_38 : vector<16xi32>
      %swap3A_40 = arith.constant 0 : index
      %swap3A_41 = tpu.vector_load %arg15[%swap3A_40] {strides = array<i32>} : memref<16xi32, #tpu.memory_space<vmem>>, vector<16xi32>,
      tpu.vector_store %arg15[%swap3A_40], %sub3A_36 {strides = array<i32>} : memref<16xi32, #tpu.memory_space<vmem>>, vector<16xi32>,
      %reduce_sum3A = arith.constant true
      %reduce_sum3A_42 = vector.broadcast %reduce_sum3A : i1 to vector<16xi1>
      %reduce_sum3A_43 = tpu.scan <sum>, %shift_right_arithmetic3A_30 masked %reduce_sum3A_42 : vector<16xi32>, vector<16xi1> -> vector<16xi32>
      %reduce_sum3A_44 = vector.extract %reduce_sum3A_43[15] : i32 from vector<16xi32>
      %add3A_45 = arith.constant 0 : i32
      %add3A_46 = vector.broadcast %add3A_45 : i32 to vector<16xi32>
      %add3A_47 = arith.addi %iota3A, %add3A_46 : vector<16xi32>
      %sub3A_48 = arith.constant 1 : i32
      %sub3A_49 = arith.subi %reduce_sum3A_44, %sub3A_48 : i32
      %min3A_50 = vector.broadcast %sub3A_49 : i32 to vector<16xi32>
      %min3A_51 = arith.minsi %add3A_47, %min3A_50 : vector<16xi32>
      %eq3A_52 = arith.constant 0 : i32
      %eq3A_53 = vector.broadcast %eq3A_52 : i32 to vector<16xi32>
      %eq3A_54 = arith.cmpi eq, %iota3A, %eq3A_53 : vector<16xi32>
      %jit3A = arith.constant 0 : i32
      %broadcast_in_dim3A_55 = vector.broadcast %jit3A : i32 to vector<16xi32>
      %select_n3A = arith.select %eq3A_54, %shift_right_arithmetic3A_39, %broadcast_in_dim3A_55 : vector<16xi1>, vector<16xi32>
      %reduce_sum3A_56 = arith.constant true
      %reduce_sum3A_57 = vector.broadcast %reduce_sum3A_56 : i1 to vector<16xi1>
      %reduce_sum3A_58 = tpu.scan <sum>, %select_n3A masked %reduce_sum3A_57 : vector<16xi32>, vector<16xi1> -> vector<16xi32>
      %reduce_sum3A_59 = vector.extract %reduce_sum3A_58[15] : i32 from vector<16xi32>
      %ge3A = vector.broadcast %reduce_sum3A_59 : i32 to vector<16xi32>
      %ge3A_60 = arith.cmpi sge, %min3A_51, %ge3A : vector<16xi32>
      %convert_element_type3A_61 = arith.extui %ge3A_60 : vector<16xi1> to vector<16xi32>
      %add3A_62 = arith.addi %broadcast_in_dim3A_3, %convert_element_type3A_61 : vector<16xi32>
      %eq3A_63 = arith.constant 1 : i32
      %eq3A_64 = vector.broadcast %eq3A_63 : i32 to vector<16xi32>
      %eq3A_65 = arith.cmpi eq, %iota3A, %eq3A_64 : vector<16xi32>
      %jit3A_66 = arith.constant 0 : i32
      %broadcast_in_dim3A_67 = vector.broadcast %jit3A_66 : i32 to vector<16xi32>
      %select_n3A_68 = arith.select %eq3A_65, %shift_right_arithmetic3A_39, %broadcast_in_dim3A_67 : vector<16xi1>, vector<16xi32>
      %reduce_sum3A_69 = arith.constant true
      %reduce_sum3A_70 = vector.broadcast %reduce_sum3A_69 : i1 to vector<16xi1>
      %reduce_sum3A_71 = tpu.scan <sum>, %select_n3A_68 masked %reduce_sum3A_70 : vector<16xi32>, vector<16xi1> -> vector<16xi32>
      %reduce_sum3A_72 = vector.extract %reduce_sum3A_71[15] : i32 from vector<16xi32>
      %ge3A_73 = vector.broadcast %reduce_sum3A_72 : i32 to vector<16xi32>
      %ge3A_74 = arith.cmpi sge, %min3A_51, %ge3A_73 : vector<16xi32>
      %convert_element_type3A_75 = arith.extui %ge3A_74 : vector<16xi1> to vector<16xi32>
      %add3A_76 = arith.addi %add3A_62, %convert_element_type3A_75 : vector<16xi32>
      %eq3A_77 = arith.constant 2 : i32
      %eq3A_78 = vector.broadcast %eq3A_77 : i32 to vector<16xi32>
      %eq3A_79 = arith.cmpi eq, %iota3A, %eq3A_78 : vector<16xi32>
      %jit3A_80 = arith.constant 0 : i32
      %broadcast_in_dim3A_81 = vector.broadcast %jit3A_80 : i32 to vector<16xi32>
      %select_n3A_82 = arith.select %eq3A_79, %shift_right_arithmetic3A_39, %broadcast_in_dim3A_81 : vector<16xi1>, vector<16xi32>
      %reduce_sum3A_83 = arith.constant true
      %reduce_sum3A_84 = vector.broadcast %reduce_sum3A_83 : i1 to vector<16xi1>
      %reduce_sum3A_85 = tpu.scan <sum>, %select_n3A_82 masked %reduce_sum3A_84 : vector<16xi32>, vector<16xi1> -> vector<16xi32>
      %reduce_sum3A_86 = vector.extract %reduce_sum3A_85[15] : i32 from vector<16xi32>
      %ge3A_87 = vector.broadcast %reduce_sum3A_86 : i32 to vector<16xi32>
      %ge3A_88 = arith.cmpi sge, %min3A_51, %ge3A_87 : vector<16xi32>
      %convert_element_type3A_89 = arith.extui %ge3A_88 : vector<16xi1> to vector<16xi32>
      %add3A_90 = arith.addi %add3A_76, %convert_element_type3A_89 : vector<16xi32>
      %eq3A_91 = arith.constant 3 : i32
      %eq3A_92 = vector.broadcast %eq3A_91 : i32 to vector<16xi32>
      %eq3A_93 = arith.cmpi eq, %iota3A, %eq3A_92 : vector<16xi32>
      %jit3A_94 = arith.constant 0 : i32
      %broadcast_in_dim3A_95 = vector.broadcast %jit3A_94 : i32 to vector<16xi32>
      %select_n3A_96 = arith.select %eq3A_93, %shift_right_arithmetic3A_39, %broadcast_in_dim3A_95 : vector<16xi1>, vector<16xi32>
      %reduce_sum3A_97 = arith.constant true
      %reduce_sum3A_98 = vector.broadcast %reduce_sum3A_97 : i1 to vector<16xi1>
      %reduce_sum3A_99 = tpu.scan <sum>, %select_n3A_96 masked %reduce_sum3A_98 : vector<16xi32>, vector<16xi1> -> vector<16xi32>
      %reduce_sum3A_100 = vector.extract %reduce_sum3A_99[15] : i32 from vector<16xi32>
      %ge3A_101 = vector.broadcast %reduce_sum3A_100 : i32 to vector<16xi32>
      %ge3A_102 = arith.cmpi sge, %min3A_51, %ge3A_101 : vector<16xi32>
      %convert_element_type3A_103 = arith.extui %ge3A_102 : vector<16xi1> to vector<16xi32>
      %add3A_104 = arith.addi %add3A_90, %convert_element_type3A_103 : vector<16xi32>
      %eq3A_105 = arith.constant 4 : i32
      %eq3A_106 = vector.broadcast %eq3A_105 : i32 to vector<16xi32>
      %eq3A_107 = arith.cmpi eq, %iota3A, %eq3A_106 : vector<16xi32>
      %jit3A_108 = arith.constant 0 : i32
      %broadcast_in_dim3A_109 = vector.broadcast %jit3A_108 : i32 to vector<16xi32>
      %select_n3A_110 = arith.select %eq3A_107, %shift_right_arithmetic3A_39, %broadcast_in_dim3A_109 : vector<16xi1>, vector<16xi32>
      %reduce_sum3A_111 = arith.constant true
      %reduce_sum3A_112 = vector.broadcast %reduce_sum3A_111 : i1 to vector<16xi1>
      %reduce_sum3A_113 = tpu.scan <sum>, %select_n3A_110 masked %reduce_sum3A_112 : vector<16xi32>, vector<16xi1> -> vector<16xi32>
      %reduce_sum3A_114 = vector.extract %reduce_sum3A_113[15] : i32 from vector<16xi32>
      %ge3A_115 = vector.broadcast %reduce_sum3A_114 : i32 to vector<16xi32>
      %ge3A_116 = arith.cmpi sge, %min3A_51, %ge3A_115 : vector<16xi32>
      %convert_element_type3A_117 = arith.extui %ge3A_116 : vector<16xi1> to vector<16xi32>
      %add3A_118 = arith.addi %add3A_104, %convert_element_type3A_117 : vector<16xi32>
      %eq3A_119 = arith.constant 5 : i32
      %eq3A_120 = vector.broadcast %eq3A_119 : i32 to vector<16xi32>
      %eq3A_121 = arith.cmpi eq, %iota3A, %eq3A_120 : vector<16xi32>
      %jit3A_122 = arith.constant 0 : i32
      %broadcast_in_dim3A_123 = vector.broadcast %jit3A_122 : i32 to vector<16xi32>
      %select_n3A_124 = arith.select %eq3A_121, %shift_right_arithmetic3A_39, %broadcast_in_dim3A_123 : vector<16xi1>, vector<16xi32>
      %reduce_sum3A_125 = arith.constant true
      %reduce_sum3A_126 = vector.broadcast %reduce_sum3A_125 : i1 to vector<16xi1>
      %reduce_sum3A_127 = tpu.scan <sum>, %select_n3A_124 masked %reduce_sum3A_126 : vector<16xi32>, vector<16xi1> -> vector<16xi32>
      %reduce_sum3A_128 = vector.extract %reduce_sum3A_127[15] : i32 from vector<16xi32>
      %ge3A_129 = vector.broadcast %reduce_sum3A_128 : i32 to vector<16xi32>
      %ge3A_130 = arith.cmpi sge, %min3A_51, %ge3A_129 : vector<16xi32>
      %convert_element_type3A_131 = arith.extui %ge3A_130 : vector<16xi1> to vector<16xi32>
      %add3A_132 = arith.addi %add3A_118, %convert_element_type3A_131 : vector<16xi32>
      %eq3A_133 = arith.constant 6 : i32
      %eq3A_134 = vector.broadcast %eq3A_133 : i32 to vector<16xi32>
      %eq3A_135 = arith.cmpi eq, %iota3A, %eq3A_134 : vector<16xi32>
      %jit3A_136 = arith.constant 0 : i32
      %broadcast_in_dim3A_137 = vector.broadcast %jit3A_136 : i32 to vector<16xi32>
      %select_n3A_138 = arith.select %eq3A_135, %shift_right_arithmetic3A_39, %broadcast_in_dim3A_137 : vector<16xi1>, vector<16xi32>
      %reduce_sum3A_139 = arith.constant true
      %reduce_sum3A_140 = vector.broadcast %reduce_sum3A_139 : i1 to vector<16xi1>
      %reduce_sum3A_141 = tpu.scan <sum>, %select_n3A_138 masked %reduce_sum3A_140 : vector<16xi32>, vector<16xi1> -> vector<16xi32>
      %reduce_sum3A_142 = vector.extract %reduce_sum3A_141[15] : i32 from vector<16xi32>
      %ge3A_143 = vector.broadcast %reduce_sum3A_142 : i32 to vector<16xi32>
      %ge3A_144 = arith.cmpi sge, %min3A_51, %ge3A_143 : vector<16xi32>
      %convert_element_type3A_145 = arith.extui %ge3A_144 : vector<16xi1> to vector<16xi32>
      %add3A_146 = arith.addi %add3A_132, %convert_element_type3A_145 : vector<16xi32>
      %eq3A_147 = arith.constant 7 : i32
      %eq3A_148 = vector.broadcast %eq3A_147 : i32 to vector<16xi32>
      %eq3A_149 = arith.cmpi eq, %iota3A, %eq3A_148 : vector<16xi32>
      %jit3A_150 = arith.constant 0 : i32
      %broadcast_in_dim3A_151 = vector.broadcast %jit3A_150 : i32 to vector<16xi32>
      %select_n3A_152 = arith.select %eq3A_149, %shift_right_arithmetic3A_39, %broadcast_in_dim3A_151 : vector<16xi1>, vector<16xi32>
      %reduce_sum3A_153 = arith.constant true
      %reduce_sum3A_154 = vector.broadcast %reduce_sum3A_153 : i1 to vector<16xi1>
      %reduce_sum3A_155 = tpu.scan <sum>, %select_n3A_152 masked %reduce_sum3A_154 : vector<16xi32>, vector<16xi1> -> vector<16xi32>
      %reduce_sum3A_156 = vector.extract %reduce_sum3A_155[15] : i32 from vector<16xi32>
      %ge3A_157 = vector.broadcast %reduce_sum3A_156 : i32 to vector<16xi32>
      %ge3A_158 = arith.cmpi sge, %min3A_51, %ge3A_157 : vector<16xi32>
      %convert_element_type3A_159 = arith.extui %ge3A_158 : vector<16xi1> to vector<16xi32>
      %add3A_160 = arith.addi %add3A_146, %convert_element_type3A_159 : vector<16xi32>
      %sub3A_161 = arith.constant 1 : i32
      %sub3A_162 = vector.broadcast %sub3A_161 : i32 to vector<16xi32>
      %sub3A_163 = arith.subi %add3A_160, %sub3A_162 : vector<16xi32>
      %swap3A_164 = arith.constant 0 : index
      %swap3A_165 = tpu.vector_load %arg13[%swap3A_164] {strides = array<i32>} : memref<64xi32, #tpu.memory_space<vmem>>, vector<16xi32>,
      tpu.vector_store %arg13[%swap3A_164], %sub3A_163 {strides = array<i32>} : memref<64xi32, #tpu.memory_space<vmem>>, vector<16xi32>,
      %add3A_166 = arith.constant 16 : i32
      %add3A_167 = vector.broadcast %add3A_166 : i32 to vector<16xi32>
      %add3A_168 = arith.addi %iota3A, %add3A_167 : vector<16xi32>
      %sub3A_169 = arith.constant 1 : i32
      %sub3A_170 = arith.subi %reduce_sum3A_44, %sub3A_169 : i32
      %min3A_171 = vector.broadcast %sub3A_170 : i32 to vector<16xi32>
      %min3A_172 = arith.minsi %add3A_168, %min3A_171 : vector<16xi32>
      %eq3A_173 = arith.constant 0 : i32
      %eq3A_174 = vector.broadcast %eq3A_173 : i32 to vector<16xi32>
      %eq3A_175 = arith.cmpi eq, %iota3A, %eq3A_174 : vector<16xi32>
      %jit3A_176 = arith.constant 0 : i32
      %broadcast_in_dim3A_177 = vector.broadcast %jit3A_176 : i32 to vector<16xi32>
      %select_n3A_178 = arith.select %eq3A_175, %shift_right_arithmetic3A_39, %broadcast_in_dim3A_177 : vector<16xi1>, vector<16xi32>
      %reduce_sum3A_179 = arith.constant true
      %reduce_sum3A_180 = vector.broadcast %reduce_sum3A_179 : i1 to vector<16xi1>
      %reduce_sum3A_181 = tpu.scan <sum>, %select_n3A_178 masked %reduce_sum3A_180 : vector<16xi32>, vector<16xi1> -> vector<16xi32>
      %reduce_sum3A_182 = vector.extract %reduce_sum3A_181[15] : i32 from vector<16xi32>
      %ge3A_183 = vector.broadcast %reduce_sum3A_182 : i32 to vector<16xi32>
      %ge3A_184 = arith.cmpi sge, %min3A_172, %ge3A_183 : vector<16xi32>
      %convert_element_type3A_185 = arith.extui %ge3A_184 : vector<16xi1> to vector<16xi32>
      %add3A_186 = arith.addi %broadcast_in_dim3A_3, %convert_element_type3A_185 : vector<16xi32>
      %eq3A_187 = arith.constant 1 : i32
      %eq3A_188 = vector.broadcast %eq3A_187 : i32 to vector<16xi32>
      %eq3A_189 = arith.cmpi eq, %iota3A, %eq3A_188 : vector<16xi32>
      %jit3A_190 = arith.constant 0 : i32
      %broadcast_in_dim3A_191 = vector.broadcast %jit3A_190 : i32 to vector<16xi32>
      %select_n3A_192 = arith.select %eq3A_189, %shift_right_arithmetic3A_39, %broadcast_in_dim3A_191 : vector<16xi1>, vector<16xi32>
      %reduce_sum3A_193 = arith.constant true
      %reduce_sum3A_194 = vector.broadcast %reduce_sum3A_193 : i1 to vector<16xi1>
      %reduce_sum3A_195 = tpu.scan <sum>, %select_n3A_192 masked %reduce_sum3A_194 : vector<16xi32>, vector<16xi1> -> vector<16xi32>
      %reduce_sum3A_196 = vector.extract %reduce_sum3A_195[15] : i32 from vector<16xi32>
      %ge3A_197 = vector.broadcast %reduce_sum3A_196 : i32 to vector<16xi32>
      %ge3A_198 = arith.cmpi sge, %min3A_172, %ge3A_197 : vector<16xi32>
      %convert_element_type3A_199 = arith.extui %ge3A_198 : vector<16xi1> to vector<16xi32>
      %add3A_200 = arith.addi %add3A_186, %convert_element_type3A_199 : vector<16xi32>
      %eq3A_201 = arith.constant 2 : i32
      %eq3A_202 = vector.broadcast %eq3A_201 : i32 to vector<16xi32>
      %eq3A_203 = arith.cmpi eq, %iota3A, %eq3A_202 : vector<16xi32>
      %jit3A_204 = arith.constant 0 : i32
      %broadcast_in_dim3A_205 = vector.broadcast %jit3A_204 : i32 to vector<16xi32>
      %select_n3A_206 = arith.select %eq3A_203, %shift_right_arithmetic3A_39, %broadcast_in_dim3A_205 : vector<16xi1>, vector<16xi32>
      %reduce_sum3A_207 = arith.constant true
      %reduce_sum3A_208 = vector.broadcast %reduce_sum3A_207 : i1 to vector<16xi1>
      %reduce_sum3A_209 = tpu.scan <sum>, %select_n3A_206 masked %reduce_sum3A_208 : vector<16xi32>, vector<16xi1> -> vector<16xi32>
      %reduce_sum3A_210 = vector.extract %reduce_sum3A_209[15] : i32 from vector<16xi32>
      %ge3A_211 = vector.broadcast %reduce_sum3A_210 : i32 to vector<16xi32>
      %ge3A_212 = arith.cmpi sge, %min3A_172, %ge3A_211 : vector<16xi32>
      %convert_element_type3A_213 = arith.extui %ge3A_212 : vector<16xi1> to vector<16xi32>
      %add3A_214 = arith.addi %add3A_200, %convert_element_type3A_213 : vector<16xi32>
      %eq3A_215 = arith.constant 3 : i32
      %eq3A_216 = vector.broadcast %eq3A_215 : i32 to vector<16xi32>
      %eq3A_217 = arith.cmpi eq, %iota3A, %eq3A_216 : vector<16xi32>
      %jit3A_218 = arith.constant 0 : i32
      %broadcast_in_dim3A_219 = vector.broadcast %jit3A_218 : i32 to vector<16xi32>
      %select_n3A_220 = arith.select %eq3A_217, %shift_right_arithmetic3A_39, %broadcast_in_dim3A_219 : vector<16xi1>, vector<16xi32>
      %reduce_sum3A_221 = arith.constant true
      %reduce_sum3A_222 = vector.broadcast %reduce_sum3A_221 : i1 to vector<16xi1>
      %reduce_sum3A_223 = tpu.scan <sum>, %select_n3A_220 masked %reduce_sum3A_222 : vector<16xi32>, vector<16xi1> -> vector<16xi32>
      %reduce_sum3A_224 = vector.extract %reduce_sum3A_223[15] : i32 from vector<16xi32>
      %ge3A_225 = vector.broadcast %reduce_sum3A_224 : i32 to vector<16xi32>
      %ge3A_226 = arith.cmpi sge, %min3A_172, %ge3A_225 : vector<16xi32>
      %convert_element_type3A_227 = arith.extui %ge3A_226 : vector<16xi1> to vector<16xi32>
      %add3A_228 = arith.addi %add3A_214, %convert_element_type3A_227 : vector<16xi32>
      %eq3A_229 = arith.constant 4 : i32
      %eq3A_230 = vector.broadcast %eq3A_229 : i32 to vector<16xi32>
      %eq3A_231 = arith.cmpi eq, %iota3A, %eq3A_230 : vector<16xi32>
      %jit3A_232 = arith.constant 0 : i32
      %broadcast_in_dim3A_233 = vector.broadcast %jit3A_232 : i32 to vector<16xi32>
      %select_n3A_234 = arith.select %eq3A_231, %shift_right_arithmetic3A_39, %broadcast_in_dim3A_233 : vector<16xi1>, vector<16xi32>
      %reduce_sum3A_235 = arith.constant true
      %reduce_sum3A_236 = vector.broadcast %reduce_sum3A_235 : i1 to vector<16xi1>
      %reduce_sum3A_237 = tpu.scan <sum>, %select_n3A_234 masked %reduce_sum3A_236 : vector<16xi32>, vector<16xi1> -> vector<16xi32>
      %reduce_sum3A_238 = vector.extract %reduce_sum3A_237[15] : i32 from vector<16xi32>
      %ge3A_239 = vector.broadcast %reduce_sum3A_238 : i32 to vector<16xi32>
      %ge3A_240 = arith.cmpi sge, %min3A_172, %ge3A_239 : vector<16xi32>
      %convert_element_type3A_241 = arith.extui %ge3A_240 : vector<16xi1> to vector<16xi32>
      %add3A_242 = arith.addi %add3A_228, %convert_element_type3A_241 : vector<16xi32>
      %eq3A_243 = arith.constant 5 : i32
      %eq3A_244 = vector.broadcast %eq3A_243 : i32 to vector<16xi32>
      %eq3A_245 = arith.cmpi eq, %iota3A, %eq3A_244 : vector<16xi32>
      %jit3A_246 = arith.constant 0 : i32
      %broadcast_in_dim3A_247 = vector.broadcast %jit3A_246 : i32 to vector<16xi32>
      %select_n3A_248 = arith.select %eq3A_245, %shift_right_arithmetic3A_39, %broadcast_in_dim3A_247 : vector<16xi1>, vector<16xi32>
      %reduce_sum3A_249 = arith.constant true
      %reduce_sum3A_250 = vector.broadcast %reduce_sum3A_249 : i1 to vector<16xi1>
      %reduce_sum3A_251 = tpu.scan <sum>, %select_n3A_248 masked %reduce_sum3A_250 : vector<16xi32>, vector<16xi1> -> vector<16xi32>
      %reduce_sum3A_252 = vector.extract %reduce_sum3A_251[15] : i32 from vector<16xi32>
      %ge3A_253 = vector.broadcast %reduce_sum3A_252 : i32 to vector<16xi32>
      %ge3A_254 = arith.cmpi sge, %min3A_172, %ge3A_253 : vector<16xi32>
      %convert_element_type3A_255 = arith.extui %ge3A_254 : vector<16xi1> to vector<16xi32>
      %add3A_256 = arith.addi %add3A_242, %convert_element_type3A_255 : vector<16xi32>
      %eq3A_257 = arith.constant 6 : i32
      %eq3A_258 = vector.broadcast %eq3A_257 : i32 to vector<16xi32>
      %eq3A_259 = arith.cmpi eq, %iota3A, %eq3A_258 : vector<16xi32>
      %jit3A_260 = arith.constant 0 : i32
      %broadcast_in_dim3A_261 = vector.broadcast %jit3A_260 : i32 to vector<16xi32>
      %select_n3A_262 = arith.select %eq3A_259, %shift_right_arithmetic3A_39, %broadcast_in_dim3A_261 : vector<16xi1>, vector<16xi32>
      %reduce_sum3A_263 = arith.constant true
      %reduce_sum3A_264 = vector.broadcast %reduce_sum3A_263 : i1 to vector<16xi1>
      %reduce_sum3A_265 = tpu.scan <sum>, %select_n3A_262 masked %reduce_sum3A_264 : vector<16xi32>, vector<16xi1> -> vector<16xi32>
      %reduce_sum3A_266 = vector.extract %reduce_sum3A_265[15] : i32 from vector<16xi32>
      %ge3A_267 = vector.broadcast %reduce_sum3A_266 : i32 to vector<16xi32>
      %ge3A_268 = arith.cmpi sge, %min3A_172, %ge3A_267 : vector<16xi32>
      %convert_element_type3A_269 = arith.extui %ge3A_268 : vector<16xi1> to vector<16xi32>
      %add3A_270 = arith.addi %add3A_256, %convert_element_type3A_269 : vector<16xi32>
      %eq3A_271 = arith.constant 7 : i32
      %eq3A_272 = vector.broadcast %eq3A_271 : i32 to vector<16xi32>
      %eq3A_273 = arith.cmpi eq, %iota3A, %eq3A_272 : vector<16xi32>
      %jit3A_274 = arith.constant 0 : i32
      %broadcast_in_dim3A_275 = vector.broadcast %jit3A_274 : i32 to vector<16xi32>
      %select_n3A_276 = arith.select %eq3A_273, %shift_right_arithmetic3A_39, %broadcast_in_dim3A_275 : vector<16xi1>, vector<16xi32>
      %reduce_sum3A_277 = arith.constant true
      %reduce_sum3A_278 = vector.broadcast %reduce_sum3A_277 : i1 to vector<16xi1>
      %reduce_sum3A_279 = tpu.scan <sum>, %select_n3A_276 masked %reduce_sum3A_278 : vector<16xi32>, vector<16xi1> -> vector<16xi32>
      %reduce_sum3A_280 = vector.extract %reduce_sum3A_279[15] : i32 from vector<16xi32>
      %ge3A_281 = vector.broadcast %reduce_sum3A_280 : i32 to vector<16xi32>
      %ge3A_282 = arith.cmpi sge, %min3A_172, %ge3A_281 : vector<16xi32>
      %convert_element_type3A_283 = arith.extui %ge3A_282 : vector<16xi1> to vector<16xi32>
      %add3A_284 = arith.addi %add3A_270, %convert_element_type3A_283 : vector<16xi32>
      %sub3A_285 = arith.constant 1 : i32
      %sub3A_286 = vector.broadcast %sub3A_285 : i32 to vector<16xi32>
      %sub3A_287 = arith.subi %add3A_284, %sub3A_286 : vector<16xi32>
      %swap3A_288 = arith.constant 16 : index
      %swap3A_289 = tpu.vector_load %arg13[%swap3A_288] {strides = array<i32>} : memref<64xi32, #tpu.memory_space<vmem>>, vector<16xi32>,
      tpu.vector_store %arg13[%swap3A_288], %sub3A_287 {strides = array<i32>} : memref<64xi32, #tpu.memory_space<vmem>>, vector<16xi32>,
      %add3A_290 = arith.constant 32 : i32
      %add3A_291 = vector.broadcast %add3A_290 : i32 to vector<16xi32>
      %add3A_292 = arith.addi %iota3A, %add3A_291 : vector<16xi32>
      %sub3A_293 = arith.constant 1 : i32
      %sub3A_294 = arith.subi %reduce_sum3A_44, %sub3A_293 : i32
      %min3A_295 = vector.broadcast %sub3A_294 : i32 to vector<16xi32>
      %min3A_296 = arith.minsi %add3A_292, %min3A_295 : vector<16xi32>
      %eq3A_297 = arith.constant 0 : i32
      %eq3A_298 = vector.broadcast %eq3A_297 : i32 to vector<16xi32>
      %eq3A_299 = arith.cmpi eq, %iota3A, %eq3A_298 : vector<16xi32>
      %jit3A_300 = arith.constant 0 : i32
      %broadcast_in_dim3A_301 = vector.broadcast %jit3A_300 : i32 to vector<16xi32>
      %select_n3A_302 = arith.select %eq3A_299, %shift_right_arithmetic3A_39, %broadcast_in_dim3A_301 : vector<16xi1>, vector<16xi32>
      %reduce_sum3A_303 = arith.constant true
      %reduce_sum3A_304 = vector.broadcast %reduce_sum3A_303 : i1 to vector<16xi1>
      %reduce_sum3A_305 = tpu.scan <sum>, %select_n3A_302 masked %reduce_sum3A_304 : vector<16xi32>, vector<16xi1> -> vector<16xi32>
      %reduce_sum3A_306 = vector.extract %reduce_sum3A_305[15] : i32 from vector<16xi32>
      %ge3A_307 = vector.broadcast %reduce_sum3A_306 : i32 to vector<16xi32>
      %ge3A_308 = arith.cmpi sge, %min3A_296, %ge3A_307 : vector<16xi32>
      %convert_element_type3A_309 = arith.extui %ge3A_308 : vector<16xi1> to vector<16xi32>
      %add3A_310 = arith.addi %broadcast_in_dim3A_3, %convert_element_type3A_309 : vector<16xi32>
      %eq3A_311 = arith.constant 1 : i32
      %eq3A_312 = vector.broadcast %eq3A_311 : i32 to vector<16xi32>
      %eq3A_313 = arith.cmpi eq, %iota3A, %eq3A_312 : vector<16xi32>
      %jit3A_314 = arith.constant 0 : i32
      %broadcast_in_dim3A_315 = vector.broadcast %jit3A_314 : i32 to vector<16xi32>
      %select_n3A_316 = arith.select %eq3A_313, %shift_right_arithmetic3A_39, %broadcast_in_dim3A_315 : vector<16xi1>, vector<16xi32>
      %reduce_sum3A_317 = arith.constant true
      %reduce_sum3A_318 = vector.broadcast %reduce_sum3A_317 : i1 to vector<16xi1>
      %reduce_sum3A_319 = tpu.scan <sum>, %select_n3A_316 masked %reduce_sum3A_318 : vector<16xi32>, vector<16xi1> -> vector<16xi32>
      %reduce_sum3A_320 = vector.extract %reduce_sum3A_319[15] : i32 from vector<16xi32>
      %ge3A_321 = vector.broadcast %reduce_sum3A_320 : i32 to vector<16xi32>
      %ge3A_322 = arith.cmpi sge, %min3A_296, %ge3A_321 : vector<16xi32>
      %convert_element_type3A_323 = arith.extui %ge3A_322 : vector<16xi1> to vector<16xi32>
      %add3A_324 = arith.addi %add3A_310, %convert_element_type3A_323 : vector<16xi32>
      %eq3A_325 = arith.constant 2 : i32
      %eq3A_326 = vector.broadcast %eq3A_325 : i32 to vector<16xi32>
      %eq3A_327 = arith.cmpi eq, %iota3A, %eq3A_326 : vector<16xi32>
      %jit3A_328 = arith.constant 0 : i32
      %broadcast_in_dim3A_329 = vector.broadcast %jit3A_328 : i32 to vector<16xi32>
      %select_n3A_330 = arith.select %eq3A_327, %shift_right_arithmetic3A_39, %broadcast_in_dim3A_329 : vector<16xi1>, vector<16xi32>
      %reduce_sum3A_331 = arith.constant true
      %reduce_sum3A_332 = vector.broadcast %reduce_sum3A_331 : i1 to vector<16xi1>
      %reduce_sum3A_333 = tpu.scan <sum>, %select_n3A_330 masked %reduce_sum3A_332 : vector<16xi32>, vector<16xi1> -> vector<16xi32>
      %reduce_sum3A_334 = vector.extract %reduce_sum3A_333[15] : i32 from vector<16xi32>
      %ge3A_335 = vector.broadcast %reduce_sum3A_334 : i32 to vector<16xi32>
      %ge3A_336 = arith.cmpi sge, %min3A_296, %ge3A_335 : vector<16xi32>
      %convert_element_type3A_337 = arith.extui %ge3A_336 : vector<16xi1> to vector<16xi32>
      %add3A_338 = arith.addi %add3A_324, %convert_element_type3A_337 : vector<16xi32>
      %eq3A_339 = arith.constant 3 : i32
      %eq3A_340 = vector.broadcast %eq3A_339 : i32 to vector<16xi32>
      %eq3A_341 = arith.cmpi eq, %iota3A, %eq3A_340 : vector<16xi32>
      %jit3A_342 = arith.constant 0 : i32
      %broadcast_in_dim3A_343 = vector.broadcast %jit3A_342 : i32 to vector<16xi32>
      %select_n3A_344 = arith.select %eq3A_341, %shift_right_arithmetic3A_39, %broadcast_in_dim3A_343 : vector<16xi1>, vector<16xi32>
      %reduce_sum3A_345 = arith.constant true
      %reduce_sum3A_346 = vector.broadcast %reduce_sum3A_345 : i1 to vector<16xi1>
      %reduce_sum3A_347 = tpu.scan <sum>, %select_n3A_344 masked %reduce_sum3A_346 : vector<16xi32>, vector<16xi1> -> vector<16xi32>
      %reduce_sum3A_348 = vector.extract %reduce_sum3A_347[15] : i32 from vector<16xi32>
      %ge3A_349 = vector.broadcast %reduce_sum3A_348 : i32 to vector<16xi32>
      %ge3A_350 = arith.cmpi sge, %min3A_296, %ge3A_349 : vector<16xi32>
      %convert_element_type3A_351 = arith.extui %ge3A_350 : vector<16xi1> to vector<16xi32>
      %add3A_352 = arith.addi %add3A_338, %convert_element_type3A_351 : vector<16xi32>
      %eq3A_353 = arith.constant 4 : i32
      %eq3A_354 = vector.broadcast %eq3A_353 : i32 to vector<16xi32>
      %eq3A_355 = arith.cmpi eq, %iota3A, %eq3A_354 : vector<16xi32>
      %jit3A_356 = arith.constant 0 : i32
      %broadcast_in_dim3A_357 = vector.broadcast %jit3A_356 : i32 to vector<16xi32>
      %select_n3A_358 = arith.select %eq3A_355, %shift_right_arithmetic3A_39, %broadcast_in_dim3A_357 : vector<16xi1>, vector<16xi32>
      %reduce_sum3A_359 = arith.constant true
      %reduce_sum3A_360 = vector.broadcast %reduce_sum3A_359 : i1 to vector<16xi1>
      %reduce_sum3A_361 = tpu.scan <sum>, %select_n3A_358 masked %reduce_sum3A_360 : vector<16xi32>, vector<16xi1> -> vector<16xi32>
      %reduce_sum3A_362 = vector.extract %reduce_sum3A_361[15] : i32 from vector<16xi32>
      %ge3A_363 = vector.broadcast %reduce_sum3A_362 : i32 to vector<16xi32>
      %ge3A_364 = arith.cmpi sge, %min3A_296, %ge3A_363 : vector<16xi32>
      %convert_element_type3A_365 = arith.extui %ge3A_364 : vector<16xi1> to vector<16xi32>
      %add3A_366 = arith.addi %add3A_352, %convert_element_type3A_365 : vector<16xi32>
      %eq3A_367 = arith.constant 5 : i32
      %eq3A_368 = vector.broadcast %eq3A_367 : i32 to vector<16xi32>
      %eq3A_369 = arith.cmpi eq, %iota3A, %eq3A_368 : vector<16xi32>
      %jit3A_370 = arith.constant 0 : i32
      %broadcast_in_dim3A_371 = vector.broadcast %jit3A_370 : i32 to vector<16xi32>
      %select_n3A_372 = arith.select %eq3A_369, %shift_right_arithmetic3A_39, %broadcast_in_dim3A_371 : vector<16xi1>, vector<16xi32>
      %reduce_sum3A_373 = arith.constant true
      %reduce_sum3A_374 = vector.broadcast %reduce_sum3A_373 : i1 to vector<16xi1>
      %reduce_sum3A_375 = tpu.scan <sum>, %select_n3A_372 masked %reduce_sum3A_374 : vector<16xi32>, vector<16xi1> -> vector<16xi32>
      %reduce_sum3A_376 = vector.extract %reduce_sum3A_375[15] : i32 from vector<16xi32>
      %ge3A_377 = vector.broadcast %reduce_sum3A_376 : i32 to vector<16xi32>
      %ge3A_378 = arith.cmpi sge, %min3A_296, %ge3A_377 : vector<16xi32>
      %convert_element_type3A_379 = arith.extui %ge3A_378 : vector<16xi1> to vector<16xi32>
      %add3A_380 = arith.addi %add3A_366, %convert_element_type3A_379 : vector<16xi32>
      %eq3A_381 = arith.constant 6 : i32
      %eq3A_382 = vector.broadcast %eq3A_381 : i32 to vector<16xi32>
      %eq3A_383 = arith.cmpi eq, %iota3A, %eq3A_382 : vector<16xi32>
      %jit3A_384 = arith.constant 0 : i32
      %broadcast_in_dim3A_385 = vector.broadcast %jit3A_384 : i32 to vector<16xi32>
      %select_n3A_386 = arith.select %eq3A_383, %shift_right_arithmetic3A_39, %broadcast_in_dim3A_385 : vector<16xi1>, vector<16xi32>
      %reduce_sum3A_387 = arith.constant true
      %reduce_sum3A_388 = vector.broadcast %reduce_sum3A_387 : i1 to vector<16xi1>
      %reduce_sum3A_389 = tpu.scan <sum>, %select_n3A_386 masked %reduce_sum3A_388 : vector<16xi32>, vector<16xi1> -> vector<16xi32>
      %reduce_sum3A_390 = vector.extract %reduce_sum3A_389[15] : i32 from vector<16xi32>
      %ge3A_391 = vector.broadcast %reduce_sum3A_390 : i32 to vector<16xi32>
      %ge3A_392 = arith.cmpi sge, %min3A_296, %ge3A_391 : vector<16xi32>
      %convert_element_type3A_393 = arith.extui %ge3A_392 : vector<16xi1> to vector<16xi32>
      %add3A_394 = arith.addi %add3A_380, %convert_element_type3A_393 : vector<16xi32>
      %eq3A_395 = arith.constant 7 : i32
      %eq3A_396 = vector.broadcast %eq3A_395 : i32 to vector<16xi32>
      %eq3A_397 = arith.cmpi eq, %iota3A, %eq3A_396 : vector<16xi32>
      %jit3A_398 = arith.constant 0 : i32
      %broadcast_in_dim3A_399 = vector.broadcast %jit3A_398 : i32 to vector<16xi32>
      %select_n3A_400 = arith.select %eq3A_397, %shift_right_arithmetic3A_39, %broadcast_in_dim3A_399 : vector<16xi1>, vector<16xi32>
      %reduce_sum3A_401 = arith.constant true
      %reduce_sum3A_402 = vector.broadcast %reduce_sum3A_401 : i1 to vector<16xi1>
      %reduce_sum3A_403 = tpu.scan <sum>, %select_n3A_400 masked %reduce_sum3A_402 : vector<16xi32>, vector<16xi1> -> vector<16xi32>
      %reduce_sum3A_404 = vector.extract %reduce_sum3A_403[15] : i32 from vector<16xi32>
      %ge3A_405 = vector.broadcast %reduce_sum3A_404 : i32 to vector<16xi32>
      %ge3A_406 = arith.cmpi sge, %min3A_296, %ge3A_405 : vector<16xi32>
      %convert_element_type3A_407 = arith.extui %ge3A_406 : vector<16xi1> to vector<16xi32>
      %add3A_408 = arith.addi %add3A_394, %convert_element_type3A_407 : vector<16xi32>
      %sub3A_409 = arith.constant 1 : i32
      %sub3A_410 = vector.broadcast %sub3A_409 : i32 to vector<16xi32>
      %sub3A_411 = arith.subi %add3A_408, %sub3A_410 : vector<16xi32>
      %swap3A_412 = arith.constant 32 : index
      %swap3A_413 = tpu.vector_load %arg13[%swap3A_412] {strides = array<i32>} : memref<64xi32, #tpu.memory_space<vmem>>, vector<16xi32>,
      tpu.vector_store %arg13[%swap3A_412], %sub3A_411 {strides = array<i32>} : memref<64xi32, #tpu.memory_space<vmem>>, vector<16xi32>,
      %broadcast_in_dim3A_414 = arith.constant 0 : i32
      %broadcast_in_dim3A_415 = vector.broadcast %broadcast_in_dim3A_414 : i32 to vector<16xi32>
      %add3A_416 = vector.broadcast %reduce_sum3A_44 : i32 to vector<16xi32>
      %add3A_417 = arith.addi %broadcast_in_dim3A_415, %add3A_416 : vector<16xi32>
      %swap3A_418 = arith.constant 48 : index
      %swap3A_419 = tpu.vector_load %arg13[%swap3A_418] {strides = array<i32>} : memref<64xi32, #tpu.memory_space<vmem>>, vector<16xi32>,
      tpu.vector_store %arg13[%swap3A_418], %add3A_417 {strides = array<i32>} : memref<64xi32, #tpu.memory_space<vmem>>, vector<16xi32>,
      %scan3A_420 = arith.constant 0 : i32
      %scan3A_421 = arith.constant 256 : i32
      %scan3A_422 = arith.addi %scan3A_420, %scan3A_421 : i32
      %scan3A_423 = arith.constant 1 : i32
      scf.for %scan3A_425 = %scan3A_420 to %scan3A_422 step %scan3A_423  : i32 {
        %mul3A_426 = arith.constant 1 : i32
        %mul3A_427 = arith.muli %scan3A_425, %mul3A_426 : i32
        %add3A_428 = arith.constant 0 : i32
        %add3A_429 = arith.addi %add3A_428, %mul3A_427 : i32
        %mul3A_430 = arith.constant 16 : i32
        %mul3A_431 = arith.muli %add3A_429, %mul3A_430 : i32
        %get3A_432 = arith.index_cast %mul3A_431 : i32 to index
        %get3A_433 = tpu.vector_load %arg8[%get3A_432] {strides = array<i32>} : memref<4096xi32, #tpu.memory_space<vmem>>, vector<16xi32>,
        %mul3A_434 = arith.constant 16 : i32
        %mul3A_435 = arith.muli %add3A_429, %mul3A_434 : i32
        %get3A_436 = arith.index_cast %mul3A_435 : i32 to index
        %get3A_437 = tpu.vector_load %arg9[%get3A_436] {strides = array<i32>} : memref<4096xf32, #tpu.memory_space<vmem>>, vector<16xf32>,
        %masked_sort3A = arith.constant dense<true> : vector<16xi1>
        %masked_sort3A_438 = arith.constant -2147483648 : i32
        %masked_sort3A_439 = vector.broadcast %masked_sort3A_438 : i32 to vector<16xi32>
        %masked_sort3A_440 = arith.xori %get3A_433, %masked_sort3A_439 : vector<16xi32>
        %masked_sort3A_441, %masked_sort3A_442, %masked_sort3A_443 = tpu.sort %masked_sort3A_440, %iota3A masked %masked_sort3A : (vector<16xi32>, vector<16xi32>, vector<16xi1>) -> (vector<16xi1>, vector<16xi32>, vector<16xi32>)
        %masked_sort3A_444 = arith.xori %masked_sort3A_442, %masked_sort3A_439 : vector<16xi32>
        %eq3A_445 = arith.constant 0 : i32
        %eq3A_446 = vector.broadcast %eq3A_445 : i32 to vector<16xi32>
        %eq3A_447 = arith.cmpi eq, %iota3A, %eq3A_446 : vector<16xi32>
        %reshape3A = vector.shape_cast %max3A_9 : vector<16xi32> to vector<16x1xi32>
        %gather3A = vector.shape_cast %reshape3A : vector<16x1xi32> to vector<16xi32>
        %gather3A_448 = tpu.dynamic_gather %masked_sort3A_444[%gather3A] in [0] : vector<16xi32>, vector<16xi32> -> vector<16xi32>
        %ne3A = arith.cmpi ne, %masked_sort3A_444, %gather3A_448 : vector<16xi32>
        %or3A = arith.ori %eq3A_447, %ne3A : vector<16xi1>
        %jit3A_449 = arith.constant 0 : i32
        %broadcast_in_dim3A_450 = vector.broadcast %jit3A_449 : i32 to vector<16xi32>
        %select_n3A_451 = arith.select %or3A, %iota3A, %broadcast_in_dim3A_450 : vector<16xi1>, vector<16xi32>
        %broadcast_in_dim3A_452 = arith.constant true
        %broadcast_in_dim3A_453 = vector.broadcast %broadcast_in_dim3A_452 : i1 to vector<16xi1>
        %masked_cummax3A = arith.constant -2147483648 : i32
        %masked_cummax3A_454 = vector.broadcast %masked_cummax3A : i32 to vector<16xi32>
        %masked_cummax3A_455 = arith.xori %select_n3A_451, %masked_cummax3A_454 : vector<16xi32>
        %masked_cummax3A_456 = tpu.scan <max>, %masked_cummax3A_455 masked %broadcast_in_dim3A_453 : vector<16xi32>, vector<16xi1> -> vector<16xi32>
        %masked_cummax3A_457 = arith.xori %masked_cummax3A_456, %masked_cummax3A_454 : vector<16xi32>
        %sub3A_458 = arith.subi %iota3A, %masked_cummax3A_457 : vector<16xi32>
        %eq3A_459 = arith.constant 15 : i32
        %eq3A_460 = vector.broadcast %eq3A_459 : i32 to vector<16xi32>
        %eq3A_461 = arith.cmpi eq, %iota3A, %eq3A_460 : vector<16xi32>
        %reshape3A_462 = vector.shape_cast %min3A_14 : vector<16xi32> to vector<16x1xi32>
        %gather3A_463 = vector.shape_cast %reshape3A_462 : vector<16x1xi32> to vector<16xi32>
        %gather3A_464 = tpu.dynamic_gather %masked_sort3A_444[%gather3A_463] in [0] : vector<16xi32>, vector<16xi32> -> vector<16xi32>
        %ne3A_465 = arith.cmpi ne, %masked_sort3A_444, %gather3A_464 : vector<16xi32>
        %or3A_466 = arith.ori %eq3A_461, %ne3A_465 : vector<16xi1>
        %gather3A_467 = tpu.vector_load_idx %arg15[%masked_sort3A_444] : memref<16xi32, #tpu.memory_space<vmem>>[vector<16xi32>], vector<16xi32>,
        %add3A_468 = arith.addi %gather3A_467, %sub3A_458 : vector<16xi32>
        %add3A_469 = arith.constant 1 : i32
        %add3A_470 = vector.broadcast %add3A_469 : i32 to vector<16xi32>
        %add3A_471 = arith.addi %add3A_468, %add3A_470 : vector<16xi32>
        tpu.vector_store_idx %arg15[%masked_sort3A_444], %add3A_471 masked %or3A_466 : memref<16xi32, #tpu.memory_space<vmem>>[vector<16xi32>], vector<16xi32>, vector<16xi1>
        %mul3A_472 = arith.constant 16 : i32
        %mul3A_473 = arith.muli %add3A_429, %mul3A_472 : i32
        %add3A_474 = vector.broadcast %mul3A_473 : i32 to vector<16xi32>
        %add3A_475 = arith.addi %add3A_474, %masked_sort3A_443 : vector<16xi32>
        %and3A = arith.constant 2047 : i32
        %and3A_476 = vector.broadcast %and3A : i32 to vector<16xi32>
        %and3A_477 = arith.andi %add3A_475, %and3A_476 : vector<16xi32>
        tpu.vector_store_idx %arg10[%add3A_468], %and3A_477 : memref<6144xi32, #tpu.memory_space<vmem>>[vector<16xi32>], vector<16xi32>,
        %reshape3A_478 = vector.shape_cast %masked_sort3A_443 : vector<16xi32> to vector<16x1xi32>
        %gather3A_479 = vector.shape_cast %reshape3A_478 : vector<16x1xi32> to vector<16xi32>
        %gather3A_480 = tpu.dynamic_gather %get3A_437[%gather3A_479] in [0] : vector<16xf32>, vector<16xi32> -> vector<16xf32>
        tpu.vector_store_idx %arg11[%add3A_468], %gather3A_480 : memref<6144xf32, #tpu.memory_space<vmem>>[vector<16xi32>], vector<16xf32>,
        %mul3A_481 = arith.constant 16 : i32
        %mul3A_482 = arith.muli %add3A_429, %mul3A_481 : i32
        %add3A_483 = vector.broadcast %mul3A_482 : i32 to vector<16xi32>
        %add3A_484 = arith.addi %add3A_483, %masked_sort3A_443 : vector<16xi32>
        tpu.vector_store_idx %arg12[%add3A_484], %add3A_468 : memref<4096xi32, #tpu.memory_space<vmem>>[vector<16xi32>], vector<16xi32>,
      }
      %scan3A_424 = arith.constant 256 : i32
      tpu.enqueue_dma source(%arg10 : memref<6144xi32, #tpu.memory_space<vmem>>) target(%arg4 : memref<6144xi32, #tpu.memory_space<hbm>>) target_semaphore(%arg16 : memref<!tpu.dma_semaphore, #tpu.memory_space<semaphore_mem>>)
      tpu.wait_dma2 semaphore(%arg16 : memref<!tpu.dma_semaphore, #tpu.memory_space<semaphore_mem>>) src(%arg10 : memref<6144xi32, #tpu.memory_space<vmem>>) dst(%arg4 : memref<6144xi32, #tpu.memory_space<hbm>>)
      tpu.enqueue_dma source(%arg11 : memref<6144xf32, #tpu.memory_space<vmem>>) target(%arg5 : memref<6144xf32, #tpu.memory_space<hbm>>) target_semaphore(%arg16 : memref<!tpu.dma_semaphore, #tpu.memory_space<semaphore_mem>>)
      tpu.wait_dma2 semaphore(%arg16 : memref<!tpu.dma_semaphore, #tpu.memory_space<semaphore_mem>>) src(%arg11 : memref<6144xf32, #tpu.memory_space<vmem>>) dst(%arg5 : memref<6144xf32, #tpu.memory_space<hbm>>)
      tpu.enqueue_dma source(%arg12 : memref<4096xi32, #tpu.memory_space<vmem>>) target(%arg6 : memref<4096xi32, #tpu.memory_space<hbm>>) target_semaphore(%arg16 : memref<!tpu.dma_semaphore, #tpu.memory_space<semaphore_mem>>)
      tpu.wait_dma2 semaphore(%arg16 : memref<!tpu.dma_semaphore, #tpu.memory_space<semaphore_mem>>) src(%arg12 : memref<4096xi32, #tpu.memory_space<vmem>>) dst(%arg6 : memref<4096xi32, #tpu.memory_space<hbm>>)
      tpu.enqueue_dma source(%arg13 : memref<64xi32, #tpu.memory_space<vmem>>) target(%arg7 : memref<64xi32, #tpu.memory_space<hbm>>) target_semaphore(%arg16 : memref<!tpu.dma_semaphore, #tpu.memory_space<semaphore_mem>>)
      tpu.wait_dma2 semaphore(%arg16 : memref<!tpu.dma_semaphore, #tpu.memory_space<semaphore_mem>>) src(%arg13 : memref<64xi32, #tpu.memory_space<vmem>>) dst(%arg7 : memref<64xi32, #tpu.memory_space<hbm>>)
    } else {
    }
    return
  }
}

module attributes {stable_mosaic.version = 14 : i64} {
  func.func @_router_body(%arg0: i32, %arg1: memref<256x768xf32, #tpu.memory_space<vmem>>, %arg2: memref<8x768xf32, #tpu.memory_space<vmem>>, %arg3: memref<1x8xf32, #tpu.memory_space<vmem>>, %arg4: memref<2x256xi32, #tpu.memory_space<vmem>>, %arg5: memref<2x256xf32, #tpu.memory_space<vmem>>) attributes {dimension_semantics = [#tpu.dimension_semantics<arbitrary>], iteration_bounds = array<i64: 8>, scalar_prefetch = 0 : i64, scratch_operands = 0 : i64, tpu.core_type = #tpu.core_type<tc>, window_params = [{transform_indices = @transform_0, window_bounds = array<i64: 256, 768>}, {pipeline_mode = #tpu.pipeline_mode<synchronous>, transform_indices = @transform_1, window_bounds = array<i64: 8, 768>}, {pipeline_mode = #tpu.pipeline_mode<synchronous>, transform_indices = @transform_2, window_bounds = array<i64: 1, 8>}, {transform_indices = @transform_3, window_bounds = array<i64: 2, 256>}, {transform_indices = @transform_4, window_bounds = array<i64: 2, 256>}]} {
    %get3A = arith.constant 0 : index
    %get3A_0 = arith.constant 0 : index
    %get3A_1 = vector.load %arg1[%get3A, %get3A_0] : memref<256x768xf32, #tpu.memory_space<vmem>>, vector<256x768xf32>
    %get3A_2 = arith.constant 0 : index
    %get3A_3 = arith.constant 0 : index
    %get3A_4 = vector.load %arg2[%get3A_2, %get3A_3] : memref<8x768xf32, #tpu.memory_space<vmem>>, vector<8x768xf32>
    %dot_general3A = arith.constant dense<0.000000e+00> : vector<256x8xf32>
    %dot_general3A_5 = tpu.matmul %get3A_1, %get3A_4, %dot_general3A {dimension_numbers = #tpu.dot_dimension_numbers<[1], [1], [0], [0], [0, 0, 1, 0], [], []>, transpose_lhs_hint = false} : vector<256x768xf32>, vector<8x768xf32>, vector<256x8xf32> -> vector<256x8xf32>
    %get3A_6 = arith.constant 0 : index
    %get3A_7 = arith.constant 0 : index
    %get3A_8 = vector.load %arg3[%get3A_6, %get3A_7] : memref<1x8xf32, #tpu.memory_space<vmem>>, vector<1x8xf32>
    %add3A = vector.broadcast %get3A_8 : vector<1x8xf32> to vector<256x8xf32>
    %add3A_9 = arith.addf %dot_general3A_5, %add3A : vector<256x8xf32>
    %reduce_max3A = arith.constant dense<0xFF800000> : vector<256xf32>
    %reduce_max3A_10 = vector.multi_reduction <maximumf>, %add3A_9, %reduce_max3A [1] : vector<256x8xf32> to vector<256xf32>
    %broadcast_in_dim3A = vector.shape_cast %reduce_max3A_10 : vector<256xf32> to vector<256x1xf32>
    %iota3A = tpu.iota {dimensions = array<i32: 1>} : vector<256x8xi32>
    %eq3A = vector.broadcast %broadcast_in_dim3A : vector<256x1xf32> to vector<256x8xf32>
    %eq3A_11 = arith.cmpf oeq, %add3A_9, %eq3A : vector<256x8xf32>
    %jit3A = arith.constant 8 : i32
    %broadcast_in_dim3A_12 = vector.broadcast %jit3A : i32 to vector<256x8xi32>
    %select_n3A = arith.select %eq3A_11, %iota3A, %broadcast_in_dim3A_12 : vector<256x8xi1>, vector<256x8xi32>
    %reduce_min3A = arith.constant dense<2147483647> : vector<256xi32>
    %reduce_min3A_13 = vector.multi_reduction <minsi>, %select_n3A, %reduce_min3A [1] : vector<256x8xi32> to vector<256xi32>
    %broadcast_in_dim3A_14 = vector.shape_cast %reduce_min3A_13 : vector<256xi32> to vector<256x1xi32>
    %eq3A_15 = vector.broadcast %broadcast_in_dim3A_14 : vector<256x1xi32> to vector<256x8xi32>
    %eq3A_16 = arith.cmpi eq, %iota3A, %eq3A_15 : vector<256x8xi32>
    %jit3A_17 = arith.constant 0xFF800000 : f32
    %broadcast_in_dim3A_18 = vector.broadcast %jit3A_17 : f32 to vector<256x8xf32>
    %select_n3A_19 = arith.select %eq3A_16, %broadcast_in_dim3A_18, %add3A_9 : vector<256x8xi1>, vector<256x8xf32>
    %reduce_max3A_20 = arith.constant dense<0xFF800000> : vector<256xf32>
    %reduce_max3A_21 = vector.multi_reduction <maximumf>, %select_n3A_19, %reduce_max3A_20 [1] : vector<256x8xf32> to vector<256xf32>
    %broadcast_in_dim3A_22 = vector.shape_cast %reduce_max3A_21 : vector<256xf32> to vector<256x1xf32>
    %eq3A_23 = vector.broadcast %broadcast_in_dim3A_22 : vector<256x1xf32> to vector<256x8xf32>
    %eq3A_24 = arith.cmpf oeq, %select_n3A_19, %eq3A_23 : vector<256x8xf32>
    %jit3A_25 = arith.constant 8 : i32
    %broadcast_in_dim3A_26 = vector.broadcast %jit3A_25 : i32 to vector<256x8xi32>
    %select_n3A_27 = arith.select %eq3A_24, %iota3A, %broadcast_in_dim3A_26 : vector<256x8xi1>, vector<256x8xi32>
    %reduce_min3A_28 = arith.constant dense<2147483647> : vector<256xi32>
    %reduce_min3A_29 = vector.multi_reduction <minsi>, %select_n3A_27, %reduce_min3A_28 [1] : vector<256x8xi32> to vector<256xi32>
    %broadcast_in_dim3A_30 = vector.shape_cast %reduce_min3A_29 : vector<256xi32> to vector<256x1xi32>
    %sub3A = arith.subf %broadcast_in_dim3A_22, %broadcast_in_dim3A : vector<256x1xf32>
    %exp3A = math.exp %sub3A : vector<256x1xf32>
    %add3A_31 = arith.constant 1.000000e+00 : f32
    %add3A_32 = vector.broadcast %add3A_31 : f32 to vector<256x1xf32>
    %add3A_33 = arith.addf %add3A_32, %exp3A : vector<256x1xf32>
    %reshape3A = vector.shape_cast %broadcast_in_dim3A_14 : vector<256x1xi32> to vector<1x256xi32>
    %swap3A = arith.constant 0 : index
    %swap3A_34 = arith.constant 0 : index
    %swap3A_35 = vector.load %arg4[%swap3A, %swap3A_34] : memref<2x256xi32, #tpu.memory_space<vmem>>, vector<1x256xi32>
    tpu.vector_store %arg4[%swap3A, %swap3A_34], %reshape3A {strides = array<i32>} : memref<2x256xi32, #tpu.memory_space<vmem>>, vector<1x256xi32>,
    %reshape3A_36 = vector.shape_cast %broadcast_in_dim3A_30 : vector<256x1xi32> to vector<1x256xi32>
    %swap3A_37 = arith.constant 1 : index
    %swap3A_38 = arith.constant 0 : index
    %swap3A_39 = vector.load %arg4[%swap3A_37, %swap3A_38] : memref<2x256xi32, #tpu.memory_space<vmem>>, vector<1x256xi32>
    tpu.vector_store %arg4[%swap3A_37, %swap3A_38], %reshape3A_36 {strides = array<i32>} : memref<2x256xi32, #tpu.memory_space<vmem>>, vector<1x256xi32>,
    %div3A = arith.constant 1.000000e+00 : f32
    %div3A_40 = vector.broadcast %div3A : f32 to vector<256x1xf32>
    %div3A_41 = arith.divf %div3A_40, %add3A_33 : vector<256x1xf32>
    %reshape3A_42 = vector.shape_cast %div3A_41 : vector<256x1xf32> to vector<1x256xf32>
    %swap3A_43 = arith.constant 0 : index
    %swap3A_44 = arith.constant 0 : index
    %swap3A_45 = vector.load %arg5[%swap3A_43, %swap3A_44] : memref<2x256xf32, #tpu.memory_space<vmem>>, vector<1x256xf32>
    tpu.vector_store %arg5[%swap3A_43, %swap3A_44], %reshape3A_42 {strides = array<i32>} : memref<2x256xf32, #tpu.memory_space<vmem>>, vector<1x256xf32>,
    %div3A_46 = arith.divf %exp3A, %add3A_33 : vector<256x1xf32>
    %reshape3A_47 = vector.shape_cast %div3A_46 : vector<256x1xf32> to vector<1x256xf32>
    %swap3A_48 = arith.constant 1 : index
    %swap3A_49 = arith.constant 0 : index
    %swap3A_50 = vector.load %arg5[%swap3A_48, %swap3A_49] : memref<2x256xf32, #tpu.memory_space<vmem>>, vector<1x256xf32>
    tpu.vector_store %arg5[%swap3A_48, %swap3A_49], %reshape3A_47 {strides = array<i32>} : memref<2x256xf32, #tpu.memory_space<vmem>>, vector<1x256xf32>,
    return
  }
  func.func @transform_0(%arg0: i32) -> (i32, i32) {
    %c0_i32 = arith.constant 0 : i32
    %c0_i32_0 = arith.constant 0 : i32
    return %arg0, %c0_i32 : i32, i32
  }
  func.func @transform_1(%arg0: i32) -> (i32, i32) {
    %c0_i32 = arith.constant 0 : i32
    %c0_i32_0 = arith.constant 0 : i32
    %c0_i32_1 = arith.constant 0 : i32
    return %c0_i32, %c0_i32_0 : i32, i32
  }
  func.func @transform_2(%arg0: i32) -> (i32, i32) {
    %c0_i32 = arith.constant 0 : i32
    %c0_i32_0 = arith.constant 0 : i32
    %c0_i32_1 = arith.constant 0 : i32
    return %c0_i32, %c0_i32_0 : i32, i32
  }
  func.func @transform_3(%arg0: i32) -> (i32, i32) {
    %c0_i32 = arith.constant 0 : i32
    %c0_i32_0 = arith.constant 0 : i32
    return %c0_i32, %arg0 : i32, i32
  }
  func.func @transform_4(%arg0: i32) -> (i32, i32) {
    %c0_i32 = arith.constant 0 : i32
    %c0_i32_0 = arith.constant 0 : i32
    return %c0_i32, %arg0 : i32, i32
  }
}

module attributes {stable_mosaic.version = 14 : i64} {
  func.func @_shared_body(%arg0: i32, %arg1: memref<2048x768xbf16, #tpu.memory_space<vmem>>, %arg2: memref<768x768xf32, #tpu.memory_space<vmem>>, %arg3: memref<1x1x768xf32, #tpu.memory_space<vmem>>, %arg4: memref<768x768xf32, #tpu.memory_space<vmem>>, %arg5: memref<1x768xf32, #tpu.memory_space<vmem>>, %arg6: memref<2048x768xf32, #tpu.memory_space<vmem>>, %arg7: memref<2048x768xf32, #tpu.memory_space<vmem>>) attributes {dimension_semantics = [#tpu.dimension_semantics<arbitrary>], iteration_bounds = array<i64: 4>, scalar_prefetch = 0 : i64, scratch_operands = 1 : i64, tpu.core_type = #tpu.core_type<tc>, window_params = [{pipeline_mode = #tpu.pipeline_mode<synchronous>, transform_indices = @transform_0, window_bounds = array<i64: 2048, 768>}, {transform_indices = @transform_1, window_bounds = array<i64: 768, 768>}, {transform_indices = @transform_2, window_bounds = array<i64: 1, 1, 768>}, {transform_indices = @transform_3, window_bounds = array<i64: 768, 768>}, {pipeline_mode = #tpu.pipeline_mode<synchronous>, transform_indices = @transform_4, window_bounds = array<i64: 1, 768>}, {pipeline_mode = #tpu.pipeline_mode<synchronous>, transform_indices = @transform_5, window_bounds = array<i64: 2048, 768>}]} {
    %eq3A = arith.constant 0 : i32
    %eq3A_0 = arith.cmpi eq, %arg0, %eq3A : i32
    %convert_element_type3A = arith.extui %eq3A_0 : i1 to i32
    %cond3A = arith.constant 0 : i32
    %cond3A_1 = arith.cmpi ne, %convert_element_type3A, %cond3A : i32
    scf.if %cond3A_1 {
      %broadcast_in_dim3A = arith.constant 0.000000e+00 : f32
      %broadcast_in_dim3A_35 = vector.broadcast %broadcast_in_dim3A : f32 to vector<2048x768xf32>
      %swap3A_36 = arith.constant 0 : index
      %swap3A_37 = arith.constant 0 : index
      %swap3A_38 = vector.load %arg7[%swap3A_36, %swap3A_37] : memref<2048x768xf32, #tpu.memory_space<vmem>>, vector<2048x768xf32>
      tpu.vector_store %arg7[%swap3A_36, %swap3A_37], %broadcast_in_dim3A_35 {strides = array<i32>} : memref<2048x768xf32, #tpu.memory_space<vmem>>, vector<2048x768xf32>,
    } else {
    }
    %get3A = arith.constant 0 : index
    %get3A_2 = arith.constant 0 : index
    %get3A_3 = vector.load %arg1[%get3A, %get3A_2] : memref<2048x768xbf16, #tpu.memory_space<vmem>>, vector<2048x768xbf16>
    %get3A_4 = arith.constant 0 : index
    %get3A_5 = arith.constant 0 : index
    %get3A_6 = vector.load %arg2[%get3A_4, %get3A_5] : memref<768x768xf32, #tpu.memory_space<vmem>>, vector<768x768xf32>
    %convert_element_type3A_7 = arith.truncf %get3A_6 : vector<768x768xf32> to vector<768x768xbf16>
    %dot_general3A = arith.constant dense<0.000000e+00> : vector<2048x768xf32>
    %dot_general3A_8 = tpu.matmul %get3A_3, %convert_element_type3A_7, %dot_general3A {dimension_numbers = #tpu.dot_dimension_numbers<[1], [1], [0], [0], [0, 0, 1, 0], [], []>, transpose_lhs_hint = false} : vector<2048x768xbf16>, vector<768x768xbf16>, vector<2048x768xf32> -> vector<2048x768xf32>
    %get3A_9 = arith.constant 0 : index
    %get3A_10 = arith.constant 0 : index
    %get3A_11 = arith.constant 0 : index
    %get3A_12 = vector.load %arg3[%get3A_9, %get3A_10, %get3A_11] : memref<1x1x768xf32, #tpu.memory_space<vmem>>, vector<1x1x768xf32>
    %get3A_13 = vector.shape_cast %get3A_12 : vector<1x1x768xf32> to vector<1x768xf32>
    %add3A = vector.broadcast %get3A_13 : vector<1x768xf32> to vector<2048x768xf32>
    %add3A_14 = arith.addf %dot_general3A_8, %add3A : vector<2048x768xf32>
    %max3A = arith.constant 0.000000e+00 : f32
    %max3A_15 = vector.broadcast %max3A : f32 to vector<2048x768xf32>
    %max3A_16 = arith.maximumf %add3A_14, %max3A_15 : vector<2048x768xf32>
    %convert_element_type3A_17 = arith.truncf %max3A_16 : vector<2048x768xf32> to vector<2048x768xbf16>
    %get3A_18 = arith.constant 0 : index
    %get3A_19 = arith.constant 0 : index
    %get3A_20 = vector.load %arg4[%get3A_18, %get3A_19] : memref<768x768xf32, #tpu.memory_space<vmem>>, vector<768x768xf32>
    %convert_element_type3A_21 = arith.truncf %get3A_20 : vector<768x768xf32> to vector<768x768xbf16>
    %get3A_22 = arith.constant 0 : index
    %get3A_23 = arith.constant 0 : index
    %get3A_24 = vector.load %arg7[%get3A_22, %get3A_23] : memref<2048x768xf32, #tpu.memory_space<vmem>>, vector<2048x768xf32>
    %dot_general3A_25 = arith.constant dense<0.000000e+00> : vector<2048x768xf32>
    %dot_general3A_26 = tpu.matmul %convert_element_type3A_17, %convert_element_type3A_21, %dot_general3A_25 {dimension_numbers = #tpu.dot_dimension_numbers<[1], [1], [0], [0], [0, 0, 1, 0], [], []>, transpose_lhs_hint = false} : vector<2048x768xbf16>, vector<768x768xbf16>, vector<2048x768xf32> -> vector<2048x768xf32>
    %add3A_27 = arith.addf %get3A_24, %dot_general3A_26 : vector<2048x768xf32>
    %swap3A = arith.constant 0 : index
    %swap3A_28 = arith.constant 0 : index
    %swap3A_29 = vector.load %arg7[%swap3A, %swap3A_28] : memref<2048x768xf32, #tpu.memory_space<vmem>>, vector<2048x768xf32>
    tpu.vector_store %arg7[%swap3A, %swap3A_28], %add3A_27 {strides = array<i32>} : memref<2048x768xf32, #tpu.memory_space<vmem>>, vector<2048x768xf32>,
    %eq3A_30 = arith.constant 3 : i32
    %eq3A_31 = arith.cmpi eq, %arg0, %eq3A_30 : i32
    %convert_element_type3A_32 = arith.extui %eq3A_31 : i1 to i32
    %cond3A_33 = arith.constant 0 : i32
    %cond3A_34 = arith.cmpi ne, %convert_element_type3A_32, %cond3A_33 : i32
    scf.if %cond3A_34 {
      %get3A_35 = arith.constant 0 : index
      %get3A_36 = arith.constant 0 : index
      %get3A_37 = vector.load %arg7[%get3A_35, %get3A_36] : memref<2048x768xf32, #tpu.memory_space<vmem>>, vector<2048x768xf32>
      %get3A_38 = arith.constant 0 : index
      %get3A_39 = arith.constant 0 : index
      %get3A_40 = vector.load %arg5[%get3A_38, %get3A_39] : memref<1x768xf32, #tpu.memory_space<vmem>>, vector<1x768xf32>
      %add3A_41 = vector.broadcast %get3A_40 : vector<1x768xf32> to vector<2048x768xf32>
      %add3A_42 = arith.addf %get3A_37, %add3A_41 : vector<2048x768xf32>
      %swap3A_43 = arith.constant 0 : index
      %swap3A_44 = arith.constant 0 : index
      %swap3A_45 = vector.load %arg6[%swap3A_43, %swap3A_44] : memref<2048x768xf32, #tpu.memory_space<vmem>>, vector<2048x768xf32>
      tpu.vector_store %arg6[%swap3A_43, %swap3A_44], %add3A_42 {strides = array<i32>} : memref<2048x768xf32, #tpu.memory_space<vmem>>, vector<2048x768xf32>,
    } else {
    }
    return
  }
  func.func @transform_0(%arg0: i32) -> (i32, i32) {
    %c0_i32 = arith.constant 0 : i32
    %c0_i32_0 = arith.constant 0 : i32
    %c0_i32_1 = arith.constant 0 : i32
    return %c0_i32, %c0_i32_0 : i32, i32
  }
  func.func @transform_1(%arg0: i32) -> (i32, i32) {
    %c0_i32 = arith.constant 0 : i32
    %c0_i32_0 = arith.constant 0 : i32
    return %arg0, %c0_i32 : i32, i32
  }
  func.func @transform_2(%arg0: i32) -> (i32, i32, i32) {
    %c0_i32 = arith.constant 0 : i32
    %c0_i32_0 = arith.constant 0 : i32
    %c0_i32_1 = arith.constant 0 : i32
    return %arg0, %c0_i32, %c0_i32_0 : i32, i32, i32
  }
  func.func @transform_3(%arg0: i32) -> (i32, i32) {
    %c0_i32 = arith.constant 0 : i32
    %c0_i32_0 = arith.constant 0 : i32
    return %c0_i32, %arg0 : i32, i32
  }
  func.func @transform_4(%arg0: i32) -> (i32, i32) {
    %c0_i32 = arith.constant 0 : i32
    %c0_i32_0 = arith.constant 0 : i32
    %c0_i32_1 = arith.constant 0 : i32
    return %c0_i32, %c0_i32_0 : i32, i32
  }
  func.func @transform_5(%arg0: i32) -> (i32, i32) {
    %c0_i32 = arith.constant 0 : i32
    %c0_i32_0 = arith.constant 0 : i32
    %c0_i32_1 = arith.constant 0 : i32
    return %c0_i32, %c0_i32_0 : i32, i32
  }
}

module attributes {stable_mosaic.version = 14 : i64} {
  func.func @_grouped_body(%arg0: i32, %arg1: memref<24xi32, #tpu.memory_space<smem>>, %arg2: memref<1xi32, #tpu.memory_space<smem>>, %arg3: memref<2048x768xbf16, #tpu.memory_space<vmem>>, %arg4: memref<1x1x256xi32, #tpu.memory_space<vmem>>, %arg5: memref<1x3072x768xf32, #tpu.memory_space<vmem>>, %arg6: memref<1x1x3072xf32, #tpu.memory_space<vmem>>, %arg7: memref<1x768x3072xf32, #tpu.memory_space<vmem>>, %arg8: memref<1x1x768xf32, #tpu.memory_space<vmem>>, %arg9: memref<1x1x256xf32, #tpu.memory_space<vmem>>, %arg10: memref<256x768xf32, #tpu.memory_space<vmem>>) attributes {dimension_semantics = [#tpu.dimension_semantics<arbitrary>], iteration_bounds = array<i64: 24>, scalar_prefetch = 2 : i64, scratch_operands = 0 : i64, tpu.core_type = #tpu.core_type<tc>, window_params = [{pipeline_mode = #tpu.pipeline_mode<synchronous>, transform_indices = @transform_0, window_bounds = array<i64: 2048, 768>}, {transform_indices = @transform_1, window_bounds = array<i64: 1, 1, 256>}, {transform_indices = @transform_2, window_bounds = array<i64: 1, 3072, 768>}, {transform_indices = @transform_3, window_bounds = array<i64: 1, 1, 3072>}, {transform_indices = @transform_4, window_bounds = array<i64: 1, 768, 3072>}, {transform_indices = @transform_5, window_bounds = array<i64: 1, 1, 768>}, {transform_indices = @transform_6, window_bounds = array<i64: 1, 1, 256>}, {transform_indices = @transform_7, window_bounds = array<i64: 256, 768>}]} {
    %get3A = arith.constant 0 : index
    %get3A_0 = memref.load %arg2[%get3A] : memref<1xi32, #tpu.memory_space<smem>>
    %lt3A = arith.cmpi slt, %arg0, %get3A_0 : i32
    %convert_element_type3A = arith.extui %lt3A : i1 to i32
    %cond3A = arith.constant 0 : i32
    %cond3A_1 = arith.cmpi ne, %convert_element_type3A, %cond3A : i32
    scf.if %cond3A_1 {
      %get3A_2 = arith.constant 0 : index
      %get3A_3 = arith.constant 0 : index
      %get3A_4 = arith.constant 0 : index
      %get3A_5 = vector.load %arg4[%get3A_2, %get3A_3, %get3A_4] : memref<1x1x256xi32, #tpu.memory_space<vmem>>, vector<1x1x256xi32>
      %get3A_6 = vector.shape_cast %get3A_5 : vector<1x1x256xi32> to vector<1x256xi32>
      %reshape3A = vector.shape_cast %get3A_6 : vector<1x256xi32> to vector<256x1xi32>
      %iota3A = tpu.iota {dimensions = array<i32: 1>} : vector<256x2048xi32>
      %eq3A = vector.broadcast %reshape3A : vector<256x1xi32> to vector<256x2048xi32>
      %eq3A_7 = arith.cmpi eq, %iota3A, %eq3A : vector<256x2048xi32>
      %convert_element_type3A_8 = arith.extui %eq3A_7 : vector<256x2048xi1> to vector<256x2048xi32>
      %convert_element_type3A_9 = arith.sitofp %convert_element_type3A_8 : vector<256x2048xi32> to vector<256x2048xf32>
      %convert_element_type3A_10 = arith.truncf %convert_element_type3A_9 : vector<256x2048xf32> to vector<256x2048xbf16>
      %get3A_11 = arith.constant 0 : index
      %get3A_12 = arith.constant 0 : index
      %get3A_13 = vector.load %arg3[%get3A_11, %get3A_12] : memref<2048x768xbf16, #tpu.memory_space<vmem>>, vector<2048x768xbf16>
      %dot_general3A = arith.constant dense<0.000000e+00> : vector<256x768xf32>
      %dot_general3A_14 = tpu.matmul %convert_element_type3A_10, %get3A_13, %dot_general3A {dimension_numbers = #tpu.dot_dimension_numbers<[1], [0], [0], [1], [0, 0, 1, 1], [], []>, transpose_lhs_hint = false} : vector<256x2048xbf16>, vector<2048x768xbf16>, vector<256x768xf32> -> vector<256x768xf32>
      %convert_element_type3A_15 = arith.truncf %dot_general3A_14 : vector<256x768xf32> to vector<256x768xbf16>
      %get3A_16 = arith.constant 0 : index
      %get3A_17 = arith.constant 0 : index
      %get3A_18 = arith.constant 0 : index
      %get3A_19 = vector.load %arg5[%get3A_16, %get3A_17, %get3A_18] : memref<1x3072x768xf32, #tpu.memory_space<vmem>>, vector<1x3072x768xf32>
      %get3A_20 = vector.shape_cast %get3A_19 : vector<1x3072x768xf32> to vector<3072x768xf32>
      %convert_element_type3A_21 = arith.truncf %get3A_20 : vector<3072x768xf32> to vector<3072x768xbf16>
      %dot_general3A_22 = arith.constant dense<0.000000e+00> : vector<256x3072xf32>
      %dot_general3A_23 = tpu.matmul %convert_element_type3A_15, %convert_element_type3A_21, %dot_general3A_22 {dimension_numbers = #tpu.dot_dimension_numbers<[1], [1], [0], [0], [0, 0, 1, 0], [], []>, transpose_lhs_hint = false} : vector<256x768xbf16>, vector<3072x768xbf16>, vector<256x3072xf32> -> vector<256x3072xf32>
      %get3A_24 = arith.constant 0 : index
      %get3A_25 = arith.constant 0 : index
      %get3A_26 = arith.constant 0 : index
      %get3A_27 = vector.load %arg6[%get3A_24, %get3A_25, %get3A_26] : memref<1x1x3072xf32, #tpu.memory_space<vmem>>, vector<1x1x3072xf32>
      %get3A_28 = vector.shape_cast %get3A_27 : vector<1x1x3072xf32> to vector<1x3072xf32>
      %add3A = vector.broadcast %get3A_28 : vector<1x3072xf32> to vector<256x3072xf32>
      %add3A_29 = arith.addf %dot_general3A_23, %add3A : vector<256x3072xf32>
      %max3A = arith.constant 0.000000e+00 : f32
      %max3A_30 = vector.broadcast %max3A : f32 to vector<256x3072xf32>
      %max3A_31 = arith.maximumf %add3A_29, %max3A_30 : vector<256x3072xf32>
      %convert_element_type3A_32 = arith.truncf %max3A_31 : vector<256x3072xf32> to vector<256x3072xbf16>
      %get3A_33 = arith.constant 0 : index
      %get3A_34 = arith.constant 0 : index
      %get3A_35 = arith.constant 0 : index
      %get3A_36 = vector.load %arg7[%get3A_33, %get3A_34, %get3A_35] : memref<1x768x3072xf32, #tpu.memory_space<vmem>>, vector<1x768x3072xf32>
      %get3A_37 = vector.shape_cast %get3A_36 : vector<1x768x3072xf32> to vector<768x3072xf32>
      %convert_element_type3A_38 = arith.truncf %get3A_37 : vector<768x3072xf32> to vector<768x3072xbf16>
      %dot_general3A_39 = arith.constant dense<0.000000e+00> : vector<256x768xf32>
      %dot_general3A_40 = tpu.matmul %convert_element_type3A_32, %convert_element_type3A_38, %dot_general3A_39 {dimension_numbers = #tpu.dot_dimension_numbers<[1], [1], [0], [0], [0, 0, 1, 0], [], []>, transpose_lhs_hint = false} : vector<256x3072xbf16>, vector<768x3072xbf16>, vector<256x768xf32> -> vector<256x768xf32>
      %get3A_41 = arith.constant 0 : index
      %get3A_42 = arith.constant 0 : index
      %get3A_43 = arith.constant 0 : index
      %get3A_44 = vector.load %arg8[%get3A_41, %get3A_42, %get3A_43] : memref<1x1x768xf32, #tpu.memory_space<vmem>>, vector<1x1x768xf32>
      %get3A_45 = vector.shape_cast %get3A_44 : vector<1x1x768xf32> to vector<1x768xf32>
      %add3A_46 = vector.broadcast %get3A_45 : vector<1x768xf32> to vector<256x768xf32>
      %add3A_47 = arith.addf %dot_general3A_40, %add3A_46 : vector<256x768xf32>
      %get3A_48 = arith.constant 0 : index
      %get3A_49 = arith.constant 0 : index
      %get3A_50 = arith.constant 0 : index
      %get3A_51 = vector.load %arg9[%get3A_48, %get3A_49, %get3A_50] : memref<1x1x256xf32, #tpu.memory_space<vmem>>, vector<1x1x256xf32>
      %get3A_52 = vector.shape_cast %get3A_51 : vector<1x1x256xf32> to vector<1x256xf32>
      %reshape3A_53 = vector.shape_cast %get3A_52 : vector<1x256xf32> to vector<256x1xf32>
      %mul3A = vector.broadcast %reshape3A_53 : vector<256x1xf32> to vector<256x768xf32>
      %mul3A_54 = arith.mulf %mul3A, %add3A_47 : vector<256x768xf32>
      %swap3A = arith.constant 0 : index
      %swap3A_55 = arith.constant 0 : index
      %swap3A_56 = vector.load %arg10[%swap3A, %swap3A_55] : memref<256x768xf32, #tpu.memory_space<vmem>>, vector<256x768xf32>
      tpu.vector_store %arg10[%swap3A, %swap3A_55], %mul3A_54 {strides = array<i32>} : memref<256x768xf32, #tpu.memory_space<vmem>>, vector<256x768xf32>,
    } else {
    }
    return
  }
  func.func @transform_0(%arg0: i32, %arg1: memref<24xi32, #tpu.memory_space<smem>>, %arg2: memref<1xi32, #tpu.memory_space<smem>>) -> (i32, i32) {
    %c0_i32 = arith.constant 0 : i32
    %c0_i32_0 = arith.constant 0 : i32
    %c0_i32_1 = arith.constant 0 : i32
    return %c0_i32, %c0_i32_0 : i32, i32
  }
  func.func @transform_1(%arg0: i32, %arg1: memref<24xi32, #tpu.memory_space<smem>>, %arg2: memref<1xi32, #tpu.memory_space<smem>>) -> (i32, i32, i32) {
    %c0_i32 = arith.constant 0 : i32
    %c0_i32_0 = arith.constant 0 : i32
    %c0_i32_1 = arith.constant 0 : i32
    return %arg0, %c0_i32, %c0_i32_0 : i32, i32, i32
  }
  func.func @transform_2(%arg0: i32, %arg1: memref<24xi32, #tpu.memory_space<smem>>, %arg2: memref<1xi32, #tpu.memory_space<smem>>) -> (i32, i32, i32) {
    %get3A = arith.index_cast %arg0 : i32 to index
    %get3A_0 = memref.load %arg1[%get3A] : memref<24xi32, #tpu.memory_space<smem>>
    %c0_i32 = arith.constant 0 : i32
    %c0_i32_1 = arith.constant 0 : i32
    %c0_i32_2 = arith.constant 0 : i32
    return %get3A_0, %c0_i32, %c0_i32_1 : i32, i32, i32
  }
  func.func @transform_3(%arg0: i32, %arg1: memref<24xi32, #tpu.memory_space<smem>>, %arg2: memref<1xi32, #tpu.memory_space<smem>>) -> (i32, i32, i32) {
    %get3A = arith.index_cast %arg0 : i32 to index
    %get3A_0 = memref.load %arg1[%get3A] : memref<24xi32, #tpu.memory_space<smem>>
    %c0_i32 = arith.constant 0 : i32
    %c0_i32_1 = arith.constant 0 : i32
    %c0_i32_2 = arith.constant 0 : i32
    return %get3A_0, %c0_i32, %c0_i32_1 : i32, i32, i32
  }
  func.func @transform_4(%arg0: i32, %arg1: memref<24xi32, #tpu.memory_space<smem>>, %arg2: memref<1xi32, #tpu.memory_space<smem>>) -> (i32, i32, i32) {
    %get3A = arith.index_cast %arg0 : i32 to index
    %get3A_0 = memref.load %arg1[%get3A] : memref<24xi32, #tpu.memory_space<smem>>
    %c0_i32 = arith.constant 0 : i32
    %c0_i32_1 = arith.constant 0 : i32
    %c0_i32_2 = arith.constant 0 : i32
    return %get3A_0, %c0_i32, %c0_i32_1 : i32, i32, i32
  }
  func.func @transform_5(%arg0: i32, %arg1: memref<24xi32, #tpu.memory_space<smem>>, %arg2: memref<1xi32, #tpu.memory_space<smem>>) -> (i32, i32, i32) {
    %get3A = arith.index_cast %arg0 : i32 to index
    %get3A_0 = memref.load %arg1[%get3A] : memref<24xi32, #tpu.memory_space<smem>>
    %c0_i32 = arith.constant 0 : i32
    %c0_i32_1 = arith.constant 0 : i32
    %c0_i32_2 = arith.constant 0 : i32
    return %get3A_0, %c0_i32, %c0_i32_1 : i32, i32, i32
  }
  func.func @transform_6(%arg0: i32, %arg1: memref<24xi32, #tpu.memory_space<smem>>, %arg2: memref<1xi32, #tpu.memory_space<smem>>) -> (i32, i32, i32) {
    %c0_i32 = arith.constant 0 : i32
    %c0_i32_0 = arith.constant 0 : i32
    %c0_i32_1 = arith.constant 0 : i32
    return %arg0, %c0_i32, %c0_i32_0 : i32, i32, i32
  }
  func.func @transform_7(%arg0: i32, %arg1: memref<24xi32, #tpu.memory_space<smem>>, %arg2: memref<1xi32, #tpu.memory_space<smem>>) -> (i32, i32) {
    %c0_i32 = arith.constant 0 : i32
    %c0_i32_0 = arith.constant 0 : i32
    return %arg0, %c0_i32 : i32, i32
  }
}

</mosaic_0001>

<sc_bundles>
// kernel: kernel.10.cloned.1.call-start
scs
__scs_entry_jumppad:
0x0: {  	(pc) =	sbr.rel $0x88, $3  }
0x1: {  	(tag) =	ssettag $0x0;
	lr =	simm.s32 $0x1  }
0x2: {  	[smem:$0x3F96] =	sst lr;
	_ =	strace $0xD0000000  }
0x3: {  	_ = 	snop  }
0x4: {  	_ = 	snop  }
0x5: {  	_ = 	snop  }
0x6: {  	_ = 	snop  }
0x7: {  	_ = 	snop  }
__scs_overlays_trampoline_lowered:
0x8: {  	[smem:$0x3FA5] =	sst s0  }
0x9: {  	[smem:$0x3FA6] =	sst s1  }
0xa: {  	[smem:$0x3FA7] =	sst s2  }
0xb: {  	[smem:$0x3FA8] =	sst s3  }
0xc: {  	[smem:$0x3FA9] =	sst s4  }
0xd: {  	[smem:$0x3FAA] =	sst s5  }
0xe: {  	[smem:$0x3FAB] =	sst s6  }
0xf: {  	[smem:$0x3FAC] =	sst s7  }
0x10: {  	[smem:$0x3FAD] =	sst s8  }
0x11: {  	[smem:$0x3FAE] =	sst s9;
	s0 =	simm.s32 @!p0 $0x0  }
0x12: {  	s1 =	sld [smem:$0x3F94];
	s0 =	simm.s32 @p0 $0x1  }
0x13: {  	[smem:$0x3FAF] =	sst s0;
	s0 =	simm.s32 @!p1 $0x0  }
0x14: {  	s2 =	sld [smem:$0x3F93];
	s0 =	simm.s32 @p1 $0x1  }
0x15: {  	[smem:$0x3FB0] =	sst s0;
	s0 =	simm.s32 @!p2 $0x0  }
0x16: {  	s3 =	sld [smem:$0x3FDB];
	s0 =	simm.s32 @p2 $0x1  }
0x17: {  	s4 =	simm.s32 $0x1BF5;
	[smem:$0x3FB2] =	sst s0  }
0x18: {  	s0 =	sld [smem:$0x3F95];
	_ =	swait.ge [sflag:s4], $0x0  }
0x19: {  	s7 =	sld [smem:$0x3F96]  }
0x1a: {  	s8 =	sadd.s32 $0xFFFFE003, lr  }
0x1b: {  	s9 =	sadd.s32 $0xFFFFFEF7, lr;
	s5 =	simm.s32 $0xFFFFFFFF;
	p2 =	slt.u32 s8, $0xFFFFF086  }
0x1c: {  	p1 =	slt.u32 s9, $0xF7A;
	s5 =	simm.s32 @!p2 $0x0  }
0x1d: {  	s5 =	simm.s32 @p1 $0x1;
	p0 =	seq.s32 s7, s2  }
0x1e: {  	s7 =	smul.u32 @!p0 $0xF7A, s2;
	p2 =	seq.s32 @!p0 s5, $0x0  }
0x1f: {  	s9 =	smul.u32 $0xF7A, s1;
	s8 =	simm.s32 @!p0 $0x1BF5;
	p2 =	por !p2, p0  }
0x20: {  	[sflag:s8] =	ssyncset.s32 @!p0 $0xFFFFF086;
	s6 =	sadd.s32 @!p0 s3, s7;
	s7 =	simm.s32 @!p0 $0x108  }
0x21: {  	s3 =	sadd.s32 s3, s9;
	s6 =	sadd.s32 @!p0 $0x88, s6;
	s7 =	simm.s32 @p2 $0x1082  }
0x22: {  	[simem:s7], [sflag:s8] =	dma.local @!p0 [hbm:s6], $0xF7A  }
0x23: {  	s9 =	sor.u32 $0xD0000000, s2;
	s6 =	simm.s32 $0x108;
	_ =	swait.ge @!p0 [sflag:s8], $0x0  }
0x24: {  	s3 =	sadd.s32 $0x88, s3;
	s6 =	simm.s32 @!p1 $0x1082;
	[sflag:s4] =	ssyncset.s32 $0xFFFFF086  }
0x25: {  	[simem:s6], [sflag:s4] =	dma.local [hbm:s3], $0xF7A  }
0x26: {  	[smem:$0x3F96] =	sst s1;
	(tag) =	ssettag s2;
	_ =	strace s9  }
0x27: {  	s1 =	sld [smem:$0x3FA6]  }
0x28: {  	s2 =	sld [smem:$0x3FA7]  }
0x29: {  	s4 =	sld [smem:$0x3FA9]  }
0x2a: {  	p0 =	seq.s32 s5, $0x0;
	s5 =	sld [smem:$0x3FAA]  }
0x2b: {  	s6 =	sld [smem:$0x3FAB]  }
0x2c: {  	s7 =	sld [smem:$0x3FAC]  }
0x2d: {  	s3 =	simm.s32 $0x108;
	s8 =	sld [smem:$0x3FAD]  }
0x2e: {  	s3 =	simm.s32 @!p0 $0x1082;
	s9 =	sld [smem:$0x3FAE]  }
0x2f: {  	lr =	sadd.s32 s0, s3;
	s0 =	sld [smem:$0x3FA5]  }
0x30: {  	s3 =	sld [smem:$0x3FA8]  }
0x31: {  	[smem:$0x3FB1] =	sst s10  }
0x32: {  	s10 =	sld [smem:$0x3FAF];
	_ =	sdelay $0x3  }
0x33: {  	p0 =	seq.s32 s10, $0x1;
	s10 =	sld [smem:$0x3FB1];
	_ =	sdelay $0x3  }
0x34: {  	[smem:$0x3FB1] =	sst s10  }
0x35: {  	s10 =	sld [smem:$0x3FB0];
	_ =	sdelay $0x3  }
0x36: {  	p1 =	seq.s32 s10, $0x1;
	s10 =	sld [smem:$0x3FB1];
	_ =	sdelay $0x3  }
0x37: {  	[smem:$0x3FB1] =	sst s10  }
0x38: {  	s10 =	sld [smem:$0x3FB2]  }
0x39: {  	_ = 	snop;
	(pc) =	sbr.ind lr, $3  }
0x3a: {  	_ = 	snop  }
0x3b: {  	_ = 	snop  }
0x3c: {  	p2 =	seq.s32 s10, $0x1;
	s10 =	sld [smem:$0x3FB1]  }
0x3d: {  	_ =	shalt  }
0x3e: {  	_ =	shalt  }
0x3f: {  	_ =	shalt  }
0x40: {  	_ =	shalt  }
0x41: {  	_ =	shalt  }
0x42: {  	_ =	shalt  }
0x43: {  	_ =	shalt  }
0x44: {  	_ =	shalt  }
0x45: {  	_ =	shalt  }
0x46: {  	_ =	shalt  }
0x47: {  	_ =	shalt  }
0x48: {  	_ =	shalt  }
0x49: {  	_ =	shalt  }
0x4a: {  	_ =	shalt  }
0x4b: {  	_ =	shalt  }
0x4c: {  	_ =	shalt  }
0x4d: {  	_ =	shalt  }
0x4e: {  	_ =	shalt  }
0x4f: {  	_ =	shalt  }
0x50: {  	_ =	shalt  }
0x51: {  	_ =	shalt  }
0x52: {  	_ =	shalt  }
0x53: {  	_ =	shalt  }
0x54: {  	_ =	shalt  }
0x55: {  	_ =	shalt  }
0x56: {  	_ =	shalt  }
0x57: {  	_ =	shalt  }
0x58: {  	_ =	shalt  }
0x59: {  	_ =	shalt  }
0x5a: {  	_ =	shalt  }
0x5b: {  	_ =	shalt  }
0x5c: {  	_ =	shalt  }
0x5d: {  	_ =	shalt  }
0x5e: {  	_ =	shalt  }
0x5f: {  	_ =	shalt  }
0x60: {  	_ =	shalt  }
0x61: {  	_ =	shalt  }
0x62: {  	_ =	shalt  }
0x63: {  	_ =	shalt  }
0x64: {  	_ =	shalt  }
0x65: {  	_ =	shalt  }
0x66: {  	_ =	shalt  }
0x67: {  	_ =	shalt  }
0x68: {  	_ =	shalt  }
0x69: {  	_ =	shalt  }
0x6a: {  	_ =	shalt  }
0x6b: {  	_ =	shalt  }
0x6c: {  	_ =	shalt  }
0x6d: {  	_ =	shalt  }
0x6e: {  	_ =	shalt  }
0x6f: {  	_ =	shalt  }
0x70: {  	_ =	shalt  }
0x71: {  	_ =	shalt  }
0x72: {  	_ =	shalt  }
0x73: {  	_ =	shalt  }
0x74: {  	_ =	shalt  }
0x75: {  	_ =	shalt  }
0x76: {  	_ =	shalt  }
0x77: {  	_ =	shalt  }
0x78: {  	_ =	shalt  }
0x79: {  	_ =	shalt  }
0x7a: {  	_ =	shalt  }
0x7b: {  	_ =	shalt  }
0x7c: {  	_ =	shalt  }
0x7d: {  	_ =	shalt  }
0x7e: {  	_ =	shalt  }
0x7f: {  	_ =	shalt  }
0x80: {  	_ =	shalt  }
0x81: {  	_ =	shalt  }
0x82: {  	_ =	shalt  }
0x83: {  	_ =	shalt  }
0x84: {  	_ =	shalt  }
0x85: {  	_ =	shalt  }
0x86: {  	_ =	shalt  }
0x87: {  	_ =	shalt  }
.Lfunc_end0:
.L_simem_size_0:
called_computation.1_lowered:
.L_overlay_start_0:
0x88: {  	s2 =	sld [smem:$0x3FD9]  }
0x89: {  	s3 =	sld [smem:$0x3FFE];
	_ =	sdelay $0x1  }
0x8a: {  	s1 =	srdreg.scid  }
0x8b: {  	s0 =	sand.u32 $0x1, s1  }
0x8c: {  	s17 =	sshll.u32 s0, $0xA;
	s2 =	sadd.s32 s3, s2  }
0x8d: {  	s2 =	sadd.s32 s2, s17  }
0x8e: {  	[smem:$0x3FBD] =	sst s2  }
0x8f: {  	_ = 	snop  }
0x90: {  	s2 =	sld [smem:$0x3FD0];
	(tm) =	ssettm $0x1  }
0x91: {  	s18 =	sld [smem:$0x3FFB];
	_ =	sdelay $0x3  }
0x92: {  	_ =	strace s18  }
0x93: {  	s3 =	sld [smem:$0x3FFC];
	_ =	sdelay $0x3  }
0x94: {  	_ =	strace s3  }
0x95: {  	s3 =	sld [smem:$0x3FFD];
	_ =	sdelay $0x3  }
0x96: {  	_ =	strace s3  }
0x97: {  	_ =	strace $0x8FFFFFFF  }
0x98: {  	s19 =	sld [smem:$0x3FDB];
	_ =	sdelay $0x1  }
0x99: {  	s4 =	simm.s32 $_scs_section_size  }
0x9a: {  	s5 =	simm.s32 $_size__tile_overlayer_lowered;
	s6 =	simm.s32 $_tile_overlayer_lowered  }
0x9b: {  	s22 =	simm.s32 $0x1BFF;
	s21 =	sshll.u32 s6, $0x1;
	s3 =	sadd.s32 s4, s19  }
0x9c: {  	s7 =	simm.s32 $0x0;
	s20 =	sshll.u32 s5, $0x1;
	s5 =	sadd.s32 s21, s3  }
0x9d: {  	[timem:s7], [sflag:s22] =	dma.local [hbm:s5], s20  }
0x9e: {  	_ =	swait.ge [sflag:s22], s20  }
0x9f: {  	s4 =	ssub.s32 $0x0, s20;
	[sflag:s22] =	ssyncset.done $0x0  }
0xa0: {  	[sflag:s22] =	ssyncadd.s32 s4;
	_ =	sdelay $0x1  }
0xa1: {  	s23 =	simm.s32 $0x1B8B  }
0xa2: {  	_ =	swait.ge [sflag:s23], $0x1  }
0xa3: {  	[sflag:s23] =	ssyncset.done $0x0  }
0xa4: {  	s25 =	simm.s32 $0x1B8E;
	s24 =	sld [smem:$0x3FFE];
	[sflag:s23] =	ssyncadd.s32 $0xFFFFFFFF  }
0xa5: {  	s26 =	simm.s32 $execute0_lowered;
	[smem:$0x3FD2] =	sst s25  }
0xa6: {  	s5 =	sshll.u32 s26, $0x1;
	_ =	strace $0x80000049;
	[dreg:$0x1] =	wrdreg $0xFFFFFFFF  }
0xa7: {  	s28 =	simm.s32 $_size_execute0_lowered;
	s3 =	sadd.s32 s3, s5;
	[dreg:$0x0] =	wrdreg $0x0  }
0xa8: {  	s5 =	sshll.u32 s28, $0x1;
	[dreg:$0x2] =	wrdreg s3  }
0xa9: {  	[dreg:$0x3] =	wrdreg s5  }
0xaa: {  	[dreg:$0x4] =	wrdreg $0xC0  }
0xab: {  	_ =	task [dreg:s7], $0x5FFFF  }
0xac: {  	[dreg:$0x1] =	wrdreg $0xFFFFFFFF  }
0xad: {  	[dreg:$0x0] =	wrdreg $0x60  }
0xae: {  	[dreg:$0x2] =	wrdreg s24  }
0xaf: {  	[dreg:$0x3] =	wrdreg s2  }
0xb0: {  	[dreg:$0x4] =	wrdreg $0x9  }
0xb1: {  	_ =	task.clear_ibuf [dreg:s7], $0x5FFFF;
	_ =	strace $0x90000049  }
0xb2: {  	s29 =	simm.s32 $0x9;
	_ =	strace $0x8000004B  }
0xb3: {  	_ =	swait.ge [sflag:s29], $0x1  }
0xb4: {  	[sflag:s29] =	ssyncadd.s32 $0xFFFFFFFF  }
0xb5: {  	_ =	strace $0x9000004B  }
0xb6: {  	_ =	sfence  }
0xb7: {  	s30 =	sld [smem:$0x0];
	_ =	sdelay $0x2  }
0xb8: {  	s31 =	sshll.u32 s1, $0xD;
	s1 =	sshrl.u32 s1, $0x2  }
0xb9: {  	s3 =	sand.u32 $0x4000, s31;
	s1 =	sadd.s32 s1, s30  }
0xba: {  	s0 =	sor.u32 s3, s0;
	s1 =	sshll.u32 s1, $0x11  }
0xbb: {  	s0 =	sor.u32 s1, s0  }
0xbc: {  	s0 =	sadd.s32 $0x8F2B, s0  }
0xbd: {  	[sflag:s0] =	ssyncadd.remote.s32 $0x1  }
0xbe: {  	_ =	sfence.sel $0xFFFF  }
0xbf: {  	[dreg:$0x0] =	wrdreg $0xFFFFFFFF;
	(pc) =	sbr.abs _section_cstart, $3  }
0xc0: {  	[dreg:$0x1] =	wrdreg $0xFFFFFFFF  }
0xc1: {  	_ =	task.clear_ibuf [dreg:s7], $0x2FFFF;
	_ =	strace $0x9FFFFFFF  }
0xc2: {  	(tm) =	ssettm $0x7FFFFFFF  }
0xc3: {  	_ =	shalt  }
tec
execute0_lowered:
.L_overlay_start_1:
0x0: {  	(tag) =	ssettag $0x1  }
0x1: {  	s0 =	srdreg.scid  }
0x2: {  	s1 =	rddreg [dreg:$0x0];
	s2 =	stileid.u32  }
0x3: {  	s9 =	rddreg [dreg:$0x1];
	s11 =	simm.s32 $0x1;
	s19 =	simm.s32 $0x100  }
0x4: {  	s23 =	simm.s32 $0x10900;
	s24 =	simm.s32 $0x11100;
	s28 =	simm.s32 $0x12900  }
0x5: {  	s29 =	simm.s32 $0x13100;
	s30 =	simm.s32 $0x13900;
	s31 =	simm.s32 $0x14100  }
0x6: {  	s12 =	simm.s32 $0x15900;
	s13 =	simm.s32 $0x16100;
	s14 =	simm.s32 $0x16900  }
0x7: {  	s15 =	simm.s32 $0x17100;
	s16 =	simm.s32 $0x17900;
	s17 =	simm.s32 $0x2  }
0x8: {  	s18 =	simm.s32 $0x0;
	s0 =	sand.u32 $0x1, s0;
	s3 =	sshll.u32 s2, $0x4  }
0x9: {  	s2 =	simm.s32 $0x0;
	s7 =	sadd.s32 $0x34300, s1;
	s8 =	sadd.s32 $0x34400, s1  }
0xa: {  	s4 =	sshll.u32 s0, $0x3;
	[smem:$0x7FF] =	sst s2;
	s0 =	ssub.s32 $0x2, s0  }
0xb: {  	s3 =	sor.u32 s4, s3;
	_ =	strace $0x8000004A;
	s25 =	sshrl.u32 s0, $0x1  }
0xc: {  	s10 =	smul.u32 $0x300, s3;
	s5 =	sadd.s32 s3, s1;
	s3 =	sadd.s32 $0x34200, s1  }
0xd: {  	s0 =	ssub.s32 s0, s25;
	s25 =	simm.s32 $0x11900;
	s26 =	sadd.s32 $0x3000, s5  }
0xe: {  	v2 =	vlaneseq.u32;
	s5 =	sadd.s32 $0x3100, s5;
	s6 =	sadd.s32 s10, s1;
	[dreg:$0x3] =	wrdreg s26  }
0xf: {  	vm0 =	vmmov $0xffff;
	v1 =	vshrl.u32 v2, $0x3;
	s9 =	sadd.s32 s9, s10;
	s10 =	smax.u32 s0, $0x1;
	s26 =	simm.s32 $0x12100  }
0x10: {  	v0 =	vand.u32 $0x7, v2;
	v2 =	vor.u32 $0x8, v2;
	v1 =	vmul.u32 $0x8, v1;
	s1 =	simm.s32 $0x14900;
	s0 =	simm.s32 $0x15100;
	s6 =	sadd.s32 $0x4200, s6  }
.LBB2_1:
0x11: {  	s4 =	rddreg [dreg:$0x3]  }
0x12: {  	[tilespmem:s2], [sflag:$0x1] =	stream.linear.gather [hbm4b:s4+s2], $0x40, $0x38;
	[tilespmem:$0x18100] =	vst v63  }
0x13: {  	_ =	swait.ge [sflag:s11], $0x40  }
0x14: {  	[sflag:s11] =	ssyncset.done $0x0  }
0x15: {  	s20 =	simm.s32 $0x80;
	[sflag:s11] =	ssyncadd.s32 $0xFFFFFFC0  }
0x16: {  	[tilespmem:s20], [sflag:$0x1] =	stream.linear.gather [hbm4b:s5+s2], $0x40, $0x38;
	[tilespmem:$0x18100] =	vst v63  }
0x17: {  	_ =	swait.ge [sflag:s11], $0x40  }
0x18: {  	[sflag:s11] =	ssyncset.done $0x0  }
0x19: {  	[sflag:s11] =	ssyncadd.s32 $0xFFFFFFC0  }
0x1a: {  	[tilespmem:s19], [sflag:$0x1] =	stream.linear.gather [hbm4b:s6+s2], $0xC000, $0x38;
	[tilespmem:$0x18100] =	vst v63  }
0x1b: {  	v3 =	vld [tilespmem:$0x0];
	_ =	sdelay $0x4  }
0x1c: {  	v4 =	vshrl.u32 v3, $0x3  }
0x1d: {  	v4 =	vmul.u32 $0x30, v4  }
0x1e: {  	v3 =	vand.u32 $0x7, v3  }
0x1f: {  	v3 =	vor.u32 v3, v4  }
0x20: {  	v4 =	vperm.xlane v3, v0;
	_ =	sdelay $0x1  }
0x21: {  	v4 =	vadd.s32 v1, v4;
	_ =	sdelay $0x3  }
0x22: {  	s21 =	simm.s32 $0xC100;
	v3 =	vperm.xlane v3, v2  }
0x23: {  	[tilespmem:s21], [sflag:$0x2] =	stream.indirect_vreg.gather [hbm4b:s3+s2], $0x80, v4, vm0, $0xb8;
	[tilespmem:$0x18100] =	vst v63  }
0x24: {  	s22 =	simm.s32 $0xC900;
	v3 =	vadd.s32 v1, v3  }
0x25: {  	[tilespmem:s22], [sflag:$0x2] =	stream.indirect_vreg.gather [hbm4b:s7+s2], $0x80, v4, vm0, $0xb8;
	[tilespmem:$0x18100] =	vst v63  }
0x26: {  	s19 =	simm.s32 $0xD100  }
0x27: {  	[tilespmem:s19], [sflag:$0x2] =	stream.indirect_vreg.gather [hbm4b:s8+s2], $0x80, v4, vm0, $0xb8;
	[tilespmem:$0x18100] =	vst v63  }
0x28: {  	s20 =	simm.s32 $0xD900  }
0x29: {  	[tilespmem:s20], [sflag:$0x2] =	stream.indirect_vreg.gather [hbm4b:s3+s2], $0x80, v3, vm0, $0xb8;
	[tilespmem:$0x18100] =	vst v63  }
0x2a: {  	s21 =	simm.s32 $0xE100  }
0x2b: {  	[tilespmem:s21], [sflag:$0x2] =	stream.indirect_vreg.gather [hbm4b:s7+s2], $0x80, v3, vm0, $0xb8;
	[tilespmem:$0x18100] =	vst v63  }
0x2c: {  	s22 =	simm.s32 $0xE900  }
0x2d: {  	[tilespmem:s22], [sflag:$0x2] =	stream.indirect_vreg.gather [hbm4b:s8+s2], $0x80, v3, vm0, $0xb8;
	[tilespmem:$0x18100] =	vst v63  }
0x2e: {  	v3 =	vld [tilespmem:$0x10];
	_ =	sdelay $0x4  }
0x2f: {  	v4 =	vshrl.u32 v3, $0x3  }
0x30: {  	v4 =	vmul.u32 $0x30, v4  }
0x31: {  	v3 =	vand.u32 $0x7, v3  }
0x32: {  	v3 =	vor.u32 v3, v4  }
0x33: {  	v4 =	vperm.xlane v3, v0;
	_ =	sdelay $0x1  }
0x34: {  	v4 =	vadd.s32 v1, v4;
	_ =	sdelay $0x3  }
0x35: {  	s19 =	simm.s32 $0xF100;
	v3 =	vperm.xlane v3, v2  }
0x36: {  	[tilespmem:s19], [sflag:$0x2] =	stream.indirect_vreg.gather [hbm4b:s3+s2], $0x80, v4, vm0, $0xb8;
	[tilespmem:$0x18100] =	vst v63  }
0x37: {  	s20 =	simm.s32 $0xF900;
	v3 =	vadd.s32 v1, v3  }
0x38: {  	[tilespmem:s20], [sflag:$0x2] =	stream.indirect_vreg.gather [hbm4b:s7+s2], $0x80, v4, vm0, $0xb8;
	[tilespmem:$0x18100] =	vst v63  }
0x39: {  	s21 =	simm.s32 $0x10100  }
0x3a: {  	[tilespmem:s21], [sflag:$0x2] =	stream.indirect_vreg.gather [hbm4b:s8+s2], $0x80, v4, vm0, $0xb8;
	[tilespmem:$0x18100] =	vst v63  }
0x3b: {  	_ = 	snop  }
0x3c: {  	[tilespmem:s23], [sflag:$0x2] =	stream.indirect_vreg.gather [hbm4b:s3+s2], $0x80, v3, vm0, $0xb8;
	[tilespmem:$0x18100] =	vst v63  }
0x3d: {  	_ = 	snop  }
0x3e: {  	[tilespmem:s24], [sflag:$0x2] =	stream.indirect_vreg.gather [hbm4b:s7+s2], $0x80, v3, vm0, $0xb8;
	[tilespmem:$0x18100] =	vst v63  }
0x3f: {  	_ = 	snop  }
0x40: {  	[tilespmem:s25], [sflag:$0x2] =	stream.indirect_vreg.gather [hbm4b:s8+s2], $0x80, v3, vm0, $0xb8;
	[tilespmem:$0x18100] =	vst v63  }
0x41: {  	v3 =	vld [tilespmem:$0x20];
	_ =	sdelay $0x4  }
0x42: {  	v4 =	vshrl.u32 v3, $0x3  }
0x43: {  	v4 =	vmul.u32 $0x30, v4  }
0x44: {  	v3 =	vand.u32 $0x7, v3  }
0x45: {  	v3 =	vor.u32 v3, v4  }
0x46: {  	v4 =	vperm.xlane v3, v0;
	_ =	sdelay $0x1  }
0x47: {  	v4 =	vadd.s32 v1, v4;
	_ =	sdelay $0x3  }
0x48: {  	v3 =	vperm.xlane v3, v2  }
0x49: {  	[tilespmem:s26], [sflag:$0x2] =	stream.indirect_vreg.gather [hbm4b:s3+s2], $0x80, v4, vm0, $0xb8;
	[tilespmem:$0x18100] =	vst v63  }
0x4a: {  	v3 =	vadd.s32 v1, v3  }
0x4b: {  	[tilespmem:s28], [sflag:$0x2] =	stream.indirect_vreg.gather [hbm4b:s7+s2], $0x80, v4, vm0, $0xb8;
	[tilespmem:$0x18100] =	vst v63  }
0x4c: {  	_ = 	snop  }
0x4d: {  	[tilespmem:s29], [sflag:$0x2] =	stream.indirect_vreg.gather [hbm4b:s8+s2], $0x80, v4, vm0, $0xb8;
	[tilespmem:$0x18100] =	vst v63  }
0x4e: {  	_ = 	snop  }
0x4f: {  	[tilespmem:s30], [sflag:$0x2] =	stream.indirect_vreg.gather [hbm4b:s3+s2], $0x80, v3, vm0, $0xb8;
	[tilespmem:$0x18100] =	vst v63  }
0x50: {  	_ = 	snop  }
0x51: {  	[tilespmem:s31], [sflag:$0x2] =	stream.indirect_vreg.gather [hbm4b:s7+s2], $0x80, v3, vm0, $0xb8;
	[tilespmem:$0x18100] =	vst v63  }
0x52: {  	_ = 	snop  }
0x53: {  	[tilespmem:s1], [sflag:$0x2] =	stream.indirect_vreg.gather [hbm4b:s8+s2], $0x80, v3, vm0, $0xb8;
	[tilespmem:$0x18100] =	vst v63  }
0x54: {  	v3 =	vld [tilespmem:$0x30];
	_ =	sdelay $0x4  }
0x55: {  	v4 =	vshrl.u32 v3, $0x3  }
0x56: {  	v4 =	vmul.u32 $0x30, v4  }
0x57: {  	v3 =	vand.u32 $0x7, v3  }
0x58: {  	v3 =	vor.u32 v3, v4  }
0x59: {  	v4 =	vperm.xlane v3, v0;
	_ =	sdelay $0x1  }
0x5a: {  	v4 =	vadd.s32 v1, v4;
	_ =	sdelay $0x3  }
0x5b: {  	v3 =	vperm.xlane v3, v2  }
0x5c: {  	[tilespmem:s0], [sflag:$0x2] =	stream.indirect_vreg.gather [hbm4b:s3+s2], $0x80, v4, vm0, $0xb8;
	[tilespmem:$0x18100] =	vst v63  }
0x5d: {  	v3 =	vadd.s32 v1, v3  }
0x5e: {  	[tilespmem:s12], [sflag:$0x2] =	stream.indirect_vreg.gather [hbm4b:s7+s2], $0x80, v4, vm0, $0xb8;
	[tilespmem:$0x18100] =	vst v63  }
0x5f: {  	_ = 	snop  }
0x60: {  	[tilespmem:s13], [sflag:$0x2] =	stream.indirect_vreg.gather [hbm4b:s8+s2], $0x80, v4, vm0, $0xb8;
	[tilespmem:$0x18100] =	vst v63  }
0x61: {  	_ = 	snop  }
0x62: {  	[tilespmem:s14], [sflag:$0x2] =	stream.indirect_vreg.gather [hbm4b:s3+s2], $0x80, v3, vm0, $0xb8;
	[tilespmem:$0x18100] =	vst v63  }
0x63: {  	_ = 	snop  }
0x64: {  	[tilespmem:s15], [sflag:$0x2] =	stream.indirect_vreg.gather [hbm4b:s7+s2], $0x80, v3, vm0, $0xb8;
	[tilespmem:$0x18100] =	vst v63  }
0x65: {  	_ = 	snop  }
0x66: {  	[tilespmem:s16], [sflag:$0x2] =	stream.indirect_vreg.gather [hbm4b:s8+s2], $0x80, v3, vm0, $0xb8;
	[tilespmem:$0x18100] =	vst v63  }
0x67: {  	_ =	swait.ge [sflag:s11], $0xC000  }
0x68: {  	[sflag:s11] =	ssyncset.done $0x0  }
0x69: {  	s22 =	simm.s32 $0x0;
	[sflag:s11] =	ssyncadd.s32 $0xFFFF4000  }
0x6a: {  	s19 =	smul.u32 $0x1800, s22;
	_ =	swait.ge [sflag:s17], $0xC000  }
0x6b: {  	s20 =	sand.u32 $0x380, s2;
	[sflag:s17] =	ssyncset.done $0x0  }
0x6c: {  	s19 =	sor.u32 s20, s19;
	[sflag:s17] =	ssyncadd.s32 $0xFFFF4000  }
0x6d: {  	v12 =	vld [tilespmem:s19+$0xC100]  }
0x6e: {  	v13 =	vld [tilespmem:s19+$0xC110]  }
0x6f: {  	v14 =	vld [tilespmem:s19+$0xC120]  }
0x70: {  	v15 =	vld [tilespmem:s19+$0xC130]  }
0x71: {  	v16 =	vld [tilespmem:s19+$0xC140]  }
0x72: {  	v17 =	vld [tilespmem:s19+$0xC150]  }
0x73: {  	v18 =	vld [tilespmem:s19+$0xC160]  }
0x74: {  	v19 =	vld [tilespmem:s19+$0xC170]  }
0x75: {  	v20 =	vld [tilespmem:s19+$0xC500]  }
0x76: {  	v21 =	vld [tilespmem:s19+$0xC510]  }
0x77: {  	v22 =	vld [tilespmem:s19+$0xC520]  }
0x78: {  	v23 =	vld [tilespmem:s19+$0xC530]  }
0x79: {  	v24 =	vld [tilespmem:s19+$0xC540]  }
0x7a: {  	v25 =	vld [tilespmem:s19+$0xC550]  }
0x7b: {  	v26 =	vld [tilespmem:s19+$0xC560]  }
0x7c: {  	v27 =	vld [tilespmem:s19+$0xC570]  }
0x7d: {  	v28 =	vld [tilespmem:s19+$0xC900]  }
0x7e: {  	v29 =	vld [tilespmem:s19+$0xC910]  }
0x7f: {  	v30 =	vld [tilespmem:s19+$0xC920]  }
0x80: {  	v31 =	vld [tilespmem:s19+$0xC930]  }
0x81: {  	v32 =	vld [tilespmem:s19+$0xC940]  }
0x82: {  	v33 =	vld [tilespmem:s19+$0xC950]  }
0x83: {  	v34 =	vld [tilespmem:s19+$0xC960]  }
0x84: {  	v35 =	vld [tilespmem:s19+$0xC970]  }
0x85: {  	v36 =	vld [tilespmem:s19+$0xCD00]  }
0x86: {  	v37 =	vld [tilespmem:s19+$0xCD10]  }
0x87: {  	v38 =	vld [tilespmem:s19+$0xCD20]  }
0x88: {  	v39 =	vld [tilespmem:s19+$0xCD30]  }
0x89: {  	v40 =	vld [tilespmem:s19+$0xCD40]  }
0x8a: {  	v41 =	vld [tilespmem:s19+$0xCD50]  }
0x8b: {  	v42 =	vld [tilespmem:s19+$0xCD60]  }
0x8c: {  	v43 =	vld [tilespmem:s19+$0xCD70]  }
0x8d: {  	v44 =	vld [tilespmem:s19+$0xD100]  }
0x8e: {  	v45 =	vld [tilespmem:s19+$0xD110]  }
0x8f: {  	v46 =	vld [tilespmem:s19+$0xD120]  }
0x90: {  	v47 =	vld [tilespmem:s19+$0xD130]  }
0x91: {  	v48 =	vld [tilespmem:s19+$0xD140]  }
0x92: {  	v49 =	vld [tilespmem:s19+$0xD150]  }
0x93: {  	v50 =	vld [tilespmem:s19+$0xD160]  }
0x94: {  	v11 =	vld [tilespmem:s19+$0xD170]  }
0x95: {  	v10 =	vld [tilespmem:s19+$0xD500]  }
0x96: {  	v9 =	vld [tilespmem:s19+$0xD510]  }
0x97: {  	v8 =	vld [tilespmem:s19+$0xD520]  }
0x98: {  	v7 =	vld [tilespmem:s19+$0xD530]  }
0x99: {  	v6 =	vld [tilespmem:s19+$0xD540]  }
0x9a: {  	v51 =	vld [tilespmem:s19+$0x100]  }
0x9b: {  	v52 =	vld [tilespmem:s19+$0x110]  }
0x9c: {  	v53 =	vld [tilespmem:s19+$0x120]  }
0x9d: {  	v54 =	vld [tilespmem:s19+$0x130]  }
0x9e: {  	v55 =	vld [tilespmem:s19+$0x140]  }
0x9f: {  	v62 =	vld [tilespmem:s19+$0x150];
	v12 =	vadd.f32 v12, v51  }
0xa0: {  	v63 =	vld [tilespmem:s19+$0x160];
	v13 =	vadd.f32 v13, v52  }
0xa1: {  	[tilespmem:s19+$0x100] =	vst v12;
	v12 =	vadd.f32 v14, v53;
	v14 =	vld [tilespmem:s19+$0x170]  }
0xa2: {  	[tilespmem:s19+$0x110] =	vst v13;
	v13 =	vadd.f32 v15, v54;
	v15 =	vld [tilespmem:s19+$0x500]  }
0xa3: {  	[tilespmem:s19+$0x120] =	vst v12;
	v12 =	vadd.f32 v16, v55;
	v16 =	vld [tilespmem:s19+$0x510]  }
0xa4: {  	[tilespmem:s19+$0x130] =	vst v13;
	v13 =	vadd.f32 v17, v62;
	v17 =	vld [tilespmem:s19+$0x520]  }
0xa5: {  	v5 =	vld [tilespmem:s19+$0xD550]  }
0xa6: {  	[tilespmem:s19+$0x140] =	vst v12;
	v12 =	vadd.f32 v18, v63;
	v18 =	vld [tilespmem:s19+$0x570]  }
0xa7: {  	[tilespmem:s19+$0x150] =	vst v13;
	v13 =	vadd.f32 v19, v14;
	v14 =	vld [tilespmem:s19+$0x530]  }
0xa8: {  	[tilespmem:s19+$0x160] =	vst v12;
	v12 =	vadd.f32 v20, v15;
	v15 =	vld [tilespmem:s19+$0x540]  }
0xa9: {  	[tilespmem:s19+$0x170] =	vst v13;
	v13 =	vadd.f32 v21, v16;
	v16 =	vadd.f32 v22, v17;
	v17 =	vld [tilespmem:s19+$0x560]  }
0xaa: {  	[tilespmem:s19+$0x500] =	vst v12;
	v12 =	vld [tilespmem:s19+$0x550]  }
0xab: {  	[tilespmem:s19+$0x510] =	vst v13;
	v13 =	vld [tilespmem:s19+$0x900];
	v18 =	vadd.f32 v27, v18  }
0xac: {  	[tilespmem:s19+$0x520] =	vst v16;
	v16 =	vld [tilespmem:s19+$0x910];
	v14 =	vadd.f32 v23, v14  }
0xad: {  	v4 =	vld [tilespmem:s19+$0xD560];
	v15 =	vadd.f32 v24, v15;
	[tilespmem:s19+$0x570] =	vst v18  }
0xae: {  	[tilespmem:s19+$0x530] =	vst v14;
	v14 =	vld [tilespmem:s19+$0x920];
	v17 =	vadd.f32 v26, v17  }
0xaf: {  	v12 =	vadd.f32 v25, v12;
	[tilespmem:s19+$0x540] =	vst v15;
	v15 =	vld [tilespmem:s19+$0x930]  }
0xb0: {  	v18 =	vld [tilespmem:s19+$0x970];
	[tilespmem:s19+$0x560] =	vst v17;
	v13 =	vadd.f32 v28, v13  }
0xb1: {  	v16 =	vadd.f32 v29, v16;
	[tilespmem:s19+$0x550] =	vst v12;
	v12 =	vld [tilespmem:s19+$0x940]  }
0xb2: {  	v17 =	vld [tilespmem:s19+$0x950];
	[tilespmem:s19+$0x900] =	vst v13  }
0xb3: {  	[tilespmem:s19+$0x910] =	vst v16;
	v16 =	vld [tilespmem:s19+$0x960];
	v13 =	vadd.f32 v30, v14  }
0xb4: {  	v14 =	vld [tilespmem:s19+$0xD00];
	v15 =	vadd.f32 v31, v15  }
0xb5: {  	[tilespmem:s19+$0x920] =	vst v13;
	v13 =	vld [tilespmem:s19+$0xD10]  }
0xb6: {  	v12 =	vadd.f32 v32, v12;
	[tilespmem:s19+$0x930] =	vst v15;
	v15 =	vld [tilespmem:s19+$0xD20]  }
0xb7: {  	v3 =	vld [tilespmem:s19+$0xD570];
	v17 =	vadd.f32 v33, v17  }
0xb8: {  	v16 =	vadd.f32 v34, v16;
	[tilespmem:s19+$0x940] =	vst v12;
	v12 =	vld [tilespmem:s19+$0xD30]  }
0xb9: {  	[tilespmem:s19+$0x950] =	vst v17;
	v17 =	vld [tilespmem:s19+$0xD40];
	v14 =	vadd.f32 v36, v14  }
0xba: {  	v18 =	vadd.f32 v35, v18;
	[tilespmem:s19+$0x960] =	vst v16;
	v16 =	vld [tilespmem:s19+$0xD50]  }
0xbb: {  	v13 =	vadd.f32 v37, v13;
	[tilespmem:s19+$0xD00] =	vst v14;
	v14 =	vadd.f32 v38, v15;
	v15 =	vld [tilespmem:s19+$0xD60]  }
0xbc: {  	[tilespmem:s19+$0x970] =	vst v18;
	v18 =	vld [tilespmem:s19+$0xD70]  }
0xbd: {  	[tilespmem:s19+$0xD10] =	vst v13;
	v13 =	vld [tilespmem:s19+$0x1100];
	v12 =	vadd.f32 v39, v12  }
0xbe: {  	v17 =	vadd.f32 v40, v17;
	[tilespmem:s19+$0xD20] =	vst v14;
	v14 =	vld [tilespmem:s19+$0x1110]  }
0xbf: {  	v16 =	vadd.f32 v41, v16;
	[tilespmem:s19+$0xD30] =	vst v12;
	v12 =	vld [tilespmem:s19+$0x1120]  }
0xc0: {  	[tilespmem:s19+$0xD40] =	vst v17;
	v17 =	vld [tilespmem:s19+$0x1130];
	v15 =	vadd.f32 v42, v15  }
0xc1: {  	v19 =	vld [tilespmem:s19+$0x1140];
	[tilespmem:s19+$0xD50] =	vst v16;
	v16 =	vadd.f32 v43, v18  }
0xc2: {  	v18 =	vld [tilespmem:s19+$0x1150];
	v13 =	vadd.f32 v44, v13;
	[tilespmem:s19+$0xD60] =	vst v15  }
0xc3: {  	v20 =	vld [tilespmem:s19+$0x1160];
	[tilespmem:s19+$0xD70] =	vst v16;
	v14 =	vadd.f32 v45, v14  }
0xc4: {  	v16 =	vld [tilespmem:s19+$0x1170];
	[tilespmem:s19+$0x1100] =	vst v13;
	v12 =	vadd.f32 v46, v12  }
0xc5: {  	v15 =	vld [tilespmem:s19+$0x1500];
	v13 =	vadd.f32 v47, v17;
	[tilespmem:s19+$0x1110] =	vst v14  }
0xc6: {  	v14 =	vld [tilespmem:s19+$0x1510];
	[tilespmem:s19+$0x1120] =	vst v12;
	v12 =	vadd.f32 v48, v19  }
0xc7: {  	[tilespmem:s19+$0x1130] =	vst v13;
	v13 =	vld [tilespmem:s19+$0x1520];
	v18 =	vadd.f32 v49, v18  }
0xc8: {  	s20 =	simm.s32 $0x1;
	s21 =	simm.s32 $0x0;
	v17 =	vadd.f32 v50, v20;
	[tilespmem:s19+$0x1140] =	vst v12;
	v12 =	vld [tilespmem:s19+$0x1530]  }
.LBB2_2:
0xc9: {  	s22 =	sshrl.u32 s20, $0x3;
	p0 =	sne.s32 s20, $0x3F;
	[tilespmem:s19+$0x1150] =	vst v18;
	v11 =	vadd.f32 v11, v16;
	v16 =	vld [tilespmem:s19+$0x1540]  }
0xca: {  	s21 =	sadd.s32 $0x80, s21;
	s22 =	smul.u32 $0x1800, s22;
	[tilespmem:s19+$0x1160] =	vst v17;
	v10 =	vadd.f32 v10, v15;
	v15 =	vld [tilespmem:s19+$0x1550]  }
0xcb: {  	s4 =	sand.u32 $0x380, s21;
	[tilespmem:s19+$0x1170] =	vst v11;
	v9 =	vadd.f32 v9, v14;
	v11 =	vld [tilespmem:s19+$0x1560]  }
0xcc: {  	s4 =	sor.u32 s4, s22;
	[tilespmem:s19+$0x1500] =	vst v10;
	v8 =	vadd.f32 v8, v13;
	v10 =	vld [tilespmem:s19+$0x1570]  }
0xcd: {  	v39 =	vld [tilespmem:s4+$0xC100];
	[tilespmem:s19+$0x1510] =	vst v9;
	v7 =	vadd.f32 v7, v12  }
0xce: {  	v40 =	vld [tilespmem:s4+$0xC110];
	[tilespmem:s19+$0x1520] =	vst v8;
	v6 =	vadd.f32 v6, v16  }
0xcf: {  	v41 =	vld [tilespmem:s4+$0xC120];
	[tilespmem:s19+$0x1530] =	vst v7;
	v5 =	vadd.f32 v5, v15  }
0xd0: {  	v42 =	vld [tilespmem:s4+$0xC130];
	[tilespmem:s19+$0x1540] =	vst v6;
	v4 =	vadd.f32 v4, v11  }
0xd1: {  	v43 =	vld [tilespmem:s4+$0xC140];
	[tilespmem:s19+$0x1550] =	vst v5;
	v3 =	vadd.f32 v3, v10  }
0xd2: {  	v44 =	vld [tilespmem:s4+$0xC150];
	[tilespmem:s19+$0x1560] =	vst v4  }
0xd3: {  	v45 =	vld [tilespmem:s4+$0xC160];
	[tilespmem:s19+$0x1570] =	vst v3;
	s19 =	smov.u32 s4  }
0xd4: {  	v46 =	vld [tilespmem:s19+$0xC170]  }
0xd5: {  	v47 =	vld [tilespmem:s19+$0xC500]  }
0xd6: {  	v48 =	vld [tilespmem:s19+$0xC510]  }
0xd7: {  	v49 =	vld [tilespmem:s19+$0xC520]  }
0xd8: {  	v50 =	vld [tilespmem:s19+$0xC530]  }
0xd9: {  	v38 =	vld [tilespmem:s19+$0xC540]  }
0xda: {  	v37 =	vld [tilespmem:s19+$0xC550]  }
0xdb: {  	v36 =	vld [tilespmem:s19+$0xC560]  }
0xdc: {  	v35 =	vld [tilespmem:s19+$0xC570]  }
0xdd: {  	v34 =	vld [tilespmem:s19+$0xC900]  }
0xde: {  	v33 =	vld [tilespmem:s19+$0xC910]  }
0xdf: {  	v32 =	vld [tilespmem:s19+$0xC920]  }
0xe0: {  	v31 =	vld [tilespmem:s19+$0xC930]  }
0xe1: {  	v30 =	vld [tilespmem:s19+$0xC940]  }
0xe2: {  	v29 =	vld [tilespmem:s19+$0xC950]  }
0xe3: {  	v28 =	vld [tilespmem:s19+$0xC960]  }
0xe4: {  	v27 =	vld [tilespmem:s19+$0xC970]  }
0xe5: {  	v26 =	vld [tilespmem:s19+$0xCD00]  }
0xe6: {  	v25 =	vld [tilespmem:s19+$0xCD10]  }
0xe7: {  	v24 =	vld [tilespmem:s19+$0xCD20]  }
0xe8: {  	v23 =	vld [tilespmem:s19+$0xCD30]  }
0xe9: {  	v22 =	vld [tilespmem:s19+$0xCD40]  }
0xea: {  	v21 =	vld [tilespmem:s19+$0xCD50]  }
0xeb: {  	v20 =	vld [tilespmem:s19+$0xCD60]  }
0xec: {  	v19 =	vld [tilespmem:s19+$0xCD70]  }
0xed: {  	v18 =	vld [tilespmem:s19+$0xD100]  }
0xee: {  	v17 =	vld [tilespmem:s19+$0xD110]  }
0xef: {  	v16 =	vld [tilespmem:s19+$0xD120]  }
0xf0: {  	v15 =	vld [tilespmem:s19+$0xD130]  }
0xf1: {  	v14 =	vld [tilespmem:s19+$0xD140]  }
0xf2: {  	v13 =	vld [tilespmem:s19+$0xD150]  }
0xf3: {  	v12 =	vld [tilespmem:s19+$0xD160]  }
0xf4: {  	v11 =	vld [tilespmem:s19+$0xD170]  }
0xf5: {  	v10 =	vld [tilespmem:s19+$0xD500]  }
0xf6: {  	v9 =	vld [tilespmem:s19+$0xD510]  }
0xf7: {  	v8 =	vld [tilespmem:s19+$0xD520]  }
0xf8: {  	v7 =	vld [tilespmem:s19+$0xD530]  }
0xf9: {  	v6 =	vld [tilespmem:s19+$0xD540]  }
0xfa: {  	v5 =	vld [tilespmem:s19+$0xD550]  }
0xfb: {  	v4 =	vld [tilespmem:s19+$0xD560]  }
0xfc: {  	v3 =	vld [tilespmem:s19+$0xD570]  }
0xfd: {  	v51 =	vld [tilespmem:s19+$0x100]  }
0xfe: {  	v52 =	vld [tilespmem:s19+$0x110]  }
0xff: {  	v53 =	vld [tilespmem:s19+$0x120]  }
0x100: {  	v54 =	vld [tilespmem:s19+$0x130]  }
0x101: {  	v55 =	vld [tilespmem:s19+$0x140]  }
0x102: {  	v39 =	vadd.f32 v39, v51;
	v51 =	vld [tilespmem:s19+$0x150]  }
0x103: {  	v40 =	vadd.f32 v40, v52;
	v52 =	vld [tilespmem:s19+$0x160]  }
0x104: {  	[tilespmem:s19+$0x100] =	vst v39;
	v39 =	vadd.f32 v41, v53;
	v41 =	vld [tilespmem:s19+$0x170]  }
0x105: {  	[tilespmem:s19+$0x110] =	vst v40;
	v40 =	vadd.f32 v42, v54;
	v42 =	vld [tilespmem:s19+$0x500]  }
0x106: {  	[tilespmem:s19+$0x120] =	vst v39;
	v39 =	vadd.f32 v43, v55;
	v43 =	vld [tilespmem:s19+$0x510]  }
0x107: {  	[tilespmem:s19+$0x130] =	vst v40;
	v40 =	vadd.f32 v44, v51;
	v44 =	vld [tilespmem:s19+$0x520]  }
0x108: {  	[tilespmem:s19+$0x140] =	vst v39;
	v39 =	vadd.f32 v45, v52;
	v45 =	vld [tilespmem:s19+$0x530]  }
0x109: {  	[tilespmem:s19+$0x150] =	vst v40;
	v40 =	vadd.f32 v46, v41;
	v41 =	vld [tilespmem:s19+$0x540]  }
0x10a: {  	[tilespmem:s19+$0x160] =	vst v39;
	v39 =	vadd.f32 v47, v42;
	v42 =	vld [tilespmem:s19+$0x550]  }
0x10b: {  	[tilespmem:s19+$0x170] =	vst v40;
	v40 =	vadd.f32 v48, v43;
	v43 =	vld [tilespmem:s19+$0x560]  }
0x10c: {  	[tilespmem:s19+$0x500] =	vst v39;
	v39 =	vadd.f32 v49, v44;
	v44 =	vld [tilespmem:s19+$0x570]  }
0x10d: {  	[tilespmem:s19+$0x510] =	vst v40;
	v40 =	vadd.f32 v50, v45;
	v45 =	vld [tilespmem:s19+$0x900]  }
0x10e: {  	[tilespmem:s19+$0x520] =	vst v39;
	v38 =	vadd.f32 v38, v41;
	v39 =	vld [tilespmem:s19+$0x910]  }
0x10f: {  	[tilespmem:s19+$0x530] =	vst v40;
	v37 =	vadd.f32 v37, v42;
	v40 =	vld [tilespmem:s19+$0x920]  }
0x110: {  	[tilespmem:s19+$0x540] =	vst v38;
	v36 =	vadd.f32 v36, v43;
	v38 =	vld [tilespmem:s19+$0x930]  }
0x111: {  	[tilespmem:s19+$0x550] =	vst v37;
	v35 =	vadd.f32 v35, v44;
	v37 =	vld [tilespmem:s19+$0x940]  }
0x112: {  	[tilespmem:s19+$0x560] =	vst v36;
	v34 =	vadd.f32 v34, v45;
	v36 =	vld [tilespmem:s19+$0x950]  }
0x113: {  	[tilespmem:s19+$0x570] =	vst v35;
	v33 =	vadd.f32 v33, v39;
	v35 =	vld [tilespmem:s19+$0x960]  }
0x114: {  	[tilespmem:s19+$0x900] =	vst v34;
	v32 =	vadd.f32 v32, v40;
	v34 =	vld [tilespmem:s19+$0x970]  }
0x115: {  	[tilespmem:s19+$0x910] =	vst v33;
	v31 =	vadd.f32 v31, v38;
	v33 =	vld [tilespmem:s19+$0xD00]  }
0x116: {  	[tilespmem:s19+$0x920] =	vst v32;
	v30 =	vadd.f32 v30, v37;
	v32 =	vld [tilespmem:s19+$0xD10]  }
0x117: {  	[tilespmem:s19+$0x930] =	vst v31;
	v29 =	vadd.f32 v29, v36;
	v31 =	vld [tilespmem:s19+$0xD20]  }
0x118: {  	[tilespmem:s19+$0x940] =	vst v30;
	v28 =	vadd.f32 v28, v35;
	v30 =	vld [tilespmem:s19+$0xD30]  }
0x119: {  	[tilespmem:s19+$0x950] =	vst v29;
	v27 =	vadd.f32 v27, v34;
	v29 =	vld [tilespmem:s19+$0xD40]  }
0x11a: {  	[tilespmem:s19+$0x960] =	vst v28;
	v26 =	vadd.f32 v26, v33;
	v28 =	vld [tilespmem:s19+$0xD50]  }
0x11b: {  	[tilespmem:s19+$0x970] =	vst v27;
	v25 =	vadd.f32 v25, v32;
	v27 =	vld [tilespmem:s19+$0xD60]  }
0x11c: {  	[tilespmem:s19+$0xD00] =	vst v26;
	v24 =	vadd.f32 v24, v31;
	v26 =	vld [tilespmem:s19+$0xD70]  }
0x11d: {  	[tilespmem:s19+$0xD10] =	vst v25;
	v23 =	vadd.f32 v23, v30;
	v25 =	vld [tilespmem:s19+$0x1100]  }
0x11e: {  	[tilespmem:s19+$0xD20] =	vst v24;
	v22 =	vadd.f32 v22, v29;
	v24 =	vld [tilespmem:s19+$0x1110]  }
0x11f: {  	[tilespmem:s19+$0xD30] =	vst v23;
	v21 =	vadd.f32 v21, v28;
	v23 =	vld [tilespmem:s19+$0x1120]  }
0x120: {  	[tilespmem:s19+$0xD40] =	vst v22;
	v20 =	vadd.f32 v20, v27;
	v22 =	vld [tilespmem:s19+$0x1130]  }
0x121: {  	[tilespmem:s19+$0xD50] =	vst v21;
	v19 =	vadd.f32 v19, v26;
	v21 =	vld [tilespmem:s19+$0x1140]  }
0x122: {  	[tilespmem:s19+$0xD60] =	vst v20;
	v18 =	vadd.f32 v18, v25;
	v20 =	vld [tilespmem:s19+$0x1150]  }
0x123: {  	[tilespmem:s19+$0xD70] =	vst v19;
	v17 =	vadd.f32 v17, v24;
	v19 =	vld [tilespmem:s19+$0x1160]  }
.Ltmp0:
0x124: {  	[tilespmem:s19+$0x1100] =	vst v18;
	v18 =	vadd.f32 v16, v23;
	v16 =	vld [tilespmem:s19+$0x1170];
	(pc) =	sbr.rel @p0 .LBB2_2-.Ltmp0, $4  }
0x125: {  	[tilespmem:s19+$0x1110] =	vst v17;
	v17 =	vadd.f32 v15, v22;
	v15 =	vld [tilespmem:s19+$0x1500]  }
0x126: {  	[tilespmem:s19+$0x1120] =	vst v18;
	v21 =	vadd.f32 v14, v21;
	v14 =	vld [tilespmem:s19+$0x1510]  }
0x127: {  	[tilespmem:s19+$0x1130] =	vst v17;
	v18 =	vadd.f32 v13, v20;
	v13 =	vld [tilespmem:s19+$0x1520]  }
0x128: {  	s20 =	sadd.s32 $0x1, s20;
	[tilespmem:s19+$0x1140] =	vst v21;
	v17 =	vadd.f32 v12, v19;
	v12 =	vld [tilespmem:s19+$0x1530]  }
0x129: {  	[tilespmem:s19+$0x1150] =	vst v18;
	v18 =	vld [tilespmem:s19+$0x1540];
	v11 =	vadd.f32 v11, v16  }
0x12a: {  	v16 =	vld [tilespmem:s19+$0x1550];
	[tilespmem:s19+$0x1160] =	vst v17;
	v10 =	vadd.f32 v10, v15  }
0x12b: {  	[tilespmem:s19+$0x1170] =	vst v11;
	v9 =	vadd.f32 v9, v14;
	v11 =	vld [tilespmem:s19+$0x1560]  }
0x12c: {  	[tilespmem:s19+$0x1500] =	vst v10;
	v8 =	vadd.f32 v8, v13;
	v10 =	vld [tilespmem:s19+$0x1570]  }
0x12d: {  	[tilespmem:s19+$0x1510] =	vst v9;
	v7 =	vadd.f32 v7, v12  }
0x12e: {  	[tilespmem:s19+$0x1520] =	vst v8;
	v6 =	vadd.f32 v6, v18  }
0x12f: {  	v5 =	vadd.f32 v5, v16;
	[tilespmem:s19+$0x1530] =	vst v7  }
0x130: {  	[tilespmem:s19+$0x1540] =	vst v6;
	v4 =	vadd.f32 v4, v11  }
0x131: {  	[tilespmem:s19+$0x1550] =	vst v5;
	v3 =	vadd.f32 v3, v10  }
0x132: {  	[tilespmem:s19+$0x1560] =	vst v4  }
0x133: {  	[tilespmem:s19+$0x1570] =	vst v3  }
0x134: {  	v3 =	vld [tilespmem:$0x80];
	_ =	sdelay $0x4  }
0x135: {  	v4 =	vshrl.u32 v3, $0x3  }
0x136: {  	v4 =	vmul.u32 $0x30, v4  }
0x137: {  	v3 =	vand.u32 $0x7, v3  }
0x138: {  	v3 =	vor.u32 v3, v4  }
0x139: {  	v4 =	vperm.xlane v3, v0;
	_ =	sdelay $0x1  }
0x13a: {  	v4 =	vadd.s32 v1, v4;
	_ =	sdelay $0x3  }
0x13b: {  	s4 =	simm.s32 $0xC100;
	s19 =	simm.s32 $0x0;
	v3 =	vperm.xlane v3, v2  }
0x13c: {  	[tilespmem:s4], [sflag:$0x2] =	stream.indirect_vreg.gather [hbm4b:s3+s19], $0x80, v4, vm0, $0xb8;
	[tilespmem:$0x18100] =	vst v63  }
0x13d: {  	s20 =	simm.s32 $0xC900;
	v3 =	vadd.s32 v1, v3  }
0x13e: {  	[tilespmem:s20], [sflag:$0x2] =	stream.indirect_vreg.gather [hbm4b:s7+s19], $0x80, v4, vm0, $0xb8;
	[tilespmem:$0x18100] =	vst v63  }
0x13f: {  	s21 =	simm.s32 $0xD100  }
0x140: {  	[tilespmem:s21], [sflag:$0x2] =	stream.indirect_vreg.gather [hbm4b:s8+s19], $0x80, v4, vm0, $0xb8;
	[tilespmem:$0x18100] =	vst v63  }
0x141: {  	s22 =	simm.s32 $0xD900  }
0x142: {  	[tilespmem:s22], [sflag:$0x2] =	stream.indirect_vreg.gather [hbm4b:s3+s19], $0x80, v3, vm0, $0xb8;
	[tilespmem:$0x18100] =	vst v63  }
0x143: {  	s20 =	simm.s32 $0xE100  }
0x144: {  	[tilespmem:s20], [sflag:$0x2] =	stream.indirect_vreg.gather [hbm4b:s7+s19], $0x80, v3, vm0, $0xb8;
	[tilespmem:$0x18100] =	vst v63  }
0x145: {  	s21 =	simm.s32 $0xE900  }
0x146: {  	[tilespmem:s21], [sflag:$0x2] =	stream.indirect_vreg.gather [hbm4b:s8+s19], $0x80, v3, vm0, $0xb8;
	[tilespmem:$0x18100] =	vst v63  }
0x147: {  	v3 =	vld [tilespmem:$0x90];
	_ =	sdelay $0x4  }
0x148: {  	v4 =	vshrl.u32 v3, $0x3  }
0x149: {  	v4 =	vmul.u32 $0x30, v4  }
0x14a: {  	v3 =	vand.u32 $0x7, v3  }
0x14b: {  	v3 =	vor.u32 v3, v4  }
0x14c: {  	v4 =	vperm.xlane v3, v0;
	_ =	sdelay $0x1  }
0x14d: {  	v4 =	vadd.s32 v1, v4;
	_ =	sdelay $0x3  }
0x14e: {  	s22 =	simm.s32 $0xF100;
	v3 =	vperm.xlane v3, v2  }
0x14f: {  	[tilespmem:s22], [sflag:$0x2] =	stream.indirect_vreg.gather [hbm4b:s3+s19], $0x80, v4, vm0, $0xb8;
	[tilespmem:$0x18100] =	vst v63  }
0x150: {  	s20 =	simm.s32 $0xF900;
	v3 =	vadd.s32 v1, v3  }
0x151: {  	[tilespmem:s20], [sflag:$0x2] =	stream.indirect_vreg.gather [hbm4b:s7+s19], $0x80, v4, vm0, $0xb8;
	[tilespmem:$0x18100] =	vst v63  }
0x152: {  	s21 =	simm.s32 $0x10100  }
0x153: {  	[tilespmem:s21], [sflag:$0x2] =	stream.indirect_vreg.gather [hbm4b:s8+s19], $0x80, v4, vm0, $0xb8;
	[tilespmem:$0x18100] =	vst v63  }
0x154: {  	_ = 	snop  }
0x155: {  	[tilespmem:s23], [sflag:$0x2] =	stream.indirect_vreg.gather [hbm4b:s3+s19], $0x80, v3, vm0, $0xb8;
	[tilespmem:$0x18100] =	vst v63  }
0x156: {  	_ = 	snop  }
0x157: {  	[tilespmem:s24], [sflag:$0x2] =	stream.indirect_vreg.gather [hbm4b:s7+s19], $0x80, v3, vm0, $0xb8;
	[tilespmem:$0x18100] =	vst v63  }
0x158: {  	_ = 	snop  }
0x159: {  	[tilespmem:s25], [sflag:$0x2] =	stream.indirect_vreg.gather [hbm4b:s8+s19], $0x80, v3, vm0, $0xb8;
	[tilespmem:$0x18100] =	vst v63  }
0x15a: {  	v3 =	vld [tilespmem:$0xA0];
	_ =	sdelay $0x4  }
0x15b: {  	v4 =	vshrl.u32 v3, $0x3  }
0x15c: {  	v4 =	vmul.u32 $0x30, v4  }
0x15d: {  	v3 =	vand.u32 $0x7, v3  }
0x15e: {  	v3 =	vor.u32 v3, v4  }
0x15f: {  	v4 =	vperm.xlane v3, v0;
	_ =	sdelay $0x1  }
0x160: {  	v4 =	vadd.s32 v1, v4;
	_ =	sdelay $0x3  }
0x161: {  	v3 =	vperm.xlane v3, v2  }
0x162: {  	[tilespmem:s26], [sflag:$0x2] =	stream.indirect_vreg.gather [hbm4b:s3+s19], $0x80, v4, vm0, $0xb8;
	[tilespmem:$0x18100] =	vst v63  }
0x163: {  	v3 =	vadd.s32 v1, v3  }
0x164: {  	[tilespmem:s28], [sflag:$0x2] =	stream.indirect_vreg.gather [hbm4b:s7+s19], $0x80, v4, vm0, $0xb8;
	[tilespmem:$0x18100] =	vst v63  }
0x165: {  	_ = 	snop  }
0x166: {  	[tilespmem:s29], [sflag:$0x2] =	stream.indirect_vreg.gather [hbm4b:s8+s19], $0x80, v4, vm0, $0xb8;
	[tilespmem:$0x18100] =	vst v63  }
0x167: {  	_ = 	snop  }
0x168: {  	[tilespmem:s30], [sflag:$0x2] =	stream.indirect_vreg.gather [hbm4b:s3+s19], $0x80, v3, vm0, $0xb8;
	[tilespmem:$0x18100] =	vst v63  }
0x169: {  	_ = 	snop  }
0x16a: {  	[tilespmem:s31], [sflag:$0x2] =	stream.indirect_vreg.gather [hbm4b:s7+s19], $0x80, v3, vm0, $0xb8;
	[tilespmem:$0x18100] =	vst v63  }
0x16b: {  	_ = 	snop  }
0x16c: {  	[tilespmem:s1], [sflag:$0x2] =	stream.indirect_vreg.gather [hbm4b:s8+s19], $0x80, v3, vm0, $0xb8;
	[tilespmem:$0x18100] =	vst v63  }
0x16d: {  	v3 =	vld [tilespmem:$0xB0];
	_ =	sdelay $0x4  }
0x16e: {  	v4 =	vshrl.u32 v3, $0x3  }
0x16f: {  	v4 =	vmul.u32 $0x30, v4  }
0x170: {  	v3 =	vand.u32 $0x7, v3  }
0x171: {  	v3 =	vor.u32 v3, v4  }
0x172: {  	v4 =	vperm.xlane v3, v0;
	_ =	sdelay $0x1  }
0x173: {  	v4 =	vadd.s32 v1, v4;
	_ =	sdelay $0x3  }
0x174: {  	v3 =	vperm.xlane v3, v2  }
0x175: {  	[tilespmem:s0], [sflag:$0x2] =	stream.indirect_vreg.gather [hbm4b:s3+s19], $0x80, v4, vm0, $0xb8;
	[tilespmem:$0x18100] =	vst v63  }
0x176: {  	v3 =	vadd.s32 v1, v3  }
0x177: {  	[tilespmem:s12], [sflag:$0x2] =	stream.indirect_vreg.gather [hbm4b:s7+s19], $0x80, v4, vm0, $0xb8;
	[tilespmem:$0x18100] =	vst v63  }
0x178: {  	_ = 	snop  }
0x179: {  	[tilespmem:s13], [sflag:$0x2] =	stream.indirect_vreg.gather [hbm4b:s8+s19], $0x80, v4, vm0, $0xb8;
	[tilespmem:$0x18100] =	vst v63  }
0x17a: {  	_ = 	snop  }
0x17b: {  	[tilespmem:s14], [sflag:$0x2] =	stream.indirect_vreg.gather [hbm4b:s3+s19], $0x80, v3, vm0, $0xb8;
	[tilespmem:$0x18100] =	vst v63  }
0x17c: {  	_ = 	snop  }
0x17d: {  	[tilespmem:s15], [sflag:$0x2] =	stream.indirect_vreg.gather [hbm4b:s7+s19], $0x80, v3, vm0, $0xb8;
	[tilespmem:$0x18100] =	vst v63  }
0x17e: {  	s22 =	simm.s32 $0x0  }
0x17f: {  	[tilespmem:s16], [sflag:$0x2] =	stream.indirect_vreg.gather [hbm4b:s8+s19], $0x80, v3, vm0, $0xb8;
	[tilespmem:$0x18100] =	vst v63  }
0x180: {  	s4 =	smul.u32 $0x1800, s22;
	_ =	swait.ge [sflag:s17], $0xC000  }
0x181: {  	s20 =	sand.u32 $0x380, s19;
	[sflag:s17] =	ssyncset.done $0x0  }
0x182: {  	s20 =	sor.u32 s20, s4;
	[sflag:s17] =	ssyncadd.s32 $0xFFFF4000  }
0x183: {  	v12 =	vld [tilespmem:s20+$0xC100]  }
0x184: {  	v13 =	vld [tilespmem:s20+$0xC110]  }
0x185: {  	v14 =	vld [tilespmem:s20+$0xC120]  }
0x186: {  	v15 =	vld [tilespmem:s20+$0xC130]  }
0x187: {  	v16 =	vld [tilespmem:s20+$0xC140]  }
0x188: {  	v17 =	vld [tilespmem:s20+$0xC150]  }
0x189: {  	v18 =	vld [tilespmem:s20+$0xC160]  }
0x18a: {  	v19 =	vld [tilespmem:s20+$0xC170]  }
0x18b: {  	v20 =	vld [tilespmem:s20+$0xC500]  }
0x18c: {  	v21 =	vld [tilespmem:s20+$0xC510]  }
0x18d: {  	v22 =	vld [tilespmem:s20+$0xC520]  }
0x18e: {  	v23 =	vld [tilespmem:s20+$0xC530]  }
0x18f: {  	v24 =	vld [tilespmem:s20+$0xC540]  }
0x190: {  	v25 =	vld [tilespmem:s20+$0xC550]  }
0x191: {  	v26 =	vld [tilespmem:s20+$0xC560]  }
0x192: {  	v27 =	vld [tilespmem:s20+$0xC570]  }
0x193: {  	v28 =	vld [tilespmem:s20+$0xC900]  }
0x194: {  	v29 =	vld [tilespmem:s20+$0xC910]  }
0x195: {  	v30 =	vld [tilespmem:s20+$0xC920]  }
0x196: {  	v31 =	vld [tilespmem:s20+$0xC930]  }
0x197: {  	v32 =	vld [tilespmem:s20+$0xC940]  }
0x198: {  	v33 =	vld [tilespmem:s20+$0xC950]  }
0x199: {  	v34 =	vld [tilespmem:s20+$0xC960]  }
0x19a: {  	v35 =	vld [tilespmem:s20+$0xC970]  }
0x19b: {  	v36 =	vld [tilespmem:s20+$0xCD00]  }
0x19c: {  	v37 =	vld [tilespmem:s20+$0xCD10]  }
0x19d: {  	v38 =	vld [tilespmem:s20+$0xCD20]  }
0x19e: {  	v39 =	vld [tilespmem:s20+$0xCD30]  }
0x19f: {  	v40 =	vld [tilespmem:s20+$0xCD40]  }
0x1a0: {  	v41 =	vld [tilespmem:s20+$0xCD50]  }
0x1a1: {  	v42 =	vld [tilespmem:s20+$0xCD60]  }
0x1a2: {  	v43 =	vld [tilespmem:s20+$0xCD70]  }
0x1a3: {  	v44 =	vld [tilespmem:s20+$0xD100]  }
0x1a4: {  	v45 =	vld [tilespmem:s20+$0xD110]  }
0x1a5: {  	v46 =	vld [tilespmem:s20+$0xD120]  }
0x1a6: {  	v47 =	vld [tilespmem:s20+$0xD130]  }
0x1a7: {  	v48 =	vld [tilespmem:s20+$0xD140]  }
0x1a8: {  	v49 =	vld [tilespmem:s20+$0xD150]  }
0x1a9: {  	v50 =	vld [tilespmem:s20+$0xD160]  }
0x1aa: {  	v11 =	vld [tilespmem:s20+$0xD170]  }
0x1ab: {  	v10 =	vld [tilespmem:s20+$0xD500]  }
0x1ac: {  	v9 =	vld [tilespmem:s20+$0xD510]  }
0x1ad: {  	v8 =	vld [tilespmem:s20+$0xD520]  }
0x1ae: {  	v7 =	vld [tilespmem:s20+$0xD530]  }
0x1af: {  	v6 =	vld [tilespmem:s20+$0xD540]  }
0x1b0: {  	v51 =	vld [tilespmem:s20+$0x100]  }
0x1b1: {  	v52 =	vld [tilespmem:s20+$0x110]  }
0x1b2: {  	v53 =	vld [tilespmem:s20+$0x120]  }
0x1b3: {  	v54 =	vld [tilespmem:s20+$0x130]  }
0x1b4: {  	v55 =	vld [tilespmem:s20+$0x140]  }
0x1b5: {  	v62 =	vld [tilespmem:s20+$0x150];
	v12 =	vadd.f32 v12, v51  }
0x1b6: {  	v63 =	vld [tilespmem:s20+$0x160];
	v13 =	vadd.f32 v13, v52  }
0x1b7: {  	[tilespmem:s20+$0x100] =	vst v12;
	v12 =	vadd.f32 v14, v53;
	v14 =	vld [tilespmem:s20+$0x170]  }
0x1b8: {  	[tilespmem:s20+$0x110] =	vst v13;
	v13 =	vadd.f32 v15, v54;
	v15 =	vld [tilespmem:s20+$0x500]  }
0x1b9: {  	[tilespmem:s20+$0x120] =	vst v12;
	v12 =	vadd.f32 v16, v55;
	v16 =	vld [tilespmem:s20+$0x510]  }
0x1ba: {  	[tilespmem:s20+$0x130] =	vst v13;
	v13 =	vadd.f32 v17, v62;
	v17 =	vld [tilespmem:s20+$0x520]  }
0x1bb: {  	v5 =	vld [tilespmem:s20+$0xD550]  }
0x1bc: {  	[tilespmem:s20+$0x140] =	vst v12;
	v12 =	vadd.f32 v18, v63;
	v18 =	vld [tilespmem:s20+$0x570]  }
0x1bd: {  	[tilespmem:s20+$0x150] =	vst v13;
	v13 =	vadd.f32 v19, v14;
	v14 =	vld [tilespmem:s20+$0x530]  }
0x1be: {  	[tilespmem:s20+$0x160] =	vst v12;
	v12 =	vadd.f32 v20, v15;
	v15 =	vld [tilespmem:s20+$0x540]  }
0x1bf: {  	[tilespmem:s20+$0x170] =	vst v13;
	v13 =	vadd.f32 v21, v16;
	v16 =	vadd.f32 v22, v17;
	v17 =	vld [tilespmem:s20+$0x560]  }
0x1c0: {  	[tilespmem:s20+$0x500] =	vst v12;
	v12 =	vld [tilespmem:s20+$0x550]  }
0x1c1: {  	[tilespmem:s20+$0x510] =	vst v13;
	v13 =	vld [tilespmem:s20+$0x900];
	v18 =	vadd.f32 v27, v18  }
0x1c2: {  	[tilespmem:s20+$0x520] =	vst v16;
	v16 =	vld [tilespmem:s20+$0x910];
	v14 =	vadd.f32 v23, v14  }
0x1c3: {  	v4 =	vld [tilespmem:s20+$0xD560];
	v15 =	vadd.f32 v24, v15;
	[tilespmem:s20+$0x570] =	vst v18  }
0x1c4: {  	[tilespmem:s20+$0x530] =	vst v14;
	v14 =	vld [tilespmem:s20+$0x920];
	v17 =	vadd.f32 v26, v17  }
0x1c5: {  	v12 =	vadd.f32 v25, v12;
	[tilespmem:s20+$0x540] =	vst v15;
	v15 =	vld [tilespmem:s20+$0x930]  }
0x1c6: {  	v18 =	vld [tilespmem:s20+$0x970];
	[tilespmem:s20+$0x560] =	vst v17;
	v13 =	vadd.f32 v28, v13  }
0x1c7: {  	v16 =	vadd.f32 v29, v16;
	[tilespmem:s20+$0x550] =	vst v12;
	v12 =	vld [tilespmem:s20+$0x940]  }
0x1c8: {  	v17 =	vld [tilespmem:s20+$0x950];
	[tilespmem:s20+$0x900] =	vst v13  }
0x1c9: {  	[tilespmem:s20+$0x910] =	vst v16;
	v16 =	vld [tilespmem:s20+$0x960];
	v13 =	vadd.f32 v30, v14  }
0x1ca: {  	v14 =	vld [tilespmem:s20+$0xD00];
	v15 =	vadd.f32 v31, v15  }
0x1cb: {  	[tilespmem:s20+$0x920] =	vst v13;
	v13 =	vld [tilespmem:s20+$0xD10]  }
0x1cc: {  	v12 =	vadd.f32 v32, v12;
	[tilespmem:s20+$0x930] =	vst v15;
	v15 =	vld [tilespmem:s20+$0xD20]  }
0x1cd: {  	v3 =	vld [tilespmem:s20+$0xD570];
	v17 =	vadd.f32 v33, v17  }
0x1ce: {  	v16 =	vadd.f32 v34, v16;
	[tilespmem:s20+$0x940] =	vst v12;
	v12 =	vld [tilespmem:s20+$0xD30]  }
0x1cf: {  	[tilespmem:s20+$0x950] =	vst v17;
	v17 =	vld [tilespmem:s20+$0xD40];
	v14 =	vadd.f32 v36, v14  }
0x1d0: {  	v18 =	vadd.f32 v35, v18;
	[tilespmem:s20+$0x960] =	vst v16;
	v16 =	vld [tilespmem:s20+$0xD50]  }
0x1d1: {  	v13 =	vadd.f32 v37, v13;
	[tilespmem:s20+$0xD00] =	vst v14;
	v14 =	vadd.f32 v38, v15;
	v15 =	vld [tilespmem:s20+$0xD60]  }
0x1d2: {  	[tilespmem:s20+$0x970] =	vst v18;
	v18 =	vld [tilespmem:s20+$0xD70]  }
0x1d3: {  	[tilespmem:s20+$0xD10] =	vst v13;
	v13 =	vld [tilespmem:s20+$0x1100];
	v12 =	vadd.f32 v39, v12  }
0x1d4: {  	v17 =	vadd.f32 v40, v17;
	[tilespmem:s20+$0xD20] =	vst v14;
	v14 =	vld [tilespmem:s20+$0x1110]  }
0x1d5: {  	v16 =	vadd.f32 v41, v16;
	[tilespmem:s20+$0xD30] =	vst v12;
	v12 =	vld [tilespmem:s20+$0x1120]  }
0x1d6: {  	[tilespmem:s20+$0xD40] =	vst v17;
	v17 =	vld [tilespmem:s20+$0x1130];
	v15 =	vadd.f32 v42, v15  }
0x1d7: {  	v19 =	vld [tilespmem:s20+$0x1140];
	[tilespmem:s20+$0xD50] =	vst v16;
	v16 =	vadd.f32 v43, v18  }
0x1d8: {  	v18 =	vld [tilespmem:s20+$0x1150];
	v13 =	vadd.f32 v44, v13;
	[tilespmem:s20+$0xD60] =	vst v15  }
0x1d9: {  	v20 =	vld [tilespmem:s20+$0x1160];
	[tilespmem:s20+$0xD70] =	vst v16;
	v14 =	vadd.f32 v45, v14  }
0x1da: {  	v16 =	vld [tilespmem:s20+$0x1170];
	[tilespmem:s20+$0x1100] =	vst v13;
	v12 =	vadd.f32 v46, v12  }
0x1db: {  	v15 =	vld [tilespmem:s20+$0x1500];
	v13 =	vadd.f32 v47, v17;
	[tilespmem:s20+$0x1110] =	vst v14  }
0x1dc: {  	v14 =	vld [tilespmem:s20+$0x1510];
	[tilespmem:s20+$0x1120] =	vst v12;
	v12 =	vadd.f32 v48, v19  }
0x1dd: {  	[tilespmem:s20+$0x1130] =	vst v13;
	v13 =	vld [tilespmem:s20+$0x1520];
	v18 =	vadd.f32 v49, v18  }
0x1de: {  	s21 =	simm.s32 $0x1;
	v17 =	vadd.f32 v50, v20;
	[tilespmem:s20+$0x1140] =	vst v12;
	v12 =	vld [tilespmem:s20+$0x1530]  }
.LBB2_4:
0x1df: {  	s4 =	sshrl.u32 s21, $0x3;
	p0 =	sne.s32 s21, $0x3F;
	[tilespmem:s20+$0x1150] =	vst v18;
	v11 =	vadd.f32 v11, v16;
	v16 =	vld [tilespmem:s20+$0x1540]  }
0x1e0: {  	s19 =	sadd.s32 $0x80, s19;
	s4 =	smul.u32 $0x1800, s4;
	[tilespmem:s20+$0x1160] =	vst v17;
	v10 =	vadd.f32 v10, v15;
	v15 =	vld [tilespmem:s20+$0x1550]  }
0x1e1: {  	s22 =	sand.u32 $0x380, s19;
	[tilespmem:s20+$0x1170] =	vst v11;
	v9 =	vadd.f32 v9, v14;
	v11 =	vld [tilespmem:s20+$0x1560]  }
0x1e2: {  	s4 =	sor.u32 s22, s4;
	[tilespmem:s20+$0x1500] =	vst v10;
	v8 =	vadd.f32 v8, v13;
	v10 =	vld [tilespmem:s20+$0x1570]  }
0x1e3: {  	v39 =	vld [tilespmem:s4+$0xC100];
	[tilespmem:s20+$0x1510] =	vst v9;
	v7 =	vadd.f32 v7, v12  }
0x1e4: {  	v40 =	vld [tilespmem:s4+$0xC110];
	[tilespmem:s20+$0x1520] =	vst v8;
	v6 =	vadd.f32 v6, v16  }
0x1e5: {  	v41 =	vld [tilespmem:s4+$0xC120];
	[tilespmem:s20+$0x1530] =	vst v7;
	v5 =	vadd.f32 v5, v15  }
0x1e6: {  	v42 =	vld [tilespmem:s4+$0xC130];
	[tilespmem:s20+$0x1540] =	vst v6;
	v4 =	vadd.f32 v4, v11  }
0x1e7: {  	v43 =	vld [tilespmem:s4+$0xC140];
	[tilespmem:s20+$0x1550] =	vst v5;
	v3 =	vadd.f32 v3, v10  }
0x1e8: {  	v44 =	vld [tilespmem:s4+$0xC150];
	[tilespmem:s20+$0x1560] =	vst v4  }
0x1e9: {  	v45 =	vld [tilespmem:s4+$0xC160];
	[tilespmem:s20+$0x1570] =	vst v3;
	s20 =	smov.u32 s4  }
0x1ea: {  	v46 =	vld [tilespmem:s20+$0xC170]  }
0x1eb: {  	v47 =	vld [tilespmem:s20+$0xC500]  }
0x1ec: {  	v48 =	vld [tilespmem:s20+$0xC510]  }
0x1ed: {  	v49 =	vld [tilespmem:s20+$0xC520]  }
0x1ee: {  	v50 =	vld [tilespmem:s20+$0xC530]  }
0x1ef: {  	v38 =	vld [tilespmem:s20+$0xC540]  }
0x1f0: {  	v37 =	vld [tilespmem:s20+$0xC550]  }
0x1f1: {  	v36 =	vld [tilespmem:s20+$0xC560]  }
0x1f2: {  	v35 =	vld [tilespmem:s20+$0xC570]  }
0x1f3: {  	v34 =	vld [tilespmem:s20+$0xC900]  }
0x1f4: {  	v33 =	vld [tilespmem:s20+$0xC910]  }
0x1f5: {  	v32 =	vld [tilespmem:s20+$0xC920]  }
0x1f6: {  	v31 =	vld [tilespmem:s20+$0xC930]  }
0x1f7: {  	v30 =	vld [tilespmem:s20+$0xC940]  }
0x1f8: {  	v29 =	vld [tilespmem:s20+$0xC950]  }
0x1f9: {  	v28 =	vld [tilespmem:s20+$0xC960]  }
0x1fa: {  	v27 =	vld [tilespmem:s20+$0xC970]  }
0x1fb: {  	v26 =	vld [tilespmem:s20+$0xCD00]  }
0x1fc: {  	v25 =	vld [tilespmem:s20+$0xCD10]  }
0x1fd: {  	v24 =	vld [tilespmem:s20+$0xCD20]  }
0x1fe: {  	v23 =	vld [tilespmem:s20+$0xCD30]  }
0x1ff: {  	v22 =	vld [tilespmem:s20+$0xCD40]  }
0x200: {  	v21 =	vld [tilespmem:s20+$0xCD50]  }
0x201: {  	v20 =	vld [tilespmem:s20+$0xCD60]  }
0x202: {  	v19 =	vld [tilespmem:s20+$0xCD70]  }
0x203: {  	v18 =	vld [tilespmem:s20+$0xD100]  }
0x204: {  	v17 =	vld [tilespmem:s20+$0xD110]  }
0x205: {  	v16 =	vld [tilespmem:s20+$0xD120]  }
0x206: {  	v15 =	vld [tilespmem:s20+$0xD130]  }
0x207: {  	v14 =	vld [tilespmem:s20+$0xD140]  }
0x208: {  	v13 =	vld [tilespmem:s20+$0xD150]  }
0x209: {  	v12 =	vld [tilespmem:s20+$0xD160]  }
0x20a: {  	v11 =	vld [tilespmem:s20+$0xD170]  }
0x20b: {  	v10 =	vld [tilespmem:s20+$0xD500]  }
0x20c: {  	v9 =	vld [tilespmem:s20+$0xD510]  }
0x20d: {  	v8 =	vld [tilespmem:s20+$0xD520]  }
0x20e: {  	v7 =	vld [tilespmem:s20+$0xD530]  }
0x20f: {  	v6 =	vld [tilespmem:s20+$0xD540]  }
0x210: {  	v5 =	vld [tilespmem:s20+$0xD550]  }
0x211: {  	v4 =	vld [tilespmem:s20+$0xD560]  }
0x212: {  	v3 =	vld [tilespmem:s20+$0xD570]  }
0x213: {  	v51 =	vld [tilespmem:s20+$0x100]  }
0x214: {  	v52 =	vld [tilespmem:s20+$0x110]  }
0x215: {  	v53 =	vld [tilespmem:s20+$0x120]  }
0x216: {  	v54 =	vld [tilespmem:s20+$0x130]  }
0x217: {  	v55 =	vld [tilespmem:s20+$0x140]  }
0x218: {  	v39 =	vadd.f32 v39, v51;
	v51 =	vld [tilespmem:s20+$0x150]  }
0x219: {  	v40 =	vadd.f32 v40, v52;
	v52 =	vld [tilespmem:s20+$0x160]  }
0x21a: {  	[tilespmem:s20+$0x100] =	vst v39;
	v39 =	vadd.f32 v41, v53;
	v41 =	vld [tilespmem:s20+$0x170]  }
0x21b: {  	[tilespmem:s20+$0x110] =	vst v40;
	v40 =	vadd.f32 v42, v54;
	v42 =	vld [tilespmem:s20+$0x500]  }
0x21c: {  	[tilespmem:s20+$0x120] =	vst v39;
	v39 =	vadd.f32 v43, v55;
	v43 =	vld [tilespmem:s20+$0x510]  }
0x21d: {  	[tilespmem:s20+$0x130] =	vst v40;
	v40 =	vadd.f32 v44, v51;
	v44 =	vld [tilespmem:s20+$0x520]  }
0x21e: {  	[tilespmem:s20+$0x140] =	vst v39;
	v39 =	vadd.f32 v45, v52;
	v45 =	vld [tilespmem:s20+$0x530]  }
0x21f: {  	[tilespmem:s20+$0x150] =	vst v40;
	v40 =	vadd.f32 v46, v41;
	v41 =	vld [tilespmem:s20+$0x540]  }
0x220: {  	[tilespmem:s20+$0x160] =	vst v39;
	v39 =	vadd.f32 v47, v42;
	v42 =	vld [tilespmem:s20+$0x550]  }
0x221: {  	[tilespmem:s20+$0x170] =	vst v40;
	v40 =	vadd.f32 v48, v43;
	v43 =	vld [tilespmem:s20+$0x560]  }
0x222: {  	[tilespmem:s20+$0x500] =	vst v39;
	v39 =	vadd.f32 v49, v44;
	v44 =	vld [tilespmem:s20+$0x570]  }
0x223: {  	[tilespmem:s20+$0x510] =	vst v40;
	v40 =	vadd.f32 v50, v45;
	v45 =	vld [tilespmem:s20+$0x900]  }
0x224: {  	[tilespmem:s20+$0x520] =	vst v39;
	v38 =	vadd.f32 v38, v41;
	v39 =	vld [tilespmem:s20+$0x910]  }
0x225: {  	[tilespmem:s20+$0x530] =	vst v40;
	v37 =	vadd.f32 v37, v42;
	v40 =	vld [tilespmem:s20+$0x920]  }
0x226: {  	[tilespmem:s20+$0x540] =	vst v38;
	v36 =	vadd.f32 v36, v43;
	v38 =	vld [tilespmem:s20+$0x930]  }
0x227: {  	[tilespmem:s20+$0x550] =	vst v37;
	v35 =	vadd.f32 v35, v44;
	v37 =	vld [tilespmem:s20+$0x940]  }
0x228: {  	[tilespmem:s20+$0x560] =	vst v36;
	v34 =	vadd.f32 v34, v45;
	v36 =	vld [tilespmem:s20+$0x950]  }
0x229: {  	[tilespmem:s20+$0x570] =	vst v35;
	v33 =	vadd.f32 v33, v39;
	v35 =	vld [tilespmem:s20+$0x960]  }
0x22a: {  	[tilespmem:s20+$0x900] =	vst v34;
	v32 =	vadd.f32 v32, v40;
	v34 =	vld [tilespmem:s20+$0x970]  }
0x22b: {  	[tilespmem:s20+$0x910] =	vst v33;
	v31 =	vadd.f32 v31, v38;
	v33 =	vld [tilespmem:s20+$0xD00]  }
0x22c: {  	[tilespmem:s20+$0x920] =	vst v32;
	v30 =	vadd.f32 v30, v37;
	v32 =	vld [tilespmem:s20+$0xD10]  }
0x22d: {  	[tilespmem:s20+$0x930] =	vst v31;
	v29 =	vadd.f32 v29, v36;
	v31 =	vld [tilespmem:s20+$0xD20]  }
0x22e: {  	[tilespmem:s20+$0x940] =	vst v30;
	v28 =	vadd.f32 v28, v35;
	v30 =	vld [tilespmem:s20+$0xD30]  }
0x22f: {  	[tilespmem:s20+$0x950] =	vst v29;
	v27 =	vadd.f32 v27, v34;
	v29 =	vld [tilespmem:s20+$0xD40]  }
0x230: {  	[tilespmem:s20+$0x960] =	vst v28;
	v26 =	vadd.f32 v26, v33;
	v28 =	vld [tilespmem:s20+$0xD50]  }
0x231: {  	[tilespmem:s20+$0x970] =	vst v27;
	v25 =	vadd.f32 v25, v32;
	v27 =	vld [tilespmem:s20+$0xD60]  }
0x232: {  	[tilespmem:s20+$0xD00] =	vst v26;
	v24 =	vadd.f32 v24, v31;
	v26 =	vld [tilespmem:s20+$0xD70]  }
0x233: {  	[tilespmem:s20+$0xD10] =	vst v25;
	v23 =	vadd.f32 v23, v30;
	v25 =	vld [tilespmem:s20+$0x1100]  }
0x234: {  	[tilespmem:s20+$0xD20] =	vst v24;
	v22 =	vadd.f32 v22, v29;
	v24 =	vld [tilespmem:s20+$0x1110]  }
0x235: {  	[tilespmem:s20+$0xD30] =	vst v23;
	v21 =	vadd.f32 v21, v28;
	v23 =	vld [tilespmem:s20+$0x1120]  }
0x236: {  	[tilespmem:s20+$0xD40] =	vst v22;
	v20 =	vadd.f32 v20, v27;
	v22 =	vld [tilespmem:s20+$0x1130]  }
0x237: {  	[tilespmem:s20+$0xD50] =	vst v21;
	v19 =	vadd.f32 v19, v26;
	v21 =	vld [tilespmem:s20+$0x1140]  }
0x238: {  	[tilespmem:s20+$0xD60] =	vst v20;
	v18 =	vadd.f32 v18, v25;
	v20 =	vld [tilespmem:s20+$0x1150]  }
0x239: {  	[tilespmem:s20+$0xD70] =	vst v19;
	v17 =	vadd.f32 v17, v24;
	v19 =	vld [tilespmem:s20+$0x1160]  }
.Ltmp1:
0x23a: {  	[tilespmem:s20+$0x1100] =	vst v18;
	v18 =	vadd.f32 v16, v23;
	v16 =	vld [tilespmem:s20+$0x1170];
	(pc) =	sbr.rel @p0 .LBB2_4-.Ltmp1, $4  }
0x23b: {  	[tilespmem:s20+$0x1110] =	vst v17;
	v17 =	vadd.f32 v15, v22;
	v15 =	vld [tilespmem:s20+$0x1500]  }
0x23c: {  	[tilespmem:s20+$0x1120] =	vst v18;
	v21 =	vadd.f32 v14, v21;
	v14 =	vld [tilespmem:s20+$0x1510]  }
0x23d: {  	[tilespmem:s20+$0x1130] =	vst v17;
	v18 =	vadd.f32 v13, v20;
	v13 =	vld [tilespmem:s20+$0x1520]  }
0x23e: {  	s21 =	sadd.s32 $0x1, s21;
	[tilespmem:s20+$0x1140] =	vst v21;
	v17 =	vadd.f32 v12, v19;
	v12 =	vld [tilespmem:s20+$0x1530]  }
0x23f: {  	[tilespmem:s20+$0x1150] =	vst v18;
	v60 =	vld [tilespmem:s20+$0x1540];
	v11 =	vadd.f32 v11, v16  }
0x240: {  	v61 =	vld [tilespmem:s20+$0x1550];
	[tilespmem:s20+$0x1160] =	vst v17;
	v10 =	vadd.f32 v10, v15  }
0x241: {  	v62 =	vld [tilespmem:s20+$0x1560];
	[tilespmem:s20+$0x1170] =	vst v11;
	v9 =	vadd.f32 v9, v14  }
0x242: {  	v63 =	vld [tilespmem:s20+$0x1570];
	[tilespmem:s20+$0x1500] =	vst v10;
	v8 =	vadd.f32 v8, v13  }
0x243: {  	[tilespmem:s20+$0x1510] =	vst v9;
	v7 =	vadd.f32 v7, v12  }
0x244: {  	[tilespmem:s20+$0x1520] =	vst v8;
	v6 =	vadd.f32 v6, v60  }
0x245: {  	v5 =	vadd.f32 v5, v61;
	[tilespmem:s20+$0x1530] =	vst v7  }
0x246: {  	v4 =	vadd.f32 v4, v62;
	[tilespmem:s20+$0x1540] =	vst v6  }
0x247: {  	s18 =	sadd.s32 $0x1, s18;
	v3 =	vadd.f32 v3, v63;
	[tilespmem:s20+$0x1550] =	vst v5  }
0x248: {  	p0 =	sne.s32 s18, s10;
	[tilespmem:s20+$0x1560] =	vst v4  }
.Ltmp2:
0x249: {  	s19 =	simm.s32 $0x100;
	[tilespmem:s20+$0x1570] =	vst v3;
	(pc) =	sbr.rel @p0 .LBB2_1-.Ltmp2, $4  }
0x24a: {  	[hbm4b:s9+s2] =	stream.linear.scatter [tilespmem:s19], [sflag:$0x1], $0xC000, $0x38;
	[tilespmem:$0x18100] =	vst v63  }
0x24b: {  	_ =	swait.ge [sflag:s11], $0xC000  }
0x24c: {  	[sflag:s11] =	ssyncset.done $0x0  }
0x24d: {  	[sflag:s11] =	ssyncadd.s32 $0xFFFF4000  }
0x24e: {  	_ =	sfence.sel $0x180000  }
0x24f: {  	[bflag:$0x0] =	sbarrier.arrive $0xFFFF  }
0x250: {  	_ =	strace $0x9000004A  }
0x251: {  	s0 =	stileid.u32;
	[bflag:$0x2] =	sbarrier.arrive $0xFFFF  }
0x252: {  	p0 =	sne.s32 s0, $0x0;
	s0 =	rddreg [dreg:$0x2]  }
0x253: {  	s0 =	sadd.s32 @!p0 $0x100000, s0  }
0x254: {  	[sflag:s0] =	ssyncadd.tile.s32 @!p0 $0x1;
	_ =	shalt  }
.Lfunc_end2:
_tile_overlayer_lowered:
.L_overlay_start_2:
0x255: {  	(tag) =	ssettag $0x2  }
0x256: {  	s0 =	rddreg [dreg:$0x0];
	s2 =	stileid.u32  }
0x257: {  	s1 =	rddreg [dreg:$0x1];
	p0 =	sne.s32 s2, $0x0  }
0x258: {  	s3 =	rddreg [dreg:$0x2];
	[bflag:$0x3] =	sbarrier.arrive $0xFFFF;
	s2 =	simm.s32 @!p0 $0x1C03  }
0x259: {  	[timem:s3], [sflag:s2] =	dma.local @!p0 [hbm:s0], s1  }
0x25a: {  	s0 =	simm.s32 @!p0 $0x3  }
0x25b: {  	_ =	swait.ge @!p0 [sflag:s0], s1  }
0x25c: {  	s1 =	ssub.s32 @!p0 $0x0, s1;
	[sflag:s0] =	ssyncset.done @!p0 $0x0  }
0x25d: {  	[sflag:s0] =	ssyncadd.s32 @!p0 s1  }
0x25e: {  	[bflag:$0x3] =	sbarrier.arrive $0xFFFF  }
0x25f: {  	_ =	shalt  }

// kernel: kernel.7.cloned.1.call-start
scs
__scs_entry_jumppad:
0x0: {  	(pc) =	sbr.rel $0x88, $3  }
0x1: {  	(tag) =	ssettag $0x0;
	lr =	simm.s32 $0x1  }
0x2: {  	[smem:$0x3F96] =	sst lr;
	_ =	strace $0xD0000000  }
0x3: {  	_ = 	snop  }
0x4: {  	_ = 	snop  }
0x5: {  	_ = 	snop  }
0x6: {  	_ = 	snop  }
0x7: {  	_ = 	snop  }
__scs_overlays_trampoline_lowered:
0x8: {  	[smem:$0x3FA5] =	sst s0  }
0x9: {  	[smem:$0x3FA6] =	sst s1  }
0xa: {  	[smem:$0x3FA7] =	sst s2  }
0xb: {  	[smem:$0x3FA8] =	sst s3  }
0xc: {  	[smem:$0x3FA9] =	sst s4  }
0xd: {  	[smem:$0x3FAA] =	sst s5  }
0xe: {  	[smem:$0x3FAB] =	sst s6  }
0xf: {  	[smem:$0x3FAC] =	sst s7  }
0x10: {  	[smem:$0x3FAD] =	sst s8  }
0x11: {  	[smem:$0x3FAE] =	sst s9;
	s0 =	simm.s32 @!p0 $0x0  }
0x12: {  	s1 =	sld [smem:$0x3F94];
	s0 =	simm.s32 @p0 $0x1  }
0x13: {  	[smem:$0x3FAF] =	sst s0;
	s0 =	simm.s32 @!p1 $0x0  }
0x14: {  	s2 =	sld [smem:$0x3F93];
	s0 =	simm.s32 @p1 $0x1  }
0x15: {  	[smem:$0x3FB0] =	sst s0;
	s0 =	simm.s32 @!p2 $0x0  }
0x16: {  	s3 =	sld [smem:$0x3FDB];
	s0 =	simm.s32 @p2 $0x1  }
0x17: {  	s4 =	simm.s32 $0x1BF5;
	[smem:$0x3FB2] =	sst s0  }
0x18: {  	s0 =	sld [smem:$0x3F95];
	_ =	swait.ge [sflag:s4], $0x0  }
0x19: {  	s7 =	sld [smem:$0x3F96]  }
0x1a: {  	s8 =	sadd.s32 $0xFFFFE003, lr  }
0x1b: {  	s9 =	sadd.s32 $0xFFFFFEF7, lr;
	s5 =	simm.s32 $0xFFFFFFFF;
	p2 =	slt.u32 s8, $0xFFFFF086  }
0x1c: {  	p1 =	slt.u32 s9, $0xF7A;
	s5 =	simm.s32 @!p2 $0x0  }
0x1d: {  	s5 =	simm.s32 @p1 $0x1;
	p0 =	seq.s32 s7, s2  }
0x1e: {  	s7 =	smul.u32 @!p0 $0xF7A, s2;
	p2 =	seq.s32 @!p0 s5, $0x0  }
0x1f: {  	s9 =	smul.u32 $0xF7A, s1;
	s8 =	simm.s32 @!p0 $0x1BF5;
	p2 =	por !p2, p0  }
0x20: {  	[sflag:s8] =	ssyncset.s32 @!p0 $0xFFFFF086;
	s6 =	sadd.s32 @!p0 s3, s7;
	s7 =	simm.s32 @!p0 $0x108  }
0x21: {  	s3 =	sadd.s32 s3, s9;
	s6 =	sadd.s32 @!p0 $0x88, s6;
	s7 =	simm.s32 @p2 $0x1082  }
0x22: {  	[simem:s7], [sflag:s8] =	dma.local @!p0 [hbm:s6], $0xF7A  }
0x23: {  	s9 =	sor.u32 $0xD0000000, s2;
	s6 =	simm.s32 $0x108;
	_ =	swait.ge @!p0 [sflag:s8], $0x0  }
0x24: {  	s3 =	sadd.s32 $0x88, s3;
	s6 =	simm.s32 @!p1 $0x1082;
	[sflag:s4] =	ssyncset.s32 $0xFFFFF086  }
0x25: {  	[simem:s6], [sflag:s4] =	dma.local [hbm:s3], $0xF7A  }
0x26: {  	[smem:$0x3F96] =	sst s1;
	(tag) =	ssettag s2;
	_ =	strace s9  }
0x27: {  	s1 =	sld [smem:$0x3FA6]  }
0x28: {  	s2 =	sld [smem:$0x3FA7]  }
0x29: {  	s4 =	sld [smem:$0x3FA9]  }
0x2a: {  	p0 =	seq.s32 s5, $0x0;
	s5 =	sld [smem:$0x3FAA]  }
0x2b: {  	s6 =	sld [smem:$0x3FAB]  }
0x2c: {  	s7 =	sld [smem:$0x3FAC]  }
0x2d: {  	s3 =	simm.s32 $0x108;
	s8 =	sld [smem:$0x3FAD]  }
0x2e: {  	s3 =	simm.s32 @!p0 $0x1082;
	s9 =	sld [smem:$0x3FAE]  }
0x2f: {  	lr =	sadd.s32 s0, s3;
	s0 =	sld [smem:$0x3FA5]  }
0x30: {  	s3 =	sld [smem:$0x3FA8]  }
0x31: {  	[smem:$0x3FB1] =	sst s10  }
0x32: {  	s10 =	sld [smem:$0x3FAF];
	_ =	sdelay $0x3  }
0x33: {  	p0 =	seq.s32 s10, $0x1;
	s10 =	sld [smem:$0x3FB1];
	_ =	sdelay $0x3  }
0x34: {  	[smem:$0x3FB1] =	sst s10  }
0x35: {  	s10 =	sld [smem:$0x3FB0];
	_ =	sdelay $0x3  }
0x36: {  	p1 =	seq.s32 s10, $0x1;
	s10 =	sld [smem:$0x3FB1];
	_ =	sdelay $0x3  }
0x37: {  	[smem:$0x3FB1] =	sst s10  }
0x38: {  	s10 =	sld [smem:$0x3FB2]  }
0x39: {  	_ = 	snop;
	(pc) =	sbr.ind lr, $3  }
0x3a: {  	_ = 	snop  }
0x3b: {  	_ = 	snop  }
0x3c: {  	p2 =	seq.s32 s10, $0x1;
	s10 =	sld [smem:$0x3FB1]  }
0x3d: {  	_ =	shalt  }
0x3e: {  	_ =	shalt  }
0x3f: {  	_ =	shalt  }
0x40: {  	_ =	shalt  }
0x41: {  	_ =	shalt  }
0x42: {  	_ =	shalt  }
0x43: {  	_ =	shalt  }
0x44: {  	_ =	shalt  }
0x45: {  	_ =	shalt  }
0x46: {  	_ =	shalt  }
0x47: {  	_ =	shalt  }
0x48: {  	_ =	shalt  }
0x49: {  	_ =	shalt  }
0x4a: {  	_ =	shalt  }
0x4b: {  	_ =	shalt  }
0x4c: {  	_ =	shalt  }
0x4d: {  	_ =	shalt  }
0x4e: {  	_ =	shalt  }
0x4f: {  	_ =	shalt  }
0x50: {  	_ =	shalt  }
0x51: {  	_ =	shalt  }
0x52: {  	_ =	shalt  }
0x53: {  	_ =	shalt  }
0x54: {  	_ =	shalt  }
0x55: {  	_ =	shalt  }
0x56: {  	_ =	shalt  }
0x57: {  	_ =	shalt  }
0x58: {  	_ =	shalt  }
0x59: {  	_ =	shalt  }
0x5a: {  	_ =	shalt  }
0x5b: {  	_ =	shalt  }
0x5c: {  	_ =	shalt  }
0x5d: {  	_ =	shalt  }
0x5e: {  	_ =	shalt  }
0x5f: {  	_ =	shalt  }
0x60: {  	_ =	shalt  }
0x61: {  	_ =	shalt  }
0x62: {  	_ =	shalt  }
0x63: {  	_ =	shalt  }
0x64: {  	_ =	shalt  }
0x65: {  	_ =	shalt  }
0x66: {  	_ =	shalt  }
0x67: {  	_ =	shalt  }
0x68: {  	_ =	shalt  }
0x69: {  	_ =	shalt  }
0x6a: {  	_ =	shalt  }
0x6b: {  	_ =	shalt  }
0x6c: {  	_ =	shalt  }
0x6d: {  	_ =	shalt  }
0x6e: {  	_ =	shalt  }
0x6f: {  	_ =	shalt  }
0x70: {  	_ =	shalt  }
0x71: {  	_ =	shalt  }
0x72: {  	_ =	shalt  }
0x73: {  	_ =	shalt  }
0x74: {  	_ =	shalt  }
0x75: {  	_ =	shalt  }
0x76: {  	_ =	shalt  }
0x77: {  	_ =	shalt  }
0x78: {  	_ =	shalt  }
0x79: {  	_ =	shalt  }
0x7a: {  	_ =	shalt  }
0x7b: {  	_ =	shalt  }
0x7c: {  	_ =	shalt  }
0x7d: {  	_ =	shalt  }
0x7e: {  	_ =	shalt  }
0x7f: {  	_ =	shalt  }
0x80: {  	_ =	shalt  }
0x81: {  	_ =	shalt  }
0x82: {  	_ =	shalt  }
0x83: {  	_ =	shalt  }
0x84: {  	_ =	shalt  }
0x85: {  	_ =	shalt  }
0x86: {  	_ =	shalt  }
0x87: {  	_ =	shalt  }
.Lfunc_end0:
.L_simem_size_0:
called_computation_lowered:
.L_overlay_start_0:
0x88: {  	s2 =	sld [smem:$0x3FD9]  }
0x89: {  	s3 =	sld [smem:$0x3FFE];
	_ =	sdelay $0x1  }
0x8a: {  	s1 =	srdreg.scid  }
0x8b: {  	s0 =	sand.u32 $0x1, s1  }
0x8c: {  	s16 =	sshll.u32 s0, $0xA;
	s2 =	sadd.s32 s3, s2  }
0x8d: {  	s2 =	sadd.s32 s2, s16  }
0x8e: {  	[smem:$0x3FBD] =	sst s2  }
0x8f: {  	_ = 	snop  }
0x90: {  	(tm) =	ssettm $0x1  }
0x91: {  	s17 =	sld [smem:$0x3FFB];
	_ =	sdelay $0x3  }
0x92: {  	_ =	strace s17  }
0x93: {  	s2 =	sld [smem:$0x3FFC];
	_ =	sdelay $0x3  }
0x94: {  	_ =	strace s2  }
0x95: {  	s2 =	sld [smem:$0x3FFD];
	_ =	sdelay $0x3  }
0x96: {  	_ =	strace s2  }
0x97: {  	_ =	strace $0x8FFFFFFF  }
0x98: {  	s18 =	sld [smem:$0x3FDB];
	_ =	sdelay $0x1  }
0x99: {  	s19 =	simm.s32 $_scs_section_size  }
0x9a: {  	s4 =	simm.s32 $_size__tile_overlayer_lowered;
	s5 =	simm.s32 $_tile_overlayer_lowered  }
0x9b: {  	s22 =	simm.s32 $0x1BFF;
	s21 =	sshll.u32 s5, $0x1;
	s2 =	sadd.s32 s19, s18  }
0x9c: {  	s6 =	simm.s32 $0x0;
	s20 =	sshll.u32 s4, $0x1;
	s4 =	sadd.s32 s21, s2  }
0x9d: {  	[timem:s6], [sflag:s22] =	dma.local [hbm:s4], s20  }
0x9e: {  	_ =	swait.ge [sflag:s22], s20  }
0x9f: {  	s3 =	ssub.s32 $0x0, s20;
	[sflag:s22] =	ssyncset.done $0x0  }
0xa0: {  	[sflag:s22] =	ssyncadd.s32 s3;
	_ =	sdelay $0x1  }
0xa1: {  	s23 =	simm.s32 $0x1B8B  }
0xa2: {  	_ =	swait.ge [sflag:s23], $0x1  }
0xa3: {  	[sflag:s23] =	ssyncset.done $0x0  }
0xa4: {  	s25 =	simm.s32 $0x1B8E;
	s24 =	sld [smem:$0x3FFE];
	[sflag:s23] =	ssyncadd.s32 $0xFFFFFFFF  }
0xa5: {  	s26 =	simm.s32 $execute0_lowered;
	[smem:$0x3FD2] =	sst s25  }
0xa6: {  	s4 =	sshll.u32 s26, $0x1;
	_ =	strace $0x80000046;
	[dreg:$0x1] =	wrdreg $0xFFFFFFFF  }
0xa7: {  	s28 =	simm.s32 $_size_execute0_lowered;
	s2 =	sadd.s32 s2, s4;
	[dreg:$0x0] =	wrdreg $0x0  }
0xa8: {  	s4 =	sshll.u32 s28, $0x1;
	[dreg:$0x2] =	wrdreg s2  }
0xa9: {  	[dreg:$0x3] =	wrdreg s4  }
0xaa: {  	[dreg:$0x4] =	wrdreg $0xC0  }
0xab: {  	_ =	task [dreg:s6], $0x5FFFF  }
0xac: {  	[dreg:$0x1] =	wrdreg $0xFFFFFFFF  }
0xad: {  	[dreg:$0x0] =	wrdreg $0x60  }
0xae: {  	[dreg:$0x2] =	wrdreg s24  }
0xaf: {  	[dreg:$0x3] =	wrdreg $0x9  }
0xb0: {  	_ =	task.clear_ibuf [dreg:s6], $0x4FFFF;
	_ =	strace $0x90000046  }
0xb1: {  	s29 =	simm.s32 $0x9;
	_ =	strace $0x80000048  }
0xb2: {  	_ =	swait.ge [sflag:s29], $0x1  }
0xb3: {  	[sflag:s29] =	ssyncadd.s32 $0xFFFFFFFF  }
0xb4: {  	_ =	strace $0x90000048  }
0xb5: {  	_ =	sfence  }
0xb6: {  	s30 =	sld [smem:$0x0];
	_ =	sdelay $0x2  }
0xb7: {  	s31 =	sshll.u32 s1, $0xD;
	s1 =	sshrl.u32 s1, $0x2  }
0xb8: {  	s3 =	sand.u32 $0x4000, s31;
	s1 =	sadd.s32 s1, s30  }
0xb9: {  	s0 =	sor.u32 s3, s0;
	s1 =	sshll.u32 s1, $0x11  }
0xba: {  	s0 =	sor.u32 s1, s0  }
0xbb: {  	s0 =	sadd.s32 $0x8F2B, s0  }
0xbc: {  	[sflag:s0] =	ssyncadd.remote.s32 $0x1  }
0xbd: {  	_ =	sfence.sel $0xFFFF  }
0xbe: {  	[dreg:$0x0] =	wrdreg $0xFFFFFFFF;
	(pc) =	sbr.abs _section_cstart, $3  }
0xbf: {  	[dreg:$0x1] =	wrdreg $0xFFFFFFFF  }
0xc0: {  	_ =	task.clear_ibuf [dreg:s6], $0x2FFFF;
	_ =	strace $0x9FFFFFFF  }
0xc1: {  	(tm) =	ssettm $0x7FFFFFFF  }
tec
execute0_lowered:
.L_overlay_start_1:
0x0: {  	(tag) =	ssettag $0x1  }
0x1: {  	s0 =	srdreg.scid  }
0x2: {  	s3 =	sand.u32 $0x1, s0;
	s0 =	stileid.u32  }
0x3: {  	s2 =	sshll.u32 s0, $0x1;
	s4 =	ssub.s32 $0x0, s3  }
0x4: {  	p0 =	sne.s32 s2, s4  }
.Ltmp0:
0x5: {  	_ = 	snop;
	(pc) =	sbr.rel @p0 .LBB2_9-.Ltmp0, $3  }
0x6: {  	_ =	sdelay $0x1  }
0x7: {  	s7 =	rddreg [dreg:$0x0]  }
0x8: {  	s1 =	rddreg [dreg:$0x1];
	_ =	strace $0x80000047  }
0x9: {  	v0 =	vimm.s32 $0x65432100  }
0xa: {  	v1 =	vimm.s32 $0xEDCBA987;
	v2 =	vimm.s32 $0xFFEDCBA9;
	v3 =	vimm.s32 $0x87654321  }
0xb: {  	vm0 =	vcmask $0x3F3C;
	vm1 =	vmmov $0x1;
	vm2 =	vcmask $0x308  }
0xc: {  	vm3 =	vcmask $0x70C;
	vm4 =	vcmask $0xB10;
	vm5 =	vcmask $0xF14  }
0xd: {  	s2 =	sadd.s32 $0x2200, s7;
	s8 =	ssub.s32 $0x2, s3;
	vm6 =	vcmask $0x1318;
	vm7 =	vcmask $0x171C;
	v1 =	vunpack.c.l.s4.s8 v1  }
0xe: {  	s3 =	sadd.s32 $0x2400, s7;
	s4 =	sadd.s32 $0x2600, s7;
	s5 =	sadd.s32 $0x2A00, s7;
	vm8 =	vcmask $0x1B20;
	v2 =	vunpack.c.l.s4.s8 v2;
	v3 =	vunpack.c.l.s4.s8 v3  }
0xf: {  	s6 =	sadd.s32 $0x3000, s7;
	s7 =	sadd.s32 $0x2E00, s7;
	s10 =	simm.s32 $0x1;
	v4 =	vunpack.c.l.s4.s8 v0;
	v0 =	vimm.s32 $0x0;
	v5 =	vunpack.c.0.s8.s32 v1  }
0x10: {  	s11 =	simm.s32 $0x1000;
	s12 =	simm.s32 $0x6080;
	s13 =	simm.s32 $0x6100;
	v6 =	vunpack.c.0.s8.s32 v2;
	v7 =	vunpack.c.0.s8.s32 v3;
	v2 =	vlaneseq.u32  }
0x11: {  	s14 =	simm.s32 $0x2000;
	s15 =	simm.s32 $0x3800;
	s9 =	sshrl.u32 s8, $0x1;
	v4 =	vunpack.c.0.s8.s32 v4;
	v1 =	vimm.f32 $0.0e+00;
	v8 =	vor.u32 $0x20, v2  }
0x12: {  	s16 =	simm.s32 $0x5000;
	s17 =	simm.s32 $0x6000;
	s8 =	ssub.s32 s8, s9;
	v3 =	vand.u32 $0xF, v5;
	v5 =	vcombine.low v7, v6;
	v6 =	vadd.s32 $0x1, v2  }
0x13: {  	s18 =	simm.s32 $0x0;
	s9 =	simm.s32 $0x0;
	s8 =	smax.u32 s8, $0x1;
	v7 =	vor.u32 $0x10, v2;
	v3 =	vcombine.low v4, v3;
	v4 =	vor.u32 $0x80000000, v2  }
.LBB2_2:
0x14: {  	[tilespmem:s9], [sflag:$0x1] =	stream.linear.gather [hbm4b:s2+s9], $0x1000, $0x38;
	[tilespmem:$0x6180] =	vst v63  }
0x15: {  	_ =	swait.ge [sflag:s10], $0x1000  }
0x16: {  	[sflag:s10] =	ssyncset.done $0x0  }
0x17: {  	[sflag:s10] =	ssyncadd.s32 $0xFFFFF000  }
0x18: {  	[tilespmem:s11], [sflag:$0x1] =	stream.linear.gather [hbm4b:s3+s9], $0x1000, $0x38;
	[tilespmem:$0x6180] =	vst v63  }
0x19: {  	_ =	swait.ge [sflag:s10], $0x1000  }
0x1a: {  	[sflag:s10] =	ssyncset.done $0x0  }
0x1b: {  	s19 =	simm.s32 $0x40;
	s20 =	simm.s32 $0x0;
	[sflag:s10] =	ssyncadd.s32 $0xFFFFF000  }
.LBB2_3:
0x1c: {  	p0 =	sne.s32 s19, $0x5FC0;
	[tilespmem:s20+$0x2000] =	vst v0;
	s21 =	smov.u32 s19;
	s19 =	sadd.s32 $0x40, s19  }
.Ltmp1:
0x1d: {  	[tilespmem:s20+$0x3800] =	vst v1;
	(pc) =	sbr.rel @p0 .LBB2_3-.Ltmp1, $2  }
0x1e: {  	_ =	sdelay $0x2  }
0x1f: {  	s20 =	sshra.s32 s21, $0x2  }
0x20: {  	[tilespmem:s20+$0x2000] =	vst v0  }
0x21: {  	[tilespmem:s20+$0x3800] =	vst v1  }
0x22: {  	s20 =	simm.s32 $0x0;
	s19 =	simm.s32 $0x40;
	[tilespmem:$0x6080] =	vst v0  }
.LBB2_5:
0x23: {  	p0 =	sne.s32 s19, $0x3FC0;
	v9 =	vld [tilespmem:s20+$0x0];
	_ =	sdelay $0x4  }
0x24: {  	v9 =	vxor.u32 $0x80000000, v9  }
0x25: {  	(xrf1) =	vsort.ascd.msk.u32 $0xffff, v9, v2;
	_ =	sdelay $0xd  }
0x26: {  	v9, _, _ =	vpop (xrf1)  }
0x27: {  	v9 =	vxor.u32 $0x80000000, v9  }
0x28: {  	v10 =	vperm.xlane v9, v3;
	_ =	sdelay $0x1  }
0x29: {  	vm9 =	veq.s32 v9, v10  }
0x2a: {  	v10 =	vsel vm9, $0x80000000, v4  }
0x2b: {  	v11 =	vperm.xlane v9, v5;
	(xrf0) =	vmax.scan.msk.u32 $0xffff, v10;
	_ =	sdelay $0x1  }
0x2c: {  	vm9 =	vne.s32 v9, v11  }
0x2d: {  	vm9 =	vmor vm9, vm0;
	_ =	sdelay $0x1  }
.Ltmp2:
0x2e: {  	(pc) =	sbr.rel @p0 .LBB2_5-.Ltmp2, $4  }
0x2f: {  	v10, _, _ =	vpop (xrf0)  }
0x30: {  	v10 =	vxor.u32 $0x80000000, v10  }
0x31: {  	v10 =	vsub.s32 v6, v10  }
0x32: {  	s20 =	sshra.s32 s19, $0x2;
	s19 =	sadd.s32 $0x40, s19;
	[tilespmem:v9+s12+$0x0] =	vst.idx.add.s32.msk vm9, v10  }
0x33: {  	v9 =	vld [tilespmem:s20+$0x0];
	_ =	sdelay $0x4  }
0x34: {  	v9 =	vxor.u32 $0x80000000, v9  }
0x35: {  	(xrf1) =	vsort.ascd.msk.u32 $0xffff, v9, v2;
	_ =	sdelay $0xd  }
0x36: {  	v9, _, _ =	vpop (xrf1)  }
0x37: {  	v9 =	vxor.u32 $0x80000000, v9  }
0x38: {  	v10 =	vperm.xlane v9, v3;
	_ =	sdelay $0x1  }
0x39: {  	vm9 =	veq.s32 v9, v10  }
0x3a: {  	v10 =	vsel vm9, $0x80000000, v4  }
0x3b: {  	v11 =	vperm.xlane v9, v5;
	(xrf0) =	vmax.scan.msk.u32 $0xffff, v10;
	_ =	sdelay $0x1  }
0x3c: {  	vm9 =	vne.s32 v9, v11  }
0x3d: {  	vm9 =	vmor vm9, vm0;
	_ =	sdelay $0x2  }
0x3e: {  	v10, _, _ =	vpop (xrf0)  }
0x3f: {  	v10 =	vxor.u32 $0x80000000, v10  }
0x40: {  	v10 =	vsub.s32 v6, v10  }
0x41: {  	[tilespmem:v9+s12+$0x0] =	vst.idx.add.s32.msk vm9, v10  }
0x42: {  	v9 =	vld [tilespmem:$0x6080];
	_ =	sdelay $0x4  }
0x43: {  	v9 =	vadd.s32 $0xFF, v9  }
0x44: {  	v10 =	vand.u32 $0xFFFFFF00, v9  }
0x45: {  	v9 =	vshra.s32 v9, $0x8;
	(xrf0) =	vadd.scan.msk.s32 $0xffff, v10  }
0x46: {  	(xrf0) =	vadd.scan.msk.s32 $0xffff, v9;
	_ =	sdelay $0x4  }
0x47: {  	v9, _, _ =	vpop (xrf0)  }
0x48: {  	v11, _, _ =	vpop (xrf0)  }
0x49: {  	(v2sf) =	vpush v11, $0xF;
	_ =	sdelay $0x2  }
0x4a: {  	v9 =	vsub.s32 v9, v10  }
0x4b: {  	v10 =	vshra.s32 v9, $0x8  }
0x4c: {  	v12 =	vnsel vm1, $0x0, v10  }
0x4d: {  	v35 =	vsel vm2, $0x0, v10;
	(xrf0) =	vadd.scan.msk.s32 $0xffff, v12  }
0x4e: {  	v36 =	vsel vm3, $0x0, v10;
	(xrf0) =	vadd.scan.msk.s32 $0xffff, v35  }
0x4f: {  	(xrf0) =	vadd.scan.msk.s32 $0xffff, v36  }
0x50: {  	v37 =	vsel vm4, $0x0, v10  }
0x51: {  	v38 =	vsel vm5, $0x0, v10;
	(xrf0) =	vadd.scan.msk.s32 $0xffff, v37  }
0x52: {  	v39 =	vsel vm6, $0x0, v10;
	(xrf0) =	vadd.scan.msk.s32 $0xffff, v38  }
0x53: {  	v40 =	vsel vm7, $0x0, v10;
	v13, _, _ =	vpop (xrf0);
	(xrf0) =	vadd.scan.msk.s32 $0xffff, v39  }
0x54: {  	v10 =	vsel vm8, $0x0, v10;
	v15, _, _ =	vpop (xrf0);
	(xrf0) =	vadd.scan.msk.s32 $0xffff, v40  }
0x55: {  	v41, _, _ =	vpop (xrf0);
	(xrf0) =	vadd.scan.msk.s32 $0xffff, v10  }
0x56: {  	s19 =	spop (v2sf)  }
0x57: {  	v17, _, _ =	vpop (xrf0);
	s19 =	sadd.s32 $0xFFFFFFFF, s19  }
0x58: {  	v13 =	vbroadcast v13, $0xF;
	v42, _, _ =	vpop (xrf0);
	v14 =	vmov s19  }
0x59: {  	v15 =	vbroadcast v15, $0xF;
	v12 =	vbroadcast v41, $0xF;
	v19, _, _ =	vpop (xrf0);
	vm9 =	vlt.s32 v14, v2  }
0x5a: {  	v10 =	vbroadcast v17, $0xF;
	v17 =	vbroadcast v42, $0xF;
	v21, _, _ =	vpop (xrf0);
	v16 =	vsel vm9, s19, v2  }
0x5b: {  	v19 =	vbroadcast v19, $0xF;
	v21 =	vbroadcast v21, $0xF;
	v24, _, _ =	vpop (xrf0);
	vm9 =	vge.s32 v16, v13  }
0x5c: {  	v44 =	vbroadcast v24, $0xF;
	vm10 =	vge.s32 v16, v12;
	v18 =	vsel vm9, $0x1, v0  }
0x5d: {  	vm9 =	vlt.s32 v16, v15;
	v20 =	vsel vm10, $0x1, v0;
	vm10 =	vge.s32 v16, v10  }
0x5e: {  	v22 =	vsel vm10, $0x1, v0;
	v23 =	vsel vm9, $0xFFFFFFFF, v0;
	vm9 =	vge.s32 v16, v17  }
0x5f: {  	vm10 =	vge.s32 v16, v21;
	v18 =	vadd.s32 v18, v23;
	v43 =	vsel vm9, $0x1, v0  }
0x60: {  	vm9 =	vge.s32 v16, v19;
	v46 =	vsel vm10, $0x1, v0;
	vm10 =	vlt.s32 v14, v7  }
0x61: {  	v18 =	vadd.s32 v20, v18;
	v45 =	vsel vm9, $0x1, v0;
	vm9 =	vge.s32 v16, v44  }
0x62: {  	v49 =	vsel vm10, s19, v7;
	v18 =	vadd.s32 v22, v18;
	v48 =	vsel vm9, $0x1, v0  }
0x63: {  	vm9 =	vge.s32 v49, v13;
	vm10 =	vge.s32 v49, v12;
	v18 =	vadd.s32 v43, v18  }
0x64: {  	v50 =	vsel vm9, $0x1, v0;
	vm9 =	vlt.s32 v49, v15;
	v51 =	vsel vm10, $0x1, v0  }
0x65: {  	vm10 =	vge.s32 v49, v10;
	v47 =	vadd.s32 v45, v18;
	v52 =	vsel vm9, $0xFFFFFFFF, v0  }
0x66: {  	vm9 =	vge.s32 v49, v17;
	v25 =	vsel vm10, $0x1, v0;
	vm10 =	vge.s32 v49, v21  }
0x67: {  	v16 =	vadd.s32 v46, v47;
	v26 =	vsel vm9, $0x1, v0;
	v18 =	vadd.s32 v50, v52  }
0x68: {  	vm9 =	vge.s32 v49, v19;
	v54 =	vsel vm10, $0x1, v0;
	vm10 =	vlt.s32 v14, v8  }
0x69: {  	v16 =	vadd.s32 v48, v16;
	v18 =	vadd.s32 v51, v18;
	v53 =	vsel vm9, $0x1, v0  }
0x6a: {  	vm9 =	vge.s32 v49, v44;
	v56 =	vsel vm10, s19, v8;
	v18 =	vadd.s32 v25, v18  }
0x6b: {  	v55 =	vsel vm9, $0x1, v0;
	vm9 =	vge.s32 v56, v13;
	vm10 =	vlt.s32 v56, v15  }
0x6c: {  	v18 =	vadd.s32 v26, v18;
	v13 =	vsel vm9, $0x1, v0;
	vm9 =	vge.s32 v56, v12  }
0x6d: {  	v57 =	vsel vm10, $0xFFFFFFFF, v0;
	v18 =	vadd.s32 v53, v18;
	v58 =	vsel vm9, $0x1, v0  }
0x6e: {  	vm9 =	vge.s32 v56, v10;
	v10 =	vadd.s32 v13, v57;
	v18 =	vadd.s32 v54, v18  }
0x6f: {  	v59 =	vsel vm9, $0x1, v0;
	vm9 =	vge.s32 v56, v17;
	v10 =	vadd.s32 v58, v10  }
0x70: {  	v60 =	vsel vm9, $0x1, v0;
	vm9 =	vge.s32 v56, v19;
	v10 =	vadd.s32 v59, v10  }
0x71: {  	v61 =	vsel vm9, $0x1, v0;
	vm9 =	vge.s32 v56, v21;
	v10 =	vadd.s32 v60, v10  }
0x72: {  	[tilespmem:$0x6100] =	vst v9;
	v9 =	vsel vm9, $0x1, v0;
	vm9 =	vge.s32 v56, v44;
	v10 =	vadd.s32 v61, v10  }
0x73: {  	[tilespmem:$0x6000] =	vst v16;
	v62 =	vadd.s32 v55, v18;
	v63 =	vsel vm9, $0x1, v0;
	v9 =	vadd.s32 v9, v10  }
0x74: {  	[tilespmem:$0x6010] =	vst v62;
	v10 =	vbroadcast v11, $0xF;
	v9 =	vadd.s32 v63, v9  }
0x75: {  	[tilespmem:$0x6020] =	vst v9  }
0x76: {  	s19 =	simm.s32 $0x0;
	[tilespmem:$0x6030] =	vst v10  }
0x77: {  	v10 =	vld [tilespmem:s19+$0x0]  }
0x78: {  	s20 =	simm.s32 $0x1000  }
0x79: {  	s21 =	simm.s32 $0x10;
	s22 =	simm.s32 $0x0;
	v9 =	vld [tilespmem:s20+$0x0]  }
.LBB2_7:
0x7a: {  	p0 =	sne.s32 s21, $0xFF0;
	_ =	sdelay $0x1  }
0x7b: {  	v10 =	vxor.u32 $0x80000000, v10  }
0x7c: {  	(xrf1) =	vsort.ascd.msk.u32 $0xffff, v10, v2;
	_ =	sdelay $0xd  }
0x7d: {  	v10, v11, _ =	vpop (xrf1)  }
0x7e: {  	v10 =	vxor.u32 $0x80000000, v10  }
0x7f: {  	v12 =	vperm.xlane v10, v3;
	_ =	sdelay $0x1  }
0x80: {  	vm9 =	veq.s32 v10, v12  }
0x81: {  	v12 =	vsel vm9, $0x80000000, v4  }
0x82: {  	(xrf0) =	vmax.scan.msk.u32 $0xffff, v12;
	_ =	sdelay $0x1  }
0x83: {  	v12 =	vld.idx.msk [tilespmem:v10+s13+$0x0], $0xffff;
	_ =	sdelay $0x1  }
0x84: {  	v14 =	vperm.xlane v10, v5;
	_ =	sdelay $0x1  }
0x85: {  	vm9 =	vne.s32 v10, v14;
	v13, _, _ =	vpop (xrf0)  }
0x86: {  	vm9 =	vmor vm9, vm0;
	v13 =	vxor.u32 $0x80000000, v13  }
0x87: {  	v12 =	vsub.s32 v12, v13  }
0x88: {  	v13 =	vadd.s32 v2, v12;
	_ =	sdelay $0x1  }
0x89: {  	v14 =	vadd.s32 s19, v11;
	s19 =	smov.u32 s21  }
0x8a: {  	v12 =	vadd.s32 v6, v12  }
0x8b: {  	v9 =	vperm.xlane v9, v11;
	[tilespmem:v10+s13+$0x0] =	vst.idx.msk vm9, v12;
	v10 =	vand.u32 $0x7FF, v14  }
0x8c: {  	[tilespmem:v13+s14+$0x0] =	vst.idx.msk $0xffff, v10  }
.Ltmp3:
0x8d: {  	[tilespmem:v13+s15+$0x0] =	vst.idx.msk $0xffff, v9;
	(pc) =	sbr.rel @p0 .LBB2_7-.Ltmp3, $4  }
0x8e: {  	s22 =	sadd.s32 $0x10, s22;
	[tilespmem:v14+s16+$0x0] =	vst.idx.msk $0xffff, v13  }
0x8f: {  	s20 =	sadd.s32 $0x10, s20;
	v10 =	vld [tilespmem:s22+$0x0]  }
0x90: {  	v9 =	vld [tilespmem:s20+$0x0]  }
0x91: {  	s21 =	sadd.s32 $0x10, s21  }
0x92: {  	_ =	sdelay $0x1  }
0x93: {  	v10 =	vxor.u32 $0x80000000, v10  }
0x94: {  	(xrf1) =	vsort.ascd.msk.u32 $0xffff, v10, v2;
	_ =	sdelay $0xd  }
0x95: {  	v10, v11, _ =	vpop (xrf1)  }
0x96: {  	v10 =	vxor.u32 $0x80000000, v10  }
0x97: {  	v12 =	vperm.xlane v10, v3;
	_ =	sdelay $0x1  }
0x98: {  	vm9 =	veq.s32 v10, v12  }
0x99: {  	v12 =	vsel vm9, $0x80000000, v4  }
0x9a: {  	(xrf0) =	vmax.scan.msk.u32 $0xffff, v12;
	_ =	sdelay $0x2  }
0x9b: {  	v62 =	vld.idx.msk [tilespmem:v10+s13+$0x0], $0xffff  }
0x9c: {  	v13 =	vperm.xlane v10, v5;
	_ =	sdelay $0x1  }
0x9d: {  	vm9 =	vne.s32 v10, v13;
	v63, _, _ =	vpop (xrf0)  }
0x9e: {  	vm9 =	vmor vm9, vm0;
	v13 =	vxor.u32 $0x80000000, v63  }
0x9f: {  	v12 =	vsub.s32 v62, v13  }
0xa0: {  	v13 =	vadd.s32 v2, v12;
	_ =	sdelay $0x1  }
0xa1: {  	v14 =	vadd.s32 s19, v11  }
0xa2: {  	v12 =	vadd.s32 v6, v12  }
0xa3: {  	v9 =	vperm.xlane v9, v11;
	[tilespmem:v10+s13+$0x0] =	vst.idx.msk vm9, v12;
	v10 =	vand.u32 $0x7FF, v14  }
0xa4: {  	[tilespmem:v13+s14+$0x0] =	vst.idx.msk $0xffff, v10  }
0xa5: {  	[tilespmem:v13+s15+$0x0] =	vst.idx.msk $0xffff, v9  }
0xa6: {  	[tilespmem:v14+s16+$0x0] =	vst.idx.msk $0xffff, v13  }
0xa7: {  	[hbm4b:s4+s9] =	stream.linear.scatter [tilespmem:s14], [sflag:$0x1], $0x1800, $0x38;
	[tilespmem:$0x6180] =	vst v63  }
0xa8: {  	_ =	swait.ge [sflag:s10], $0x1800  }
0xa9: {  	[sflag:s10] =	ssyncset.done $0x0  }
0xaa: {  	[sflag:s10] =	ssyncadd.s32 $0xFFFFE800  }
0xab: {  	[hbm4b:s5+s9] =	stream.linear.scatter [tilespmem:s15], [sflag:$0x1], $0x1800, $0x38;
	[tilespmem:$0x6180] =	vst v63  }
0xac: {  	_ =	swait.ge [sflag:s10], $0x1800  }
0xad: {  	[sflag:s10] =	ssyncset.done $0x0  }
0xae: {  	[sflag:s10] =	ssyncadd.s32 $0xFFFFE800  }
0xaf: {  	[hbm4b:s6+s9] =	stream.linear.scatter [tilespmem:s16], [sflag:$0x1], $0x1000, $0x38;
	[tilespmem:$0x6180] =	vst v63  }
0xb0: {  	s18 =	sadd.s32 $0x1, s18;
	_ =	swait.ge [sflag:s10], $0x1000  }
0xb1: {  	p0 =	sne.s32 s18, s8;
	[sflag:s10] =	ssyncset.done $0x0  }
.Ltmp4:
0xb2: {  	[sflag:s10] =	ssyncadd.s32 $0xFFFFF000;
	(pc) =	sbr.rel @p0 .LBB2_2-.Ltmp4, $4  }
0xb3: {  	[hbm4b:s7+s9] =	stream.linear.scatter [tilespmem:s17], [sflag:$0x1], $0x80, $0x38;
	[tilespmem:$0x6180] =	vst v63  }
0xb4: {  	_ =	swait.ge [sflag:s10], $0x80  }
0xb5: {  	[sflag:s10] =	ssyncset.done $0x0  }
0xb6: {  	[sflag:s10] =	ssyncadd.s32 $0xFFFFFF80  }
.LBB2_9:
0xb7: {  	_ =	sfence.sel $0x180000  }
0xb8: {  	[bflag:$0x0] =	sbarrier.arrive $0xFFFF  }
0xb9: {  	p0 =	sne.s32 s0, $0x0;
	_ =	strace $0x90000047  }
0xba: {  	s0 =	sadd.s32 @!p0 $0x100000, s1;
	[bflag:$0x2] =	sbarrier.arrive $0xFFFF  }
0xbb: {  	[sflag:s0] =	ssyncadd.tile.s32 @!p0 $0x1;
	_ =	shalt  }
.Lfunc_end2:
_tile_overlayer_lowered:
.L_overlay_start_2:
0xbc: {  	(tag) =	ssettag $0x2  }
0xbd: {  	s0 =	rddreg [dreg:$0x0];
	s2 =	stileid.u32  }
0xbe: {  	s1 =	rddreg [dreg:$0x1];
	p0 =	sne.s32 s2, $0x0  }
0xbf: {  	s3 =	rddreg [dreg:$0x2];
	[bflag:$0x3] =	sbarrier.arrive $0xFFFF;
	s2 =	simm.s32 @!p0 $0x1C02  }
0xc0: {  	[timem:s3], [sflag:s2] =	dma.local @!p0 [hbm:s0], s1  }
0xc1: {  	s0 =	simm.s32 @!p0 $0x2  }
0xc2: {  	_ =	swait.ge @!p0 [sflag:s0], s1  }
0xc3: {  	s1 =	ssub.s32 @!p0 $0x0, s1;
	[sflag:s0] =	ssyncset.done @!p0 $0x0  }
0xc4: {  	[sflag:s0] =	ssyncadd.s32 @!p0 s1  }
0xc5: {  	[bflag:$0x3] =	sbarrier.arrive $0xFFFF  }
0xc6: {  	_ =	shalt  }

</sc_bundles>
